<compile_context>
chip_gen: v7x
topology: tpu7x:2x2x1
jax: 0.10.2.dev20260603
libtpu: 0.0.44.dev20260713+nightly
codegen_flags: <defaults>
</compile_context>

<pallas_src>
import functools

import jax
import jax.numpy as jnp
from jax import lax
from jax.experimental import pallas as pl
from jax.experimental.pallas import tpu as pltpu
from jax.experimental.pallas import tpu_sc as plsc

BATCH = 4096
MAXLEN = 200
EMBED = 64
VOCAB = 1000000
HALF = MAXLEN // 2
NUM_CORES = 2
NUM_SUBCORES = 16
NW = NUM_CORES * NUM_SUBCORES
BPW = BATCH // NW
LANES = 16
NBUF = 4
LAG = 2


def _emb_body(x_hbm, tok_hbm, pos_hbm, out_hbm, idx_v, pos_v, bufs, gsems, osems):
    wid = lax.axis_index("s") * NUM_CORES + lax.axis_index("c")
    base = wid * BPW

    pltpu.sync_copy(x_hbm.at[pl.ds(base, BPW)], idx_v)
    pltpu.sync_copy(pos_hbm, pos_v)

    def fire_gather(t, k):
        for j in range(2):
            pltpu.async_copy(
                tok_hbm.at[idx_v.at[t, j]],
                bufs.at[k, pl.ds(j * HALF, HALF)],
                gsems.at[k],
            )

    def wait_gather(t, k):
        for j in range(2):
            pltpu.make_async_copy(
                tok_hbm.at[idx_v.at[t, j]],
                bufs.at[k, pl.ds(j * HALF, HALF)],
                gsems.at[k],
            ).wait()

    def add_pos(k):
        def addrow(r, carry):
            for c in range(EMBED // LANES):
                sl = pl.ds(c * LANES, LANES)
                plsc.addupdate(bufs.at[k, r, sl], pos_v[r, sl])
            return carry

        lax.fori_loop(0, MAXLEN, addrow, 0, unroll=8)

    def fire_out(t, k):
        pltpu.async_copy(
            bufs.at[k],
            out_hbm.at[pl.ds((base + t) * MAXLEN, MAXLEN), pl.ds(0, EMBED)],
            osems.at[k],
        )

    def wait_out(k):
        pltpu.make_async_copy(
            bufs.at[k],
            out_hbm.at[pl.ds(base * MAXLEN, MAXLEN), pl.ds(0, EMBED)],
            osems.at[k],
        ).wait()

    for t in range(LAG):
        fire_gather(t, t % NBUF)

    def block(blk, carry):
        g = blk * NBUF
        for b in range(NBUF):
            t = g + b
            kf = (b + LAG) % NBUF
            tf = t + LAG

            @pl.when(tf < BPW)
            def _():
                @pl.when(tf >= NBUF)
                def _():
                    wait_out(kf)

                fire_gather(tf, kf)

            wait_gather(t, b)
            add_pos(b)
            fire_out(t, b)
        return carry

    lax.fori_loop(0, BPW // NBUF, block, 0)

    for k in range(NBUF):
        wait_out(k)


_emb = functools.partial(
    pl.kernel,
    mesh=plsc.VectorSubcoreMesh(core_axis_name="c", subcore_axis_name="s"),
    out_type=jax.ShapeDtypeStruct((BATCH * MAXLEN, 2 * EMBED), jnp.float32),
    scratch_types=[
        pltpu.VMEM((BPW, 2, HALF), jnp.int32),
        pltpu.VMEM((MAXLEN, EMBED), jnp.float32),
        pltpu.VMEM((NBUF, MAXLEN, EMBED), jnp.float32),
        pltpu.SemaphoreType.DMA((NBUF,)),
        pltpu.SemaphoreType.DMA((NBUF,)),
    ],
    compiler_params=pltpu.CompilerParams(use_tc_tiling_on_sc=False),
)(_emb_body)


HALFV = VOCAB // 2
TBLK = 2000
TGRID = HALFV // TBLK


def _pack_body(a_ref, b_ref, o_ref):
    o_ref[...] = jnp.concatenate([a_ref[...], b_ref[...]], axis=1)


def _pack_table(tt):
    return pl.pallas_call(
        _pack_body,
        grid=(TGRID,),
        in_specs=[
            pl.BlockSpec((TBLK, EMBED), lambda i: (i, 0)),
            pl.BlockSpec((TBLK, EMBED), lambda i: (i + TGRID, 0)),
        ],
        out_specs=pl.BlockSpec((TBLK, 2 * EMBED), lambda i: (i, 0)),
        out_shape=jax.ShapeDtypeStruct((HALFV, 2 * EMBED), jnp.float32),
    )(tt, tt)


def kernel(x, token_table, pos_table):
    packed = _pack_table(token_table).reshape(VOCAB, EMBED)
    xr = jnp.where(x < HALFV, 2 * x, 2 * (x - HALFV) + 1).astype(jnp.int32)
    x3 = xr.reshape(BATCH, 2, HALF)
    out = _emb(x3, packed, pos_table)
    return out.reshape(BATCH, MAXLEN, 2 * EMBED)[:, :, :EMBED]

# --- scband reference (transcript-rebuilt; emitter-appended) ---
"""Pipeline reference for scband-token-and-position-embedding-17703855194489 (READ-ONLY COPY).

The authoritative reference and input builder live on the scoring server;
editing this copy changes nothing except your own understanding.
"""

import jax, jax.numpy as jnp
import numpy as np

VOCAB = 1000000
MAXLEN = 200
EMBED_DIM = 64
BATCH = 4096

def setup_inputs(seed: int = 0) -> dict:
    key = jax.random.key(seed)
    k1, k2, k3 = jax.random.split(key, 3)
    x = jax.random.randint(k1, (BATCH, MAXLEN), 0, VOCAB, dtype=jnp.int64 if jax.config.jax_enable_x64 else jnp.int32)
    token_table = jax.random.normal(k2, (VOCAB, EMBED_DIM), dtype=jnp.float32) * 0.02
    pos_table = jax.random.normal(k3, (MAXLEN, EMBED_DIM), dtype=jnp.float32) * 0.02
    return {"x": x, "token_table": token_table, "pos_table": pos_table}

def reference(x, token_table, pos_table):
    # Token embedding: gather rows of the vocab table by token id.
    tok_emb = jnp.take(token_table, x, axis=0)  # [B, L, D]
    # Positional embedding: gather positions 0..L-1, broadcast over batch.
    seq_len = x.shape[1]
    positions = jnp.arange(seq_len)
    pos_emb = jnp.take(pos_table, positions, axis=0)  # [L, D]
    return tok_emb + pos_emb[None, :, :]

if __name__ == "__main__":
    import jax
    _d = setup_inputs()
    print(jax.jit(kernel)(*tuple(_d.values())))

</pallas_src>

<mosaic_0001>
#map = affine_map<(d0, d1) -> (0, 0, 0)>
#map1 = affine_map<(d0, d1) -> (0, 0)>
module attributes {stable_mosaic.version = 14 : i64} {
  func.func @_emb_body(%arg0: i32, %arg1: i32, %arg2: memref<4096x2x100xi32, #tpu.memory_space<hbm>>, %arg3: memref<1000000x64xf32, #tpu.memory_space<hbm>>, %arg4: memref<200x64xf32, #tpu.memory_space<hbm>>, %arg5: memref<819200x128xf32, #tpu.memory_space<hbm>>, %arg6: memref<128x2x100xi32, #tpu.memory_space<vmem>>, %arg7: memref<200x64xf32, #tpu.memory_space<vmem>>, %arg8: memref<4x200x64xf32, #tpu.memory_space<vmem>>, %arg9: memref<4x!tpu.dma_semaphore, #tpu.memory_space<semaphore_mem>>, %arg10: memref<4x!tpu.dma_semaphore, #tpu.memory_space<semaphore_mem>>) attributes {dimension_semantics = [#tpu.dimension_semantics<core_parallel>, #tpu.dimension_semantics<subcore_parallel>], iteration_bounds = array<i64: 2, 16>, scalar_prefetch = 0 : i64, scratch_operands = 5 : i64, tpu.core_type = #tpu.core_type<sc_vector_subcore>, window_params = [{transform_indices = #map}, {transform_indices = #map1}, {transform_indices = #map1}, {transform_indices = #map1}]} {
    %mul3A = arith.constant 2 : i32
    %mul3A_0 = arith.muli %arg1, %mul3A : i32
    %add3A = arith.addi %mul3A_0, %arg0 : i32
    %mul3A_1 = arith.constant 128 : i32
    %mul3A_2 = arith.muli %add3A, %mul3A_1 : i32
    "tpu.region"() ({
      %run_scoped3A = tpu.sem_alloc : memref<!tpu.dma_semaphore, #tpu.memory_space<semaphore_mem>>
      %dma_start3A_142 = arith.constant 0 : i32
      %dma_start3A_143 = arith.constant 0 : i32
      %dma_start3A_144 = tpu.memref_slice %arg2[%mul3A_2, %dma_start3A_142, %dma_start3A_143] : memref<4096x2x100xi32, #tpu.memory_space<hbm>> -> memref<128x2x100xi32, #tpu.memory_space<hbm>>
      %dma_start3A_145 = arith.constant 0 : i32
      %dma_start3A_146 = arith.constant 0 : i32
      %dma_start3A_147 = tpu.memref_slice %arg2[%mul3A_2, %dma_start3A_145, %dma_start3A_146] : memref<4096x2x100xi32, #tpu.memory_space<hbm>> -> memref<128x2x100xi32, #tpu.memory_space<hbm>>
      tpu.enqueue_dma source(%dma_start3A_147 : memref<128x2x100xi32, #tpu.memory_space<hbm>>) target(%arg6 : memref<128x2x100xi32, #tpu.memory_space<vmem>>) target_semaphore(%run_scoped3A : memref<!tpu.dma_semaphore, #tpu.memory_space<semaphore_mem>>)
      %dma_wait3A_148 = arith.constant 0 : i32
      %dma_wait3A_149 = arith.constant 0 : i32
      %dma_wait3A_150 = tpu.memref_slice %arg2[%mul3A_2, %dma_wait3A_148, %dma_wait3A_149] : memref<4096x2x100xi32, #tpu.memory_space<hbm>> -> memref<128x2x100xi32, #tpu.memory_space<hbm>>
      %dma_wait3A_151 = arith.constant 0 : i32
      %dma_wait3A_152 = arith.constant 0 : i32
      %dma_wait3A_153 = tpu.memref_slice %arg2[%mul3A_2, %dma_wait3A_151, %dma_wait3A_152] : memref<4096x2x100xi32, #tpu.memory_space<hbm>> -> memref<128x2x100xi32, #tpu.memory_space<hbm>>
      tpu.wait_dma2 semaphore(%run_scoped3A : memref<!tpu.dma_semaphore, #tpu.memory_space<semaphore_mem>>) src(%dma_wait3A_153 : memref<128x2x100xi32, #tpu.memory_space<hbm>>) dst(%arg6 : memref<128x2x100xi32, #tpu.memory_space<vmem>>)
      tpu.yield
    }) : () -> ()
    "tpu.region"() ({
      %run_scoped3A = tpu.sem_alloc : memref<!tpu.dma_semaphore, #tpu.memory_space<semaphore_mem>>
      tpu.enqueue_dma source(%arg4 : memref<200x64xf32, #tpu.memory_space<hbm>>) target(%arg7 : memref<200x64xf32, #tpu.memory_space<vmem>>) target_semaphore(%run_scoped3A : memref<!tpu.dma_semaphore, #tpu.memory_space<semaphore_mem>>)
      tpu.wait_dma2 semaphore(%run_scoped3A : memref<!tpu.dma_semaphore, #tpu.memory_space<semaphore_mem>>) src(%arg4 : memref<200x64xf32, #tpu.memory_space<hbm>>) dst(%arg7 : memref<200x64xf32, #tpu.memory_space<vmem>>)
      tpu.yield
    }) : () -> ()
    %dma_start3A = arith.constant 0 : i32
    %dma_start3A_3 = arith.constant 0 : i32
    %dma_start3A_4 = arith.constant 0 : i32
    %dma_start3A_5 = arith.constant 0 : i32
    %dma_start3A_6 = arith.constant 0 : i32
    %dma_start3A_7 = arith.constant 0 : i32
    %dma_start3A_8 = tpu.memref_slice %arg8[%dma_start3A_4, %dma_start3A_6, %dma_start3A_7] : memref<4x200x64xf32, #tpu.memory_space<vmem>> -> memref<1x100x64xf32, #tpu.memory_space<vmem>>
    %dma_start3A_9 = tpu.memref_squeeze %dma_start3A_8 : memref<1x100x64xf32, #tpu.memory_space<vmem>> -> memref<100x64xf32, #tpu.memory_space<vmem>>
    %dma_start3A_10 = arith.constant 0 : i32
    %dma_start3A_11 = tpu.memref_slice %arg6[%dma_start3A, %dma_start3A_3, %dma_start3A_10] : memref<128x2x100xi32, #tpu.memory_space<vmem>> -> memref<1x1x100xi32, #tpu.memory_space<vmem>>
    %dma_start3A_12 = tpu.memref_squeeze %dma_start3A_11 : memref<1x1x100xi32, #tpu.memory_space<vmem>> -> memref<100xi32, #tpu.memory_space<vmem>>
    %dma_start3A_13 = arith.constant 0 : i32
    %dma_start3A_14 = arith.constant 0 : i32
    %dma_start3A_15 = tpu.memref_slice %arg3[%dma_start3A_13, %dma_start3A_14] : memref<1000000x64xf32, #tpu.memory_space<hbm>> -> memref<1000000x64xf32, #tpu.memory_space<hbm>>
    %dma_start3A_16 = tpu.memref_slice %arg9[%dma_start3A_5] : memref<4x!tpu.dma_semaphore, #tpu.memory_space<semaphore_mem>> -> memref<1x!tpu.dma_semaphore, #tpu.memory_space<semaphore_mem>>
    %dma_start3A_17 = tpu.memref_squeeze %dma_start3A_16 : memref<1x!tpu.dma_semaphore, #tpu.memory_space<semaphore_mem>> -> memref<!tpu.dma_semaphore, #tpu.memory_space<semaphore_mem>>
    tpu.enqueue_indirect_dma source(%dma_start3A_15 : memref<1000000x64xf32, #tpu.memory_space<hbm>>) target(%dma_start3A_9 : memref<100x64xf32, #tpu.memory_space<vmem>>) offsets(%dma_start3A_12 : memref<100xi32, #tpu.memory_space<vmem>>) semaphore(%dma_start3A_17 : memref<!tpu.dma_semaphore, #tpu.memory_space<semaphore_mem>>)
    %dma_start3A_18 = arith.constant 0 : i32
    %dma_start3A_19 = arith.constant 1 : i32
    %dma_start3A_20 = arith.constant 0 : i32
    %dma_start3A_21 = arith.constant 0 : i32
    %dma_start3A_22 = arith.constant 100 : i32
    %dma_start3A_23 = arith.constant 0 : i32
    %dma_start3A_24 = tpu.memref_slice %arg8[%dma_start3A_20, %dma_start3A_22, %dma_start3A_23] : memref<4x200x64xf32, #tpu.memory_space<vmem>> -> memref<1x100x64xf32, #tpu.memory_space<vmem>>
    %dma_start3A_25 = tpu.memref_squeeze %dma_start3A_24 : memref<1x100x64xf32, #tpu.memory_space<vmem>> -> memref<100x64xf32, #tpu.memory_space<vmem>>
    %dma_start3A_26 = arith.constant 0 : i32
    %dma_start3A_27 = tpu.memref_slice %arg6[%dma_start3A_18, %dma_start3A_19, %dma_start3A_26] : memref<128x2x100xi32, #tpu.memory_space<vmem>> -> memref<1x1x100xi32, #tpu.memory_space<vmem>>
    %dma_start3A_28 = tpu.memref_squeeze %dma_start3A_27 : memref<1x1x100xi32, #tpu.memory_space<vmem>> -> memref<100xi32, #tpu.memory_space<vmem>>
    %dma_start3A_29 = arith.constant 0 : i32
    %dma_start3A_30 = arith.constant 0 : i32
    %dma_start3A_31 = tpu.memref_slice %arg3[%dma_start3A_29, %dma_start3A_30] : memref<1000000x64xf32, #tpu.memory_space<hbm>> -> memref<1000000x64xf32, #tpu.memory_space<hbm>>
    %dma_start3A_32 = tpu.memref_slice %arg9[%dma_start3A_21] : memref<4x!tpu.dma_semaphore, #tpu.memory_space<semaphore_mem>> -> memref<1x!tpu.dma_semaphore, #tpu.memory_space<semaphore_mem>>
    %dma_start3A_33 = tpu.memref_squeeze %dma_start3A_32 : memref<1x!tpu.dma_semaphore, #tpu.memory_space<semaphore_mem>> -> memref<!tpu.dma_semaphore, #tpu.memory_space<semaphore_mem>>
    tpu.enqueue_indirect_dma source(%dma_start3A_31 : memref<1000000x64xf32, #tpu.memory_space<hbm>>) target(%dma_start3A_25 : memref<100x64xf32, #tpu.memory_space<vmem>>) offsets(%dma_start3A_28 : memref<100xi32, #tpu.memory_space<vmem>>) semaphore(%dma_start3A_33 : memref<!tpu.dma_semaphore, #tpu.memory_space<semaphore_mem>>)
    %dma_start3A_34 = arith.constant 1 : i32
    %dma_start3A_35 = arith.constant 0 : i32
    %dma_start3A_36 = arith.constant 1 : i32
    %dma_start3A_37 = arith.constant 1 : i32
    %dma_start3A_38 = arith.constant 0 : i32
    %dma_start3A_39 = arith.constant 0 : i32
    %dma_start3A_40 = tpu.memref_slice %arg8[%dma_start3A_36, %dma_start3A_38, %dma_start3A_39] : memref<4x200x64xf32, #tpu.memory_space<vmem>> -> memref<1x100x64xf32, #tpu.memory_space<vmem>>
    %dma_start3A_41 = tpu.memref_squeeze %dma_start3A_40 : memref<1x100x64xf32, #tpu.memory_space<vmem>> -> memref<100x64xf32, #tpu.memory_space<vmem>>
    %dma_start3A_42 = arith.constant 0 : i32
    %dma_start3A_43 = tpu.memref_slice %arg6[%dma_start3A_34, %dma_start3A_35, %dma_start3A_42] : memref<128x2x100xi32, #tpu.memory_space<vmem>> -> memref<1x1x100xi32, #tpu.memory_space<vmem>>
    %dma_start3A_44 = tpu.memref_squeeze %dma_start3A_43 : memref<1x1x100xi32, #tpu.memory_space<vmem>> -> memref<100xi32, #tpu.memory_space<vmem>>
    %dma_start3A_45 = arith.constant 0 : i32
    %dma_start3A_46 = arith.constant 0 : i32
    %dma_start3A_47 = tpu.memref_slice %arg3[%dma_start3A_45, %dma_start3A_46] : memref<1000000x64xf32, #tpu.memory_space<hbm>> -> memref<1000000x64xf32, #tpu.memory_space<hbm>>
    %dma_start3A_48 = tpu.memref_slice %arg9[%dma_start3A_37] : memref<4x!tpu.dma_semaphore, #tpu.memory_space<semaphore_mem>> -> memref<1x!tpu.dma_semaphore, #tpu.memory_space<semaphore_mem>>
    %dma_start3A_49 = tpu.memref_squeeze %dma_start3A_48 : memref<1x!tpu.dma_semaphore, #tpu.memory_space<semaphore_mem>> -> memref<!tpu.dma_semaphore, #tpu.memory_space<semaphore_mem>>
    tpu.enqueue_indirect_dma source(%dma_start3A_47 : memref<1000000x64xf32, #tpu.memory_space<hbm>>) target(%dma_start3A_41 : memref<100x64xf32, #tpu.memory_space<vmem>>) offsets(%dma_start3A_44 : memref<100xi32, #tpu.memory_space<vmem>>) semaphore(%dma_start3A_49 : memref<!tpu.dma_semaphore, #tpu.memory_space<semaphore_mem>>)
    %dma_start3A_50 = arith.constant 1 : i32
    %dma_start3A_51 = arith.constant 1 : i32
    %dma_start3A_52 = arith.constant 1 : i32
    %dma_start3A_53 = arith.constant 1 : i32
    %dma_start3A_54 = arith.constant 100 : i32
    %dma_start3A_55 = arith.constant 0 : i32
    %dma_start3A_56 = tpu.memref_slice %arg8[%dma_start3A_52, %dma_start3A_54, %dma_start3A_55] : memref<4x200x64xf32, #tpu.memory_space<vmem>> -> memref<1x100x64xf32, #tpu.memory_space<vmem>>
    %dma_start3A_57 = tpu.memref_squeeze %dma_start3A_56 : memref<1x100x64xf32, #tpu.memory_space<vmem>> -> memref<100x64xf32, #tpu.memory_space<vmem>>
    %dma_start3A_58 = arith.constant 0 : i32
    %dma_start3A_59 = tpu.memref_slice %arg6[%dma_start3A_50, %dma_start3A_51, %dma_start3A_58] : memref<128x2x100xi32, #tpu.memory_space<vmem>> -> memref<1x1x100xi32, #tpu.memory_space<vmem>>
    %dma_start3A_60 = tpu.memref_squeeze %dma_start3A_59 : memref<1x1x100xi32, #tpu.memory_space<vmem>> -> memref<100xi32, #tpu.memory_space<vmem>>
    %dma_start3A_61 = arith.constant 0 : i32
    %dma_start3A_62 = arith.constant 0 : i32
    %dma_start3A_63 = tpu.memref_slice %arg3[%dma_start3A_61, %dma_start3A_62] : memref<1000000x64xf32, #tpu.memory_space<hbm>> -> memref<1000000x64xf32, #tpu.memory_space<hbm>>
    %dma_start3A_64 = tpu.memref_slice %arg9[%dma_start3A_53] : memref<4x!tpu.dma_semaphore, #tpu.memory_space<semaphore_mem>> -> memref<1x!tpu.dma_semaphore, #tpu.memory_space<semaphore_mem>>
    %dma_start3A_65 = tpu.memref_squeeze %dma_start3A_64 : memref<1x!tpu.dma_semaphore, #tpu.memory_space<semaphore_mem>> -> memref<!tpu.dma_semaphore, #tpu.memory_space<semaphore_mem>>
    tpu.enqueue_indirect_dma source(%dma_start3A_63 : memref<1000000x64xf32, #tpu.memory_space<hbm>>) target(%dma_start3A_57 : memref<100x64xf32, #tpu.memory_space<vmem>>) offsets(%dma_start3A_60 : memref<100xi32, #tpu.memory_space<vmem>>) semaphore(%dma_start3A_65 : memref<!tpu.dma_semaphore, #tpu.memory_space<semaphore_mem>>)
    %scan3A = arith.constant 0 : i32
    %scan3A_66 = arith.constant 0 : i32
    %scan3A_67 = arith.constant 32 : i32
    %scan3A_68 = arith.addi %scan3A_66, %scan3A_67 : i32
    %scan3A_69 = arith.constant 1 : i32
    scf.for %scan3A_142 = %scan3A_66 to %scan3A_68 step %scan3A_69  : i32 {
      %mul3A_143 = arith.constant 4 : i32
      %mul3A_144 = arith.muli %scan3A_142, %mul3A_143 : i32
      %add3A_145 = arith.constant 0 : i32
      %add3A_146 = arith.addi %mul3A_144, %add3A_145 : i32
      %add3A_147 = arith.constant 2 : i32
      %add3A_148 = arith.addi %add3A_146, %add3A_147 : i32
      %lt3A = arith.constant 128 : i32
      %lt3A_149 = arith.cmpi slt, %add3A_148, %lt3A : i32
      %convert_element_type3A = arith.extui %lt3A_149 : i1 to i32
      %cond3A = arith.constant 0 : i32
      %cond3A_150 = arith.cmpi ne, %convert_element_type3A, %cond3A : i32
      scf.if %cond3A_150 {
        %ge3A = arith.constant 4 : i32
        %ge3A_398 = arith.cmpi sge, %add3A_148, %ge3A : i32
        %convert_element_type3A_399 = arith.extui %ge3A_398 : i1 to i32
        %cond3A_400 = arith.constant 0 : i32
        %cond3A_401 = arith.cmpi ne, %convert_element_type3A_399, %cond3A_400 : i32
        scf.if %cond3A_401 {
          %mul3A_432 = arith.constant 200 : i32
          %mul3A_433 = arith.muli %mul3A_2, %mul3A_432 : i32
          %dma_wait3A_434 = arith.constant 2 : i32
          %dma_wait3A_435 = arith.constant 2 : i32
          %dma_wait3A_436 = arith.constant 0 : i32
          %dma_wait3A_437 = arith.constant 0 : i32
          %dma_wait3A_438 = tpu.memref_slice %arg8[%dma_wait3A_434, %dma_wait3A_436, %dma_wait3A_437] : memref<4x200x64xf32, #tpu.memory_space<vmem>> -> memref<1x200x64xf32, #tpu.memory_space<vmem>>
          %dma_wait3A_439 = tpu.memref_squeeze %dma_wait3A_438 : memref<1x200x64xf32, #tpu.memory_space<vmem>> -> memref<200x64xf32, #tpu.memory_space<vmem>>
          %dma_wait3A_440 = arith.constant 0 : i32
          %dma_wait3A_441 = tpu.memref_slice %arg5[%mul3A_433, %dma_wait3A_440] : memref<819200x128xf32, #tpu.memory_space<hbm>> -> memref<200x64xf32, #tpu.memory_space<hbm>>
          %dma_wait3A_442 = tpu.memref_slice %arg10[%dma_wait3A_435] : memref<4x!tpu.dma_semaphore, #tpu.memory_space<semaphore_mem>> -> memref<1x!tpu.dma_semaphore, #tpu.memory_space<semaphore_mem>>
          %dma_wait3A_443 = tpu.memref_squeeze %dma_wait3A_442 : memref<1x!tpu.dma_semaphore, #tpu.memory_space<semaphore_mem>> -> memref<!tpu.dma_semaphore, #tpu.memory_space<semaphore_mem>>
          %dma_wait3A_444 = arith.constant 0 : i32
          %dma_wait3A_445 = tpu.memref_slice %arg5[%mul3A_433, %dma_wait3A_444] : memref<819200x128xf32, #tpu.memory_space<hbm>> -> memref<200x64xf32, #tpu.memory_space<hbm>>
          %dma_wait3A_446 = arith.constant 0 : i32
          %dma_wait3A_447 = arith.constant 0 : i32
          %dma_wait3A_448 = tpu.memref_slice %arg8[%dma_wait3A_434, %dma_wait3A_446, %dma_wait3A_447] : memref<4x200x64xf32, #tpu.memory_space<vmem>> -> memref<1x200x64xf32, #tpu.memory_space<vmem>>
          %dma_wait3A_449 = tpu.memref_squeeze %dma_wait3A_448 : memref<1x200x64xf32, #tpu.memory_space<vmem>> -> memref<200x64xf32, #tpu.memory_space<vmem>>
          tpu.wait_dma2 semaphore(%dma_wait3A_443 : memref<!tpu.dma_semaphore, #tpu.memory_space<semaphore_mem>>) src(%dma_wait3A_449 : memref<200x64xf32, #tpu.memory_space<vmem>>) dst(%dma_wait3A_445 : memref<200x64xf32, #tpu.memory_space<hbm>>)
        } else {
        }
        %dma_start3A_402 = arith.constant 0 : i32
        %dma_start3A_403 = arith.constant 2 : i32
        %dma_start3A_404 = arith.constant 2 : i32
        %dma_start3A_405 = arith.constant 0 : i32
        %dma_start3A_406 = arith.constant 0 : i32
        %dma_start3A_407 = tpu.memref_slice %arg8[%dma_start3A_403, %dma_start3A_405, %dma_start3A_406] : memref<4x200x64xf32, #tpu.memory_space<vmem>> -> memref<1x100x64xf32, #tpu.memory_space<vmem>>
        %dma_start3A_408 = tpu.memref_squeeze %dma_start3A_407 : memref<1x100x64xf32, #tpu.memory_space<vmem>> -> memref<100x64xf32, #tpu.memory_space<vmem>>
        %dma_start3A_409 = arith.constant 0 : i32
        %dma_start3A_410 = tpu.memref_slice %arg6[%add3A_148, %dma_start3A_402, %dma_start3A_409] : memref<128x2x100xi32, #tpu.memory_space<vmem>> -> memref<1x1x100xi32, #tpu.memory_space<vmem>>
        %dma_start3A_411 = tpu.memref_squeeze %dma_start3A_410 : memref<1x1x100xi32, #tpu.memory_space<vmem>> -> memref<100xi32, #tpu.memory_space<vmem>>
        %dma_start3A_412 = arith.constant 0 : i32
        %dma_start3A_413 = arith.constant 0 : i32
        %dma_start3A_414 = tpu.memref_slice %arg3[%dma_start3A_412, %dma_start3A_413] : memref<1000000x64xf32, #tpu.memory_space<hbm>> -> memref<1000000x64xf32, #tpu.memory_space<hbm>>
        %dma_start3A_415 = tpu.memref_slice %arg9[%dma_start3A_404] : memref<4x!tpu.dma_semaphore, #tpu.memory_space<semaphore_mem>> -> memref<1x!tpu.dma_semaphore, #tpu.memory_space<semaphore_mem>>
        %dma_start3A_416 = tpu.memref_squeeze %dma_start3A_415 : memref<1x!tpu.dma_semaphore, #tpu.memory_space<semaphore_mem>> -> memref<!tpu.dma_semaphore, #tpu.memory_space<semaphore_mem>>
        tpu.enqueue_indirect_dma source(%dma_start3A_414 : memref<1000000x64xf32, #tpu.memory_space<hbm>>) target(%dma_start3A_408 : memref<100x64xf32, #tpu.memory_space<vmem>>) offsets(%dma_start3A_411 : memref<100xi32, #tpu.memory_space<vmem>>) semaphore(%dma_start3A_416 : memref<!tpu.dma_semaphore, #tpu.memory_space<semaphore_mem>>)
        %dma_start3A_417 = arith.constant 1 : i32
        %dma_start3A_418 = arith.constant 2 : i32
        %dma_start3A_419 = arith.constant 2 : i32
        %dma_start3A_420 = arith.constant 100 : i32
        %dma_start3A_421 = arith.constant 0 : i32
        %dma_start3A_422 = tpu.memref_slice %arg8[%dma_start3A_418, %dma_start3A_420, %dma_start3A_421] : memref<4x200x64xf32, #tpu.memory_space<vmem>> -> memref<1x100x64xf32, #tpu.memory_space<vmem>>
        %dma_start3A_423 = tpu.memref_squeeze %dma_start3A_422 : memref<1x100x64xf32, #tpu.memory_space<vmem>> -> memref<100x64xf32, #tpu.memory_space<vmem>>
        %dma_start3A_424 = arith.constant 0 : i32
        %dma_start3A_425 = tpu.memref_slice %arg6[%add3A_148, %dma_start3A_417, %dma_start3A_424] : memref<128x2x100xi32, #tpu.memory_space<vmem>> -> memref<1x1x100xi32, #tpu.memory_space<vmem>>
        %dma_start3A_426 = tpu.memref_squeeze %dma_start3A_425 : memref<1x1x100xi32, #tpu.memory_space<vmem>> -> memref<100xi32, #tpu.memory_space<vmem>>
        %dma_start3A_427 = arith.constant 0 : i32
        %dma_start3A_428 = arith.constant 0 : i32
        %dma_start3A_429 = tpu.memref_slice %arg3[%dma_start3A_427, %dma_start3A_428] : memref<1000000x64xf32, #tpu.memory_space<hbm>> -> memref<1000000x64xf32, #tpu.memory_space<hbm>>
        %dma_start3A_430 = tpu.memref_slice %arg9[%dma_start3A_419] : memref<4x!tpu.dma_semaphore, #tpu.memory_space<semaphore_mem>> -> memref<1x!tpu.dma_semaphore, #tpu.memory_space<semaphore_mem>>
        %dma_start3A_431 = tpu.memref_squeeze %dma_start3A_430 : memref<1x!tpu.dma_semaphore, #tpu.memory_space<semaphore_mem>> -> memref<!tpu.dma_semaphore, #tpu.memory_space<semaphore_mem>>
        tpu.enqueue_indirect_dma source(%dma_start3A_429 : memref<1000000x64xf32, #tpu.memory_space<hbm>>) target(%dma_start3A_423 : memref<100x64xf32, #tpu.memory_space<vmem>>) offsets(%dma_start3A_426 : memref<100xi32, #tpu.memory_space<vmem>>) semaphore(%dma_start3A_431 : memref<!tpu.dma_semaphore, #tpu.memory_space<semaphore_mem>>)
      } else {
      }
      %dma_wait3A_151 = arith.constant 0 : i32
      %dma_wait3A_152 = arith.constant 0 : i32
      %dma_wait3A_153 = arith.constant 0 : i32
      %dma_wait3A_154 = arith.constant 0 : i32
      %dma_wait3A_155 = arith.constant 0 : i32
      %dma_wait3A_156 = tpu.memref_slice %arg8[%dma_wait3A_152, %dma_wait3A_154, %dma_wait3A_155] : memref<4x200x64xf32, #tpu.memory_space<vmem>> -> memref<1x100x64xf32, #tpu.memory_space<vmem>>
      %dma_wait3A_157 = tpu.memref_squeeze %dma_wait3A_156 : memref<1x100x64xf32, #tpu.memory_space<vmem>> -> memref<100x64xf32, #tpu.memory_space<vmem>>
      %dma_wait3A_158 = arith.constant 0 : i32
      %dma_wait3A_159 = tpu.memref_slice %arg6[%add3A_146, %dma_wait3A_151, %dma_wait3A_158] : memref<128x2x100xi32, #tpu.memory_space<vmem>> -> memref<1x1x100xi32, #tpu.memory_space<vmem>>
      %dma_wait3A_160 = tpu.memref_squeeze %dma_wait3A_159 : memref<1x1x100xi32, #tpu.memory_space<vmem>> -> memref<100xi32, #tpu.memory_space<vmem>>
      %dma_wait3A_161 = arith.constant 0 : i32
      %dma_wait3A_162 = arith.constant 0 : i32
      %dma_wait3A_163 = tpu.memref_slice %arg3[%dma_wait3A_161, %dma_wait3A_162] : memref<1000000x64xf32, #tpu.memory_space<hbm>> -> memref<1000000x64xf32, #tpu.memory_space<hbm>>
      %dma_wait3A_164 = tpu.memref_slice %arg9[%dma_wait3A_153] : memref<4x!tpu.dma_semaphore, #tpu.memory_space<semaphore_mem>> -> memref<1x!tpu.dma_semaphore, #tpu.memory_space<semaphore_mem>>
      %dma_wait3A_165 = tpu.memref_squeeze %dma_wait3A_164 : memref<1x!tpu.dma_semaphore, #tpu.memory_space<semaphore_mem>> -> memref<!tpu.dma_semaphore, #tpu.memory_space<semaphore_mem>>
      tpu.wait_indirect_dma semaphore(%dma_wait3A_165 : memref<!tpu.dma_semaphore, #tpu.memory_space<semaphore_mem>>) src(%dma_wait3A_163 : memref<1000000x64xf32, #tpu.memory_space<hbm>>) dst(%dma_wait3A_157 : memref<100x64xf32, #tpu.memory_space<vmem>>)
      %dma_wait3A_166 = arith.constant 1 : i32
      %dma_wait3A_167 = arith.constant 0 : i32
      %dma_wait3A_168 = arith.constant 0 : i32
      %dma_wait3A_169 = arith.constant 100 : i32
      %dma_wait3A_170 = arith.constant 0 : i32
      %dma_wait3A_171 = tpu.memref_slice %arg8[%dma_wait3A_167, %dma_wait3A_169, %dma_wait3A_170] : memref<4x200x64xf32, #tpu.memory_space<vmem>> -> memref<1x100x64xf32, #tpu.memory_space<vmem>>
      %dma_wait3A_172 = tpu.memref_squeeze %dma_wait3A_171 : memref<1x100x64xf32, #tpu.memory_space<vmem>> -> memref<100x64xf32, #tpu.memory_space<vmem>>
      %dma_wait3A_173 = arith.constant 0 : i32
      %dma_wait3A_174 = tpu.memref_slice %arg6[%add3A_146, %dma_wait3A_166, %dma_wait3A_173] : memref<128x2x100xi32, #tpu.memory_space<vmem>> -> memref<1x1x100xi32, #tpu.memory_space<vmem>>
      %dma_wait3A_175 = tpu.memref_squeeze %dma_wait3A_174 : memref<1x1x100xi32, #tpu.memory_space<vmem>> -> memref<100xi32, #tpu.memory_space<vmem>>
      %dma_wait3A_176 = arith.constant 0 : i32
      %dma_wait3A_177 = arith.constant 0 : i32
      %dma_wait3A_178 = tpu.memref_slice %arg3[%dma_wait3A_176, %dma_wait3A_177] : memref<1000000x64xf32, #tpu.memory_space<hbm>> -> memref<1000000x64xf32, #tpu.memory_space<hbm>>
      %dma_wait3A_179 = tpu.memref_slice %arg9[%dma_wait3A_168] : memref<4x!tpu.dma_semaphore, #tpu.memory_space<semaphore_mem>> -> memref<1x!tpu.dma_semaphore, #tpu.memory_space<semaphore_mem>>
      %dma_wait3A_180 = tpu.memref_squeeze %dma_wait3A_179 : memref<1x!tpu.dma_semaphore, #tpu.memory_space<semaphore_mem>> -> memref<!tpu.dma_semaphore, #tpu.memory_space<semaphore_mem>>
      tpu.wait_indirect_dma semaphore(%dma_wait3A_180 : memref<!tpu.dma_semaphore, #tpu.memory_space<semaphore_mem>>) src(%dma_wait3A_178 : memref<1000000x64xf32, #tpu.memory_space<hbm>>) dst(%dma_wait3A_172 : memref<100x64xf32, #tpu.memory_space<vmem>>)
      %scan3A_181 = arith.constant 0 : i32
      %scan3A_182 = arith.constant 0 : i32
      %scan3A_183 = arith.constant 200 : i32
      %scan3A_184 = arith.addi %scan3A_182, %scan3A_183 : i32
      %scan3A_185 = arith.constant 8 : i32
      scf.for %scan3A_398 = %scan3A_182 to %scan3A_184 step %scan3A_185  : i32 {
        %get3A = arith.index_cast %scan3A_398 : i32 to index
        %get3A_399 = arith.constant 0 : index
        %get3A_400 = tpu.vector_load %arg7[%get3A, %get3A_399] {strides = array<i32>} : memref<200x64xf32, #tpu.memory_space<vmem>>, vector<1x16xf32>,
        %get3A_401 = vector.shape_cast %get3A_400 : vector<1x16xf32> to vector<16xf32>
        %swap3A = arith.constant 0 : i32
        %swap3A_402 = arith.index_cast %swap3A : i32 to index
        %swap3A_403 = arith.index_cast %scan3A_398 : i32 to index
        %swap3A_404 = arith.constant 0 : index
        %swap3A_405 = tpu.vector_load %arg8[%swap3A_402, %swap3A_403, %swap3A_404] {strides = array<i32>} : memref<4x200x64xf32, #tpu.memory_space<vmem>>, vector<1x1x16xf32>,
        %swap3A_406 = vector.shape_cast %swap3A_405 : vector<1x1x16xf32> to vector<16xf32>
        %swap3A_407 = vector.shape_cast %get3A_401 : vector<16xf32> to vector<1x1x16xf32>
        tpu.vector_store %arg8[%swap3A_402, %swap3A_403, %swap3A_404], %swap3A_407 {add = true, strides = array<i32>} : memref<4x200x64xf32, #tpu.memory_space<vmem>>, vector<1x1x16xf32>,
        %get3A_408 = arith.index_cast %scan3A_398 : i32 to index
        %get3A_409 = arith.constant 16 : index
        %get3A_410 = tpu.vector_load %arg7[%get3A_408, %get3A_409] {strides = array<i32>} : memref<200x64xf32, #tpu.memory_space<vmem>>, vector<1x16xf32>,
        %get3A_411 = vector.shape_cast %get3A_410 : vector<1x16xf32> to vector<16xf32>
        %swap3A_412 = arith.constant 0 : i32
        %swap3A_413 = arith.index_cast %swap3A_412 : i32 to index
        %swap3A_414 = arith.index_cast %scan3A_398 : i32 to index
        %swap3A_415 = arith.constant 16 : index
        %swap3A_416 = tpu.vector_load %arg8[%swap3A_413, %swap3A_414, %swap3A_415] {strides = array<i32>} : memref<4x200x64xf32, #tpu.memory_space<vmem>>, vector<1x1x16xf32>,
        %swap3A_417 = vector.shape_cast %swap3A_416 : vector<1x1x16xf32> to vector<16xf32>
        %swap3A_418 = vector.shape_cast %get3A_411 : vector<16xf32> to vector<1x1x16xf32>
        tpu.vector_store %arg8[%swap3A_413, %swap3A_414, %swap3A_415], %swap3A_418 {add = true, strides = array<i32>} : memref<4x200x64xf32, #tpu.memory_space<vmem>>, vector<1x1x16xf32>,
        %get3A_419 = arith.index_cast %scan3A_398 : i32 to index
        %get3A_420 = arith.constant 32 : index
        %get3A_421 = tpu.vector_load %arg7[%get3A_419, %get3A_420] {strides = array<i32>} : memref<200x64xf32, #tpu.memory_space<vmem>>, vector<1x16xf32>,
        %get3A_422 = vector.shape_cast %get3A_421 : vector<1x16xf32> to vector<16xf32>
        %swap3A_423 = arith.constant 0 : i32
        %swap3A_424 = arith.index_cast %swap3A_423 : i32 to index
        %swap3A_425 = arith.index_cast %scan3A_398 : i32 to index
        %swap3A_426 = arith.constant 32 : index
        %swap3A_427 = tpu.vector_load %arg8[%swap3A_424, %swap3A_425, %swap3A_426] {strides = array<i32>} : memref<4x200x64xf32, #tpu.memory_space<vmem>>, vector<1x1x16xf32>,
        %swap3A_428 = vector.shape_cast %swap3A_427 : vector<1x1x16xf32> to vector<16xf32>
        %swap3A_429 = vector.shape_cast %get3A_422 : vector<16xf32> to vector<1x1x16xf32>
        tpu.vector_store %arg8[%swap3A_424, %swap3A_425, %swap3A_426], %swap3A_429 {add = true, strides = array<i32>} : memref<4x200x64xf32, #tpu.memory_space<vmem>>, vector<1x1x16xf32>,
        %get3A_430 = arith.index_cast %scan3A_398 : i32 to index
        %get3A_431 = arith.constant 48 : index
        %get3A_432 = tpu.vector_load %arg7[%get3A_430, %get3A_431] {strides = array<i32>} : memref<200x64xf32, #tpu.memory_space<vmem>>, vector<1x16xf32>,
        %get3A_433 = vector.shape_cast %get3A_432 : vector<1x16xf32> to vector<16xf32>
        %swap3A_434 = arith.constant 0 : i32
        %swap3A_435 = arith.index_cast %swap3A_434 : i32 to index
        %swap3A_436 = arith.index_cast %scan3A_398 : i32 to index
        %swap3A_437 = arith.constant 48 : index
        %swap3A_438 = tpu.vector_load %arg8[%swap3A_435, %swap3A_436, %swap3A_437] {strides = array<i32>} : memref<4x200x64xf32, #tpu.memory_space<vmem>>, vector<1x1x16xf32>,
        %swap3A_439 = vector.shape_cast %swap3A_438 : vector<1x1x16xf32> to vector<16xf32>
        %swap3A_440 = vector.shape_cast %get3A_433 : vector<16xf32> to vector<1x1x16xf32>
        tpu.vector_store %arg8[%swap3A_435, %swap3A_436, %swap3A_437], %swap3A_440 {add = true, strides = array<i32>} : memref<4x200x64xf32, #tpu.memory_space<vmem>>, vector<1x1x16xf32>,
        %scan3A_441 = arith.constant 1 : i32
        %scan3A_442 = arith.addi %scan3A_398, %scan3A_441 : i32
        %get3A_443 = arith.index_cast %scan3A_442 : i32 to index
        %get3A_444 = arith.constant 0 : index
        %get3A_445 = tpu.vector_load %arg7[%get3A_443, %get3A_444] {strides = array<i32>} : memref<200x64xf32, #tpu.memory_space<vmem>>, vector<1x16xf32>,
        %get3A_446 = vector.shape_cast %get3A_445 : vector<1x16xf32> to vector<16xf32>
        %swap3A_447 = arith.constant 0 : i32
        %swap3A_448 = arith.index_cast %swap3A_447 : i32 to index
        %swap3A_449 = arith.index_cast %scan3A_442 : i32 to index
        %swap3A_450 = arith.constant 0 : index
        %swap3A_451 = tpu.vector_load %arg8[%swap3A_448, %swap3A_449, %swap3A_450] {strides = array<i32>} : memref<4x200x64xf32, #tpu.memory_space<vmem>>, vector<1x1x16xf32>,
        %swap3A_452 = vector.shape_cast %swap3A_451 : vector<1x1x16xf32> to vector<16xf32>
        %swap3A_453 = vector.shape_cast %get3A_446 : vector<16xf32> to vector<1x1x16xf32>
        tpu.vector_store %arg8[%swap3A_448, %swap3A_449, %swap3A_450], %swap3A_453 {add = true, strides = array<i32>} : memref<4x200x64xf32, #tpu.memory_space<vmem>>, vector<1x1x16xf32>,
        %get3A_454 = arith.index_cast %scan3A_442 : i32 to index
        %get3A_455 = arith.constant 16 : index
        %get3A_456 = tpu.vector_load %arg7[%get3A_454, %get3A_455] {strides = array<i32>} : memref<200x64xf32, #tpu.memory_space<vmem>>, vector<1x16xf32>,
        %get3A_457 = vector.shape_cast %get3A_456 : vector<1x16xf32> to vector<16xf32>
        %swap3A_458 = arith.constant 0 : i32
        %swap3A_459 = arith.index_cast %swap3A_458 : i32 to index
        %swap3A_460 = arith.index_cast %scan3A_442 : i32 to index
        %swap3A_461 = arith.constant 16 : index
        %swap3A_462 = tpu.vector_load %arg8[%swap3A_459, %swap3A_460, %swap3A_461] {strides = array<i32>} : memref<4x200x64xf32, #tpu.memory_space<vmem>>, vector<1x1x16xf32>,
        %swap3A_463 = vector.shape_cast %swap3A_462 : vector<1x1x16xf32> to vector<16xf32>
        %swap3A_464 = vector.shape_cast %get3A_457 : vector<16xf32> to vector<1x1x16xf32>
        tpu.vector_store %arg8[%swap3A_459, %swap3A_460, %swap3A_461], %swap3A_464 {add = true, strides = array<i32>} : memref<4x200x64xf32, #tpu.memory_space<vmem>>, vector<1x1x16xf32>,
        %get3A_465 = arith.index_cast %scan3A_442 : i32 to index
        %get3A_466 = arith.constant 32 : index
        %get3A_467 = tpu.vector_load %arg7[%get3A_465, %get3A_466] {strides = array<i32>} : memref<200x64xf32, #tpu.memory_space<vmem>>, vector<1x16xf32>,
        %get3A_468 = vector.shape_cast %get3A_467 : vector<1x16xf32> to vector<16xf32>
        %swap3A_469 = arith.constant 0 : i32
        %swap3A_470 = arith.index_cast %swap3A_469 : i32 to index
        %swap3A_471 = arith.index_cast %scan3A_442 : i32 to index
        %swap3A_472 = arith.constant 32 : index
        %swap3A_473 = tpu.vector_load %arg8[%swap3A_470, %swap3A_471, %swap3A_472] {strides = array<i32>} : memref<4x200x64xf32, #tpu.memory_space<vmem>>, vector<1x1x16xf32>,
        %swap3A_474 = vector.shape_cast %swap3A_473 : vector<1x1x16xf32> to vector<16xf32>
        %swap3A_475 = vector.shape_cast %get3A_468 : vector<16xf32> to vector<1x1x16xf32>
        tpu.vector_store %arg8[%swap3A_470, %swap3A_471, %swap3A_472], %swap3A_475 {add = true, strides = array<i32>} : memref<4x200x64xf32, #tpu.memory_space<vmem>>, vector<1x1x16xf32>,
        %get3A_476 = arith.index_cast %scan3A_442 : i32 to index
        %get3A_477 = arith.constant 48 : index
        %get3A_478 = tpu.vector_load %arg7[%get3A_476, %get3A_477] {strides = array<i32>} : memref<200x64xf32, #tpu.memory_space<vmem>>, vector<1x16xf32>,
        %get3A_479 = vector.shape_cast %get3A_478 : vector<1x16xf32> to vector<16xf32>
        %swap3A_480 = arith.constant 0 : i32
        %swap3A_481 = arith.index_cast %swap3A_480 : i32 to index
        %swap3A_482 = arith.index_cast %scan3A_442 : i32 to index
        %swap3A_483 = arith.constant 48 : index
        %swap3A_484 = tpu.vector_load %arg8[%swap3A_481, %swap3A_482, %swap3A_483] {strides = array<i32>} : memref<4x200x64xf32, #tpu.memory_space<vmem>>, vector<1x1x16xf32>,
        %swap3A_485 = vector.shape_cast %swap3A_484 : vector<1x1x16xf32> to vector<16xf32>
        %swap3A_486 = vector.shape_cast %get3A_479 : vector<16xf32> to vector<1x1x16xf32>
        tpu.vector_store %arg8[%swap3A_481, %swap3A_482, %swap3A_483], %swap3A_486 {add = true, strides = array<i32>} : memref<4x200x64xf32, #tpu.memory_space<vmem>>, vector<1x1x16xf32>,
        %scan3A_487 = arith.constant 2 : i32
        %scan3A_488 = arith.addi %scan3A_398, %scan3A_487 : i32
        %get3A_489 = arith.index_cast %scan3A_488 : i32 to index
        %get3A_490 = arith.constant 0 : index
        %get3A_491 = tpu.vector_load %arg7[%get3A_489, %get3A_490] {strides = array<i32>} : memref<200x64xf32, #tpu.memory_space<vmem>>, vector<1x16xf32>,
        %get3A_492 = vector.shape_cast %get3A_491 : vector<1x16xf32> to vector<16xf32>
        %swap3A_493 = arith.constant 0 : i32
        %swap3A_494 = arith.index_cast %swap3A_493 : i32 to index
        %swap3A_495 = arith.index_cast %scan3A_488 : i32 to index
        %swap3A_496 = arith.constant 0 : index
        %swap3A_497 = tpu.vector_load %arg8[%swap3A_494, %swap3A_495, %swap3A_496] {strides = array<i32>} : memref<4x200x64xf32, #tpu.memory_space<vmem>>, vector<1x1x16xf32>,
        %swap3A_498 = vector.shape_cast %swap3A_497 : vector<1x1x16xf32> to vector<16xf32>
        %swap3A_499 = vector.shape_cast %get3A_492 : vector<16xf32> to vector<1x1x16xf32>
        tpu.vector_store %arg8[%swap3A_494, %swap3A_495, %swap3A_496], %swap3A_499 {add = true, strides = array<i32>} : memref<4x200x64xf32, #tpu.memory_space<vmem>>, vector<1x1x16xf32>,
        %get3A_500 = arith.index_cast %scan3A_488 : i32 to index
        %get3A_501 = arith.constant 16 : index
        %get3A_502 = tpu.vector_load %arg7[%get3A_500, %get3A_501] {strides = array<i32>} : memref<200x64xf32, #tpu.memory_space<vmem>>, vector<1x16xf32>,
        %get3A_503 = vector.shape_cast %get3A_502 : vector<1x16xf32> to vector<16xf32>
        %swap3A_504 = arith.constant 0 : i32
        %swap3A_505 = arith.index_cast %swap3A_504 : i32 to index
        %swap3A_506 = arith.index_cast %scan3A_488 : i32 to index
        %swap3A_507 = arith.constant 16 : index
        %swap3A_508 = tpu.vector_load %arg8[%swap3A_505, %swap3A_506, %swap3A_507] {strides = array<i32>} : memref<4x200x64xf32, #tpu.memory_space<vmem>>, vector<1x1x16xf32>,
        %swap3A_509 = vector.shape_cast %swap3A_508 : vector<1x1x16xf32> to vector<16xf32>
        %swap3A_510 = vector.shape_cast %get3A_503 : vector<16xf32> to vector<1x1x16xf32>
        tpu.vector_store %arg8[%swap3A_505, %swap3A_506, %swap3A_507], %swap3A_510 {add = true, strides = array<i32>} : memref<4x200x64xf32, #tpu.memory_space<vmem>>, vector<1x1x16xf32>,
        %get3A_511 = arith.index_cast %scan3A_488 : i32 to index
        %get3A_512 = arith.constant 32 : index
        %get3A_513 = tpu.vector_load %arg7[%get3A_511, %get3A_512] {strides = array<i32>} : memref<200x64xf32, #tpu.memory_space<vmem>>, vector<1x16xf32>,
        %get3A_514 = vector.shape_cast %get3A_513 : vector<1x16xf32> to vector<16xf32>
        %swap3A_515 = arith.constant 0 : i32
        %swap3A_516 = arith.index_cast %swap3A_515 : i32 to index
        %swap3A_517 = arith.index_cast %scan3A_488 : i32 to index
        %swap3A_518 = arith.constant 32 : index
        %swap3A_519 = tpu.vector_load %arg8[%swap3A_516, %swap3A_517, %swap3A_518] {strides = array<i32>} : memref<4x200x64xf32, #tpu.memory_space<vmem>>, vector<1x1x16xf32>,
        %swap3A_520 = vector.shape_cast %swap3A_519 : vector<1x1x16xf32> to vector<16xf32>
        %swap3A_521 = vector.shape_cast %get3A_514 : vector<16xf32> to vector<1x1x16xf32>
        tpu.vector_store %arg8[%swap3A_516, %swap3A_517, %swap3A_518], %swap3A_521 {add = true, strides = array<i32>} : memref<4x200x64xf32, #tpu.memory_space<vmem>>, vector<1x1x16xf32>,
        %get3A_522 = arith.index_cast %scan3A_488 : i32 to index
        %get3A_523 = arith.constant 48 : index
        %get3A_524 = tpu.vector_load %arg7[%get3A_522, %get3A_523] {strides = array<i32>} : memref<200x64xf32, #tpu.memory_space<vmem>>, vector<1x16xf32>,
        %get3A_525 = vector.shape_cast %get3A_524 : vector<1x16xf32> to vector<16xf32>
        %swap3A_526 = arith.constant 0 : i32
        %swap3A_527 = arith.index_cast %swap3A_526 : i32 to index
        %swap3A_528 = arith.index_cast %scan3A_488 : i32 to index
        %swap3A_529 = arith.constant 48 : index
        %swap3A_530 = tpu.vector_load %arg8[%swap3A_527, %swap3A_528, %swap3A_529] {strides = array<i32>} : memref<4x200x64xf32, #tpu.memory_space<vmem>>, vector<1x1x16xf32>,
        %swap3A_531 = vector.shape_cast %swap3A_530 : vector<1x1x16xf32> to vector<16xf32>
        %swap3A_532 = vector.shape_cast %get3A_525 : vector<16xf32> to vector<1x1x16xf32>
        tpu.vector_store %arg8[%swap3A_527, %swap3A_528, %swap3A_529], %swap3A_532 {add = true, strides = array<i32>} : memref<4x200x64xf32, #tpu.memory_space<vmem>>, vector<1x1x16xf32>,
        %scan3A_533 = arith.constant 3 : i32
        %scan3A_534 = arith.addi %scan3A_398, %scan3A_533 : i32
        %get3A_535 = arith.index_cast %scan3A_534 : i32 to index
        %get3A_536 = arith.constant 0 : index
        %get3A_537 = tpu.vector_load %arg7[%get3A_535, %get3A_536] {strides = array<i32>} : memref<200x64xf32, #tpu.memory_space<vmem>>, vector<1x16xf32>,
        %get3A_538 = vector.shape_cast %get3A_537 : vector<1x16xf32> to vector<16xf32>
        %swap3A_539 = arith.constant 0 : i32
        %swap3A_540 = arith.index_cast %swap3A_539 : i32 to index
        %swap3A_541 = arith.index_cast %scan3A_534 : i32 to index
        %swap3A_542 = arith.constant 0 : index
        %swap3A_543 = tpu.vector_load %arg8[%swap3A_540, %swap3A_541, %swap3A_542] {strides = array<i32>} : memref<4x200x64xf32, #tpu.memory_space<vmem>>, vector<1x1x16xf32>,
        %swap3A_544 = vector.shape_cast %swap3A_543 : vector<1x1x16xf32> to vector<16xf32>
        %swap3A_545 = vector.shape_cast %get3A_538 : vector<16xf32> to vector<1x1x16xf32>
        tpu.vector_store %arg8[%swap3A_540, %swap3A_541, %swap3A_542], %swap3A_545 {add = true, strides = array<i32>} : memref<4x200x64xf32, #tpu.memory_space<vmem>>, vector<1x1x16xf32>,
        %get3A_546 = arith.index_cast %scan3A_534 : i32 to index
        %get3A_547 = arith.constant 16 : index
        %get3A_548 = tpu.vector_load %arg7[%get3A_546, %get3A_547] {strides = array<i32>} : memref<200x64xf32, #tpu.memory_space<vmem>>, vector<1x16xf32>,
        %get3A_549 = vector.shape_cast %get3A_548 : vector<1x16xf32> to vector<16xf32>
        %swap3A_550 = arith.constant 0 : i32
        %swap3A_551 = arith.index_cast %swap3A_550 : i32 to index
        %swap3A_552 = arith.index_cast %scan3A_534 : i32 to index
        %swap3A_553 = arith.constant 16 : index
        %swap3A_554 = tpu.vector_load %arg8[%swap3A_551, %swap3A_552, %swap3A_553] {strides = array<i32>} : memref<4x200x64xf32, #tpu.memory_space<vmem>>, vector<1x1x16xf32>,
        %swap3A_555 = vector.shape_cast %swap3A_554 : vector<1x1x16xf32> to vector<16xf32>
        %swap3A_556 = vector.shape_cast %get3A_549 : vector<16xf32> to vector<1x1x16xf32>
        tpu.vector_store %arg8[%swap3A_551, %swap3A_552, %swap3A_553], %swap3A_556 {add = true, strides = array<i32>} : memref<4x200x64xf32, #tpu.memory_space<vmem>>, vector<1x1x16xf32>,
        %get3A_557 = arith.index_cast %scan3A_534 : i32 to index
        %get3A_558 = arith.constant 32 : index
        %get3A_559 = tpu.vector_load %arg7[%get3A_557, %get3A_558] {strides = array<i32>} : memref<200x64xf32, #tpu.memory_space<vmem>>, vector<1x16xf32>,
        %get3A_560 = vector.shape_cast %get3A_559 : vector<1x16xf32> to vector<16xf32>
        %swap3A_561 = arith.constant 0 : i32
        %swap3A_562 = arith.index_cast %swap3A_561 : i32 to index
        %swap3A_563 = arith.index_cast %scan3A_534 : i32 to index
        %swap3A_564 = arith.constant 32 : index
        %swap3A_565 = tpu.vector_load %arg8[%swap3A_562, %swap3A_563, %swap3A_564] {strides = array<i32>} : memref<4x200x64xf32, #tpu.memory_space<vmem>>, vector<1x1x16xf32>,
        %swap3A_566 = vector.shape_cast %swap3A_565 : vector<1x1x16xf32> to vector<16xf32>
        %swap3A_567 = vector.shape_cast %get3A_560 : vector<16xf32> to vector<1x1x16xf32>
        tpu.vector_store %arg8[%swap3A_562, %swap3A_563, %swap3A_564], %swap3A_567 {add = true, strides = array<i32>} : memref<4x200x64xf32, #tpu.memory_space<vmem>>, vector<1x1x16xf32>,
        %get3A_568 = arith.index_cast %scan3A_534 : i32 to index
        %get3A_569 = arith.constant 48 : index
        %get3A_570 = tpu.vector_load %arg7[%get3A_568, %get3A_569] {strides = array<i32>} : memref<200x64xf32, #tpu.memory_space<vmem>>, vector<1x16xf32>,
        %get3A_571 = vector.shape_cast %get3A_570 : vector<1x16xf32> to vector<16xf32>
        %swap3A_572 = arith.constant 0 : i32
        %swap3A_573 = arith.index_cast %swap3A_572 : i32 to index
        %swap3A_574 = arith.index_cast %scan3A_534 : i32 to index
        %swap3A_575 = arith.constant 48 : index
        %swap3A_576 = tpu.vector_load %arg8[%swap3A_573, %swap3A_574, %swap3A_575] {strides = array<i32>} : memref<4x200x64xf32, #tpu.memory_space<vmem>>, vector<1x1x16xf32>,
        %swap3A_577 = vector.shape_cast %swap3A_576 : vector<1x1x16xf32> to vector<16xf32>
        %swap3A_578 = vector.shape_cast %get3A_571 : vector<16xf32> to vector<1x1x16xf32>
        tpu.vector_store %arg8[%swap3A_573, %swap3A_574, %swap3A_575], %swap3A_578 {add = true, strides = array<i32>} : memref<4x200x64xf32, #tpu.memory_space<vmem>>, vector<1x1x16xf32>,
        %scan3A_579 = arith.constant 4 : i32
        %scan3A_580 = arith.addi %scan3A_398, %scan3A_579 : i32
        %get3A_581 = arith.index_cast %scan3A_580 : i32 to index
        %get3A_582 = arith.constant 0 : index
        %get3A_583 = tpu.vector_load %arg7[%get3A_581, %get3A_582] {strides = array<i32>} : memref<200x64xf32, #tpu.memory_space<vmem>>, vector<1x16xf32>,
        %get3A_584 = vector.shape_cast %get3A_583 : vector<1x16xf32> to vector<16xf32>
        %swap3A_585 = arith.constant 0 : i32
        %swap3A_586 = arith.index_cast %swap3A_585 : i32 to index
        %swap3A_587 = arith.index_cast %scan3A_580 : i32 to index
        %swap3A_588 = arith.constant 0 : index
        %swap3A_589 = tpu.vector_load %arg8[%swap3A_586, %swap3A_587, %swap3A_588] {strides = array<i32>} : memref<4x200x64xf32, #tpu.memory_space<vmem>>, vector<1x1x16xf32>,
        %swap3A_590 = vector.shape_cast %swap3A_589 : vector<1x1x16xf32> to vector<16xf32>
        %swap3A_591 = vector.shape_cast %get3A_584 : vector<16xf32> to vector<1x1x16xf32>
        tpu.vector_store %arg8[%swap3A_586, %swap3A_587, %swap3A_588], %swap3A_591 {add = true, strides = array<i32>} : memref<4x200x64xf32, #tpu.memory_space<vmem>>, vector<1x1x16xf32>,
        %get3A_592 = arith.index_cast %scan3A_580 : i32 to index
        %get3A_593 = arith.constant 16 : index
        %get3A_594 = tpu.vector_load %arg7[%get3A_592, %get3A_593] {strides = array<i32>} : memref<200x64xf32, #tpu.memory_space<vmem>>, vector<1x16xf32>,
        %get3A_595 = vector.shape_cast %get3A_594 : vector<1x16xf32> to vector<16xf32>
        %swap3A_596 = arith.constant 0 : i32
        %swap3A_597 = arith.index_cast %swap3A_596 : i32 to index
        %swap3A_598 = arith.index_cast %scan3A_580 : i32 to index
        %swap3A_599 = arith.constant 16 : index
        %swap3A_600 = tpu.vector_load %arg8[%swap3A_597, %swap3A_598, %swap3A_599] {strides = array<i32>} : memref<4x200x64xf32, #tpu.memory_space<vmem>>, vector<1x1x16xf32>,
        %swap3A_601 = vector.shape_cast %swap3A_600 : vector<1x1x16xf32> to vector<16xf32>
        %swap3A_602 = vector.shape_cast %get3A_595 : vector<16xf32> to vector<1x1x16xf32>
        tpu.vector_store %arg8[%swap3A_597, %swap3A_598, %swap3A_599], %swap3A_602 {add = true, strides = array<i32>} : memref<4x200x64xf32, #tpu.memory_space<vmem>>, vector<1x1x16xf32>,
        %get3A_603 = arith.index_cast %scan3A_580 : i32 to index
        %get3A_604 = arith.constant 32 : index
        %get3A_605 = tpu.vector_load %arg7[%get3A_603, %get3A_604] {strides = array<i32>} : memref<200x64xf32, #tpu.memory_space<vmem>>, vector<1x16xf32>,
        %get3A_606 = vector.shape_cast %get3A_605 : vector<1x16xf32> to vector<16xf32>
        %swap3A_607 = arith.constant 0 : i32
        %swap3A_608 = arith.index_cast %swap3A_607 : i32 to index
        %swap3A_609 = arith.index_cast %scan3A_580 : i32 to index
        %swap3A_610 = arith.constant 32 : index
        %swap3A_611 = tpu.vector_load %arg8[%swap3A_608, %swap3A_609, %swap3A_610] {strides = array<i32>} : memref<4x200x64xf32, #tpu.memory_space<vmem>>, vector<1x1x16xf32>,
        %swap3A_612 = vector.shape_cast %swap3A_611 : vector<1x1x16xf32> to vector<16xf32>
        %swap3A_613 = vector.shape_cast %get3A_606 : vector<16xf32> to vector<1x1x16xf32>
        tpu.vector_store %arg8[%swap3A_608, %swap3A_609, %swap3A_610], %swap3A_613 {add = true, strides = array<i32>} : memref<4x200x64xf32, #tpu.memory_space<vmem>>, vector<1x1x16xf32>,
        %get3A_614 = arith.index_cast %scan3A_580 : i32 to index
        %get3A_615 = arith.constant 48 : index
        %get3A_616 = tpu.vector_load %arg7[%get3A_614, %get3A_615] {strides = array<i32>} : memref<200x64xf32, #tpu.memory_space<vmem>>, vector<1x16xf32>,
        %get3A_617 = vector.shape_cast %get3A_616 : vector<1x16xf32> to vector<16xf32>
        %swap3A_618 = arith.constant 0 : i32
        %swap3A_619 = arith.index_cast %swap3A_618 : i32 to index
        %swap3A_620 = arith.index_cast %scan3A_580 : i32 to index
        %swap3A_621 = arith.constant 48 : index
        %swap3A_622 = tpu.vector_load %arg8[%swap3A_619, %swap3A_620, %swap3A_621] {strides = array<i32>} : memref<4x200x64xf32, #tpu.memory_space<vmem>>, vector<1x1x16xf32>,
        %swap3A_623 = vector.shape_cast %swap3A_622 : vector<1x1x16xf32> to vector<16xf32>
        %swap3A_624 = vector.shape_cast %get3A_617 : vector<16xf32> to vector<1x1x16xf32>
        tpu.vector_store %arg8[%swap3A_619, %swap3A_620, %swap3A_621], %swap3A_624 {add = true, strides = array<i32>} : memref<4x200x64xf32, #tpu.memory_space<vmem>>, vector<1x1x16xf32>,
        %scan3A_625 = arith.constant 5 : i32
        %scan3A_626 = arith.addi %scan3A_398, %scan3A_625 : i32
        %get3A_627 = arith.index_cast %scan3A_626 : i32 to index
        %get3A_628 = arith.constant 0 : index
        %get3A_629 = tpu.vector_load %arg7[%get3A_627, %get3A_628] {strides = array<i32>} : memref<200x64xf32, #tpu.memory_space<vmem>>, vector<1x16xf32>,
        %get3A_630 = vector.shape_cast %get3A_629 : vector<1x16xf32> to vector<16xf32>
        %swap3A_631 = arith.constant 0 : i32
        %swap3A_632 = arith.index_cast %swap3A_631 : i32 to index
        %swap3A_633 = arith.index_cast %scan3A_626 : i32 to index
        %swap3A_634 = arith.constant 0 : index
        %swap3A_635 = tpu.vector_load %arg8[%swap3A_632, %swap3A_633, %swap3A_634] {strides = array<i32>} : memref<4x200x64xf32, #tpu.memory_space<vmem>>, vector<1x1x16xf32>,
        %swap3A_636 = vector.shape_cast %swap3A_635 : vector<1x1x16xf32> to vector<16xf32>
        %swap3A_637 = vector.shape_cast %get3A_630 : vector<16xf32> to vector<1x1x16xf32>
        tpu.vector_store %arg8[%swap3A_632, %swap3A_633, %swap3A_634], %swap3A_637 {add = true, strides = array<i32>} : memref<4x200x64xf32, #tpu.memory_space<vmem>>, vector<1x1x16xf32>,
        %get3A_638 = arith.index_cast %scan3A_626 : i32 to index
        %get3A_639 = arith.constant 16 : index
        %get3A_640 = tpu.vector_load %arg7[%get3A_638, %get3A_639] {strides = array<i32>} : memref<200x64xf32, #tpu.memory_space<vmem>>, vector<1x16xf32>,
        %get3A_641 = vector.shape_cast %get3A_640 : vector<1x16xf32> to vector<16xf32>
        %swap3A_642 = arith.constant 0 : i32
        %swap3A_643 = arith.index_cast %swap3A_642 : i32 to index
        %swap3A_644 = arith.index_cast %scan3A_626 : i32 to index
        %swap3A_645 = arith.constant 16 : index
        %swap3A_646 = tpu.vector_load %arg8[%swap3A_643, %swap3A_644, %swap3A_645] {strides = array<i32>} : memref<4x200x64xf32, #tpu.memory_space<vmem>>, vector<1x1x16xf32>,
        %swap3A_647 = vector.shape_cast %swap3A_646 : vector<1x1x16xf32> to vector<16xf32>
        %swap3A_648 = vector.shape_cast %get3A_641 : vector<16xf32> to vector<1x1x16xf32>
        tpu.vector_store %arg8[%swap3A_643, %swap3A_644, %swap3A_645], %swap3A_648 {add = true, strides = array<i32>} : memref<4x200x64xf32, #tpu.memory_space<vmem>>, vector<1x1x16xf32>,
        %get3A_649 = arith.index_cast %scan3A_626 : i32 to index
        %get3A_650 = arith.constant 32 : index
        %get3A_651 = tpu.vector_load %arg7[%get3A_649, %get3A_650] {strides = array<i32>} : memref<200x64xf32, #tpu.memory_space<vmem>>, vector<1x16xf32>,
        %get3A_652 = vector.shape_cast %get3A_651 : vector<1x16xf32> to vector<16xf32>
        %swap3A_653 = arith.constant 0 : i32
        %swap3A_654 = arith.index_cast %swap3A_653 : i32 to index
        %swap3A_655 = arith.index_cast %scan3A_626 : i32 to index
        %swap3A_656 = arith.constant 32 : index
        %swap3A_657 = tpu.vector_load %arg8[%swap3A_654, %swap3A_655, %swap3A_656] {strides = array<i32>} : memref<4x200x64xf32, #tpu.memory_space<vmem>>, vector<1x1x16xf32>,
        %swap3A_658 = vector.shape_cast %swap3A_657 : vector<1x1x16xf32> to vector<16xf32>
        %swap3A_659 = vector.shape_cast %get3A_652 : vector<16xf32> to vector<1x1x16xf32>
        tpu.vector_store %arg8[%swap3A_654, %swap3A_655, %swap3A_656], %swap3A_659 {add = true, strides = array<i32>} : memref<4x200x64xf32, #tpu.memory_space<vmem>>, vector<1x1x16xf32>,
        %get3A_660 = arith.index_cast %scan3A_626 : i32 to index
        %get3A_661 = arith.constant 48 : index
        %get3A_662 = tpu.vector_load %arg7[%get3A_660, %get3A_661] {strides = array<i32>} : memref<200x64xf32, #tpu.memory_space<vmem>>, vector<1x16xf32>,
        %get3A_663 = vector.shape_cast %get3A_662 : vector<1x16xf32> to vector<16xf32>
        %swap3A_664 = arith.constant 0 : i32
        %swap3A_665 = arith.index_cast %swap3A_664 : i32 to index
        %swap3A_666 = arith.index_cast %scan3A_626 : i32 to index
        %swap3A_667 = arith.constant 48 : index
        %swap3A_668 = tpu.vector_load %arg8[%swap3A_665, %swap3A_666, %swap3A_667] {strides = array<i32>} : memref<4x200x64xf32, #tpu.memory_space<vmem>>, vector<1x1x16xf32>,
        %swap3A_669 = vector.shape_cast %swap3A_668 : vector<1x1x16xf32> to vector<16xf32>
        %swap3A_670 = vector.shape_cast %get3A_663 : vector<16xf32> to vector<1x1x16xf32>
        tpu.vector_store %arg8[%swap3A_665, %swap3A_666, %swap3A_667], %swap3A_670 {add = true, strides = array<i32>} : memref<4x200x64xf32, #tpu.memory_space<vmem>>, vector<1x1x16xf32>,
        %scan3A_671 = arith.constant 6 : i32
        %scan3A_672 = arith.addi %scan3A_398, %scan3A_671 : i32
        %get3A_673 = arith.index_cast %scan3A_672 : i32 to index
        %get3A_674 = arith.constant 0 : index
        %get3A_675 = tpu.vector_load %arg7[%get3A_673, %get3A_674] {strides = array<i32>} : memref<200x64xf32, #tpu.memory_space<vmem>>, vector<1x16xf32>,
        %get3A_676 = vector.shape_cast %get3A_675 : vector<1x16xf32> to vector<16xf32>
        %swap3A_677 = arith.constant 0 : i32
        %swap3A_678 = arith.index_cast %swap3A_677 : i32 to index
        %swap3A_679 = arith.index_cast %scan3A_672 : i32 to index
        %swap3A_680 = arith.constant 0 : index
        %swap3A_681 = tpu.vector_load %arg8[%swap3A_678, %swap3A_679, %swap3A_680] {strides = array<i32>} : memref<4x200x64xf32, #tpu.memory_space<vmem>>, vector<1x1x16xf32>,
        %swap3A_682 = vector.shape_cast %swap3A_681 : vector<1x1x16xf32> to vector<16xf32>
        %swap3A_683 = vector.shape_cast %get3A_676 : vector<16xf32> to vector<1x1x16xf32>
        tpu.vector_store %arg8[%swap3A_678, %swap3A_679, %swap3A_680], %swap3A_683 {add = true, strides = array<i32>} : memref<4x200x64xf32, #tpu.memory_space<vmem>>, vector<1x1x16xf32>,
        %get3A_684 = arith.index_cast %scan3A_672 : i32 to index
        %get3A_685 = arith.constant 16 : index
        %get3A_686 = tpu.vector_load %arg7[%get3A_684, %get3A_685] {strides = array<i32>} : memref<200x64xf32, #tpu.memory_space<vmem>>, vector<1x16xf32>,
        %get3A_687 = vector.shape_cast %get3A_686 : vector<1x16xf32> to vector<16xf32>
        %swap3A_688 = arith.constant 0 : i32
        %swap3A_689 = arith.index_cast %swap3A_688 : i32 to index
        %swap3A_690 = arith.index_cast %scan3A_672 : i32 to index
        %swap3A_691 = arith.constant 16 : index
        %swap3A_692 = tpu.vector_load %arg8[%swap3A_689, %swap3A_690, %swap3A_691] {strides = array<i32>} : memref<4x200x64xf32, #tpu.memory_space<vmem>>, vector<1x1x16xf32>,
        %swap3A_693 = vector.shape_cast %swap3A_692 : vector<1x1x16xf32> to vector<16xf32>
        %swap3A_694 = vector.shape_cast %get3A_687 : vector<16xf32> to vector<1x1x16xf32>
        tpu.vector_store %arg8[%swap3A_689, %swap3A_690, %swap3A_691], %swap3A_694 {add = true, strides = array<i32>} : memref<4x200x64xf32, #tpu.memory_space<vmem>>, vector<1x1x16xf32>,
        %get3A_695 = arith.index_cast %scan3A_672 : i32 to index
        %get3A_696 = arith.constant 32 : index
        %get3A_697 = tpu.vector_load %arg7[%get3A_695, %get3A_696] {strides = array<i32>} : memref<200x64xf32, #tpu.memory_space<vmem>>, vector<1x16xf32>,
        %get3A_698 = vector.shape_cast %get3A_697 : vector<1x16xf32> to vector<16xf32>
        %swap3A_699 = arith.constant 0 : i32
        %swap3A_700 = arith.index_cast %swap3A_699 : i32 to index
        %swap3A_701 = arith.index_cast %scan3A_672 : i32 to index
        %swap3A_702 = arith.constant 32 : index
        %swap3A_703 = tpu.vector_load %arg8[%swap3A_700, %swap3A_701, %swap3A_702] {strides = array<i32>} : memref<4x200x64xf32, #tpu.memory_space<vmem>>, vector<1x1x16xf32>,
        %swap3A_704 = vector.shape_cast %swap3A_703 : vector<1x1x16xf32> to vector<16xf32>
        %swap3A_705 = vector.shape_cast %get3A_698 : vector<16xf32> to vector<1x1x16xf32>
        tpu.vector_store %arg8[%swap3A_700, %swap3A_701, %swap3A_702], %swap3A_705 {add = true, strides = array<i32>} : memref<4x200x64xf32, #tpu.memory_space<vmem>>, vector<1x1x16xf32>,
        %get3A_706 = arith.index_cast %scan3A_672 : i32 to index
        %get3A_707 = arith.constant 48 : index
        %get3A_708 = tpu.vector_load %arg7[%get3A_706, %get3A_707] {strides = array<i32>} : memref<200x64xf32, #tpu.memory_space<vmem>>, vector<1x16xf32>,
        %get3A_709 = vector.shape_cast %get3A_708 : vector<1x16xf32> to vector<16xf32>
        %swap3A_710 = arith.constant 0 : i32
        %swap3A_711 = arith.index_cast %swap3A_710 : i32 to index
        %swap3A_712 = arith.index_cast %scan3A_672 : i32 to index
        %swap3A_713 = arith.constant 48 : index
        %swap3A_714 = tpu.vector_load %arg8[%swap3A_711, %swap3A_712, %swap3A_713] {strides = array<i32>} : memref<4x200x64xf32, #tpu.memory_space<vmem>>, vector<1x1x16xf32>,
        %swap3A_715 = vector.shape_cast %swap3A_714 : vector<1x1x16xf32> to vector<16xf32>
        %swap3A_716 = vector.shape_cast %get3A_709 : vector<16xf32> to vector<1x1x16xf32>
        tpu.vector_store %arg8[%swap3A_711, %swap3A_712, %swap3A_713], %swap3A_716 {add = true, strides = array<i32>} : memref<4x200x64xf32, #tpu.memory_space<vmem>>, vector<1x1x16xf32>,
        %scan3A_717 = arith.constant 7 : i32
        %scan3A_718 = arith.addi %scan3A_398, %scan3A_717 : i32
        %get3A_719 = arith.index_cast %scan3A_718 : i32 to index
        %get3A_720 = arith.constant 0 : index
        %get3A_721 = tpu.vector_load %arg7[%get3A_719, %get3A_720] {strides = array<i32>} : memref<200x64xf32, #tpu.memory_space<vmem>>, vector<1x16xf32>,
        %get3A_722 = vector.shape_cast %get3A_721 : vector<1x16xf32> to vector<16xf32>
        %swap3A_723 = arith.constant 0 : i32
        %swap3A_724 = arith.index_cast %swap3A_723 : i32 to index
        %swap3A_725 = arith.index_cast %scan3A_718 : i32 to index
        %swap3A_726 = arith.constant 0 : index
        %swap3A_727 = tpu.vector_load %arg8[%swap3A_724, %swap3A_725, %swap3A_726] {strides = array<i32>} : memref<4x200x64xf32, #tpu.memory_space<vmem>>, vector<1x1x16xf32>,
        %swap3A_728 = vector.shape_cast %swap3A_727 : vector<1x1x16xf32> to vector<16xf32>
        %swap3A_729 = vector.shape_cast %get3A_722 : vector<16xf32> to vector<1x1x16xf32>
        tpu.vector_store %arg8[%swap3A_724, %swap3A_725, %swap3A_726], %swap3A_729 {add = true, strides = array<i32>} : memref<4x200x64xf32, #tpu.memory_space<vmem>>, vector<1x1x16xf32>,
        %get3A_730 = arith.index_cast %scan3A_718 : i32 to index
        %get3A_731 = arith.constant 16 : index
        %get3A_732 = tpu.vector_load %arg7[%get3A_730, %get3A_731] {strides = array<i32>} : memref<200x64xf32, #tpu.memory_space<vmem>>, vector<1x16xf32>,
        %get3A_733 = vector.shape_cast %get3A_732 : vector<1x16xf32> to vector<16xf32>
        %swap3A_734 = arith.constant 0 : i32
        %swap3A_735 = arith.index_cast %swap3A_734 : i32 to index
        %swap3A_736 = arith.index_cast %scan3A_718 : i32 to index
        %swap3A_737 = arith.constant 16 : index
        %swap3A_738 = tpu.vector_load %arg8[%swap3A_735, %swap3A_736, %swap3A_737] {strides = array<i32>} : memref<4x200x64xf32, #tpu.memory_space<vmem>>, vector<1x1x16xf32>,
        %swap3A_739 = vector.shape_cast %swap3A_738 : vector<1x1x16xf32> to vector<16xf32>
        %swap3A_740 = vector.shape_cast %get3A_733 : vector<16xf32> to vector<1x1x16xf32>
        tpu.vector_store %arg8[%swap3A_735, %swap3A_736, %swap3A_737], %swap3A_740 {add = true, strides = array<i32>} : memref<4x200x64xf32, #tpu.memory_space<vmem>>, vector<1x1x16xf32>,
        %get3A_741 = arith.index_cast %scan3A_718 : i32 to index
        %get3A_742 = arith.constant 32 : index
        %get3A_743 = tpu.vector_load %arg7[%get3A_741, %get3A_742] {strides = array<i32>} : memref<200x64xf32, #tpu.memory_space<vmem>>, vector<1x16xf32>,
        %get3A_744 = vector.shape_cast %get3A_743 : vector<1x16xf32> to vector<16xf32>
        %swap3A_745 = arith.constant 0 : i32
        %swap3A_746 = arith.index_cast %swap3A_745 : i32 to index
        %swap3A_747 = arith.index_cast %scan3A_718 : i32 to index
        %swap3A_748 = arith.constant 32 : index
        %swap3A_749 = tpu.vector_load %arg8[%swap3A_746, %swap3A_747, %swap3A_748] {strides = array<i32>} : memref<4x200x64xf32, #tpu.memory_space<vmem>>, vector<1x1x16xf32>,
        %swap3A_750 = vector.shape_cast %swap3A_749 : vector<1x1x16xf32> to vector<16xf32>
        %swap3A_751 = vector.shape_cast %get3A_744 : vector<16xf32> to vector<1x1x16xf32>
        tpu.vector_store %arg8[%swap3A_746, %swap3A_747, %swap3A_748], %swap3A_751 {add = true, strides = array<i32>} : memref<4x200x64xf32, #tpu.memory_space<vmem>>, vector<1x1x16xf32>,
        %get3A_752 = arith.index_cast %scan3A_718 : i32 to index
        %get3A_753 = arith.constant 48 : index
        %get3A_754 = tpu.vector_load %arg7[%get3A_752, %get3A_753] {strides = array<i32>} : memref<200x64xf32, #tpu.memory_space<vmem>>, vector<1x16xf32>,
        %get3A_755 = vector.shape_cast %get3A_754 : vector<1x16xf32> to vector<16xf32>
        %swap3A_756 = arith.constant 0 : i32
        %swap3A_757 = arith.index_cast %swap3A_756 : i32 to index
        %swap3A_758 = arith.index_cast %scan3A_718 : i32 to index
        %swap3A_759 = arith.constant 48 : index
        %swap3A_760 = tpu.vector_load %arg8[%swap3A_757, %swap3A_758, %swap3A_759] {strides = array<i32>} : memref<4x200x64xf32, #tpu.memory_space<vmem>>, vector<1x1x16xf32>,
        %swap3A_761 = vector.shape_cast %swap3A_760 : vector<1x1x16xf32> to vector<16xf32>
        %swap3A_762 = vector.shape_cast %get3A_755 : vector<16xf32> to vector<1x1x16xf32>
        tpu.vector_store %arg8[%swap3A_757, %swap3A_758, %swap3A_759], %swap3A_762 {add = true, strides = array<i32>} : memref<4x200x64xf32, #tpu.memory_space<vmem>>, vector<1x1x16xf32>,
      }
      %scan3A_186 = arith.constant 200 : i32
      %add3A_187 = arith.addi %mul3A_2, %add3A_146 : i32
      %mul3A_188 = arith.constant 200 : i32
      %mul3A_189 = arith.muli %add3A_187, %mul3A_188 : i32
      %dma_start3A_190 = arith.constant 0 : i32
      %dma_start3A_191 = arith.constant 0 : i32
      %dma_start3A_192 = arith.constant 0 : i32
      %dma_start3A_193 = arith.constant 0 : i32
      %dma_start3A_194 = tpu.memref_slice %arg8[%dma_start3A_190, %dma_start3A_192, %dma_start3A_193] : memref<4x200x64xf32, #tpu.memory_space<vmem>> -> memref<1x200x64xf32, #tpu.memory_space<vmem>>
      %dma_start3A_195 = tpu.memref_squeeze %dma_start3A_194 : memref<1x200x64xf32, #tpu.memory_space<vmem>> -> memref<200x64xf32, #tpu.memory_space<vmem>>
      %dma_start3A_196 = arith.constant 0 : i32
      %dma_start3A_197 = tpu.memref_slice %arg5[%mul3A_189, %dma_start3A_196] : memref<819200x128xf32, #tpu.memory_space<hbm>> -> memref<200x64xf32, #tpu.memory_space<hbm>>
      %dma_start3A_198 = tpu.memref_slice %arg10[%dma_start3A_191] : memref<4x!tpu.dma_semaphore, #tpu.memory_space<semaphore_mem>> -> memref<1x!tpu.dma_semaphore, #tpu.memory_space<semaphore_mem>>
      %dma_start3A_199 = tpu.memref_squeeze %dma_start3A_198 : memref<1x!tpu.dma_semaphore, #tpu.memory_space<semaphore_mem>> -> memref<!tpu.dma_semaphore, #tpu.memory_space<semaphore_mem>>
      %dma_start3A_200 = arith.constant 0 : i32
      %dma_start3A_201 = tpu.memref_slice %arg5[%mul3A_189, %dma_start3A_200] : memref<819200x128xf32, #tpu.memory_space<hbm>> -> memref<200x64xf32, #tpu.memory_space<hbm>>
      %dma_start3A_202 = arith.constant 0 : i32
      %dma_start3A_203 = arith.constant 0 : i32
      %dma_start3A_204 = tpu.memref_slice %arg8[%dma_start3A_190, %dma_start3A_202, %dma_start3A_203] : memref<4x200x64xf32, #tpu.memory_space<vmem>> -> memref<1x200x64xf32, #tpu.memory_space<vmem>>
      %dma_start3A_205 = tpu.memref_squeeze %dma_start3A_204 : memref<1x200x64xf32, #tpu.memory_space<vmem>> -> memref<200x64xf32, #tpu.memory_space<vmem>>
      tpu.enqueue_dma source(%dma_start3A_205 : memref<200x64xf32, #tpu.memory_space<vmem>>) target(%dma_start3A_201 : memref<200x64xf32, #tpu.memory_space<hbm>>) target_semaphore(%dma_start3A_199 : memref<!tpu.dma_semaphore, #tpu.memory_space<semaphore_mem>>)
      %add3A_206 = arith.constant 1 : i32
      %add3A_207 = arith.addi %mul3A_144, %add3A_206 : i32
      %add3A_208 = arith.constant 2 : i32
      %add3A_209 = arith.addi %add3A_207, %add3A_208 : i32
      %lt3A_210 = arith.constant 128 : i32
      %lt3A_211 = arith.cmpi slt, %add3A_209, %lt3A_210 : i32
      %convert_element_type3A_212 = arith.extui %lt3A_211 : i1 to i32
      %cond3A_213 = arith.constant 0 : i32
      %cond3A_214 = arith.cmpi ne, %convert_element_type3A_212, %cond3A_213 : i32
      scf.if %cond3A_214 {
        %ge3A = arith.constant 4 : i32
        %ge3A_398 = arith.cmpi sge, %add3A_209, %ge3A : i32
        %convert_element_type3A_399 = arith.extui %ge3A_398 : i1 to i32
        %cond3A_400 = arith.constant 0 : i32
        %cond3A_401 = arith.cmpi ne, %convert_element_type3A_399, %cond3A_400 : i32
        scf.if %cond3A_401 {
          %mul3A_432 = arith.constant 200 : i32
          %mul3A_433 = arith.muli %mul3A_2, %mul3A_432 : i32
          %dma_wait3A_434 = arith.constant 3 : i32
          %dma_wait3A_435 = arith.constant 3 : i32
          %dma_wait3A_436 = arith.constant 0 : i32
          %dma_wait3A_437 = arith.constant 0 : i32
          %dma_wait3A_438 = tpu.memref_slice %arg8[%dma_wait3A_434, %dma_wait3A_436, %dma_wait3A_437] : memref<4x200x64xf32, #tpu.memory_space<vmem>> -> memref<1x200x64xf32, #tpu.memory_space<vmem>>
          %dma_wait3A_439 = tpu.memref_squeeze %dma_wait3A_438 : memref<1x200x64xf32, #tpu.memory_space<vmem>> -> memref<200x64xf32, #tpu.memory_space<vmem>>
          %dma_wait3A_440 = arith.constant 0 : i32
          %dma_wait3A_441 = tpu.memref_slice %arg5[%mul3A_433, %dma_wait3A_440] : memref<819200x128xf32, #tpu.memory_space<hbm>> -> memref<200x64xf32, #tpu.memory_space<hbm>>
          %dma_wait3A_442 = tpu.memref_slice %arg10[%dma_wait3A_435] : memref<4x!tpu.dma_semaphore, #tpu.memory_space<semaphore_mem>> -> memref<1x!tpu.dma_semaphore, #tpu.memory_space<semaphore_mem>>
          %dma_wait3A_443 = tpu.memref_squeeze %dma_wait3A_442 : memref<1x!tpu.dma_semaphore, #tpu.memory_space<semaphore_mem>> -> memref<!tpu.dma_semaphore, #tpu.memory_space<semaphore_mem>>
          %dma_wait3A_444 = arith.constant 0 : i32
          %dma_wait3A_445 = tpu.memref_slice %arg5[%mul3A_433, %dma_wait3A_444] : memref<819200x128xf32, #tpu.memory_space<hbm>> -> memref<200x64xf32, #tpu.memory_space<hbm>>
          %dma_wait3A_446 = arith.constant 0 : i32
          %dma_wait3A_447 = arith.constant 0 : i32
          %dma_wait3A_448 = tpu.memref_slice %arg8[%dma_wait3A_434, %dma_wait3A_446, %dma_wait3A_447] : memref<4x200x64xf32, #tpu.memory_space<vmem>> -> memref<1x200x64xf32, #tpu.memory_space<vmem>>
          %dma_wait3A_449 = tpu.memref_squeeze %dma_wait3A_448 : memref<1x200x64xf32, #tpu.memory_space<vmem>> -> memref<200x64xf32, #tpu.memory_space<vmem>>
          tpu.wait_dma2 semaphore(%dma_wait3A_443 : memref<!tpu.dma_semaphore, #tpu.memory_space<semaphore_mem>>) src(%dma_wait3A_449 : memref<200x64xf32, #tpu.memory_space<vmem>>) dst(%dma_wait3A_445 : memref<200x64xf32, #tpu.memory_space<hbm>>)
        } else {
        }
        %dma_start3A_402 = arith.constant 0 : i32
        %dma_start3A_403 = arith.constant 3 : i32
        %dma_start3A_404 = arith.constant 3 : i32
        %dma_start3A_405 = arith.constant 0 : i32
        %dma_start3A_406 = arith.constant 0 : i32
        %dma_start3A_407 = tpu.memref_slice %arg8[%dma_start3A_403, %dma_start3A_405, %dma_start3A_406] : memref<4x200x64xf32, #tpu.memory_space<vmem>> -> memref<1x100x64xf32, #tpu.memory_space<vmem>>
        %dma_start3A_408 = tpu.memref_squeeze %dma_start3A_407 : memref<1x100x64xf32, #tpu.memory_space<vmem>> -> memref<100x64xf32, #tpu.memory_space<vmem>>
        %dma_start3A_409 = arith.constant 0 : i32
        %dma_start3A_410 = tpu.memref_slice %arg6[%add3A_209, %dma_start3A_402, %dma_start3A_409] : memref<128x2x100xi32, #tpu.memory_space<vmem>> -> memref<1x1x100xi32, #tpu.memory_space<vmem>>
        %dma_start3A_411 = tpu.memref_squeeze %dma_start3A_410 : memref<1x1x100xi32, #tpu.memory_space<vmem>> -> memref<100xi32, #tpu.memory_space<vmem>>
        %dma_start3A_412 = arith.constant 0 : i32
        %dma_start3A_413 = arith.constant 0 : i32
        %dma_start3A_414 = tpu.memref_slice %arg3[%dma_start3A_412, %dma_start3A_413] : memref<1000000x64xf32, #tpu.memory_space<hbm>> -> memref<1000000x64xf32, #tpu.memory_space<hbm>>
        %dma_start3A_415 = tpu.memref_slice %arg9[%dma_start3A_404] : memref<4x!tpu.dma_semaphore, #tpu.memory_space<semaphore_mem>> -> memref<1x!tpu.dma_semaphore, #tpu.memory_space<semaphore_mem>>
        %dma_start3A_416 = tpu.memref_squeeze %dma_start3A_415 : memref<1x!tpu.dma_semaphore, #tpu.memory_space<semaphore_mem>> -> memref<!tpu.dma_semaphore, #tpu.memory_space<semaphore_mem>>
        tpu.enqueue_indirect_dma source(%dma_start3A_414 : memref<1000000x64xf32, #tpu.memory_space<hbm>>) target(%dma_start3A_408 : memref<100x64xf32, #tpu.memory_space<vmem>>) offsets(%dma_start3A_411 : memref<100xi32, #tpu.memory_space<vmem>>) semaphore(%dma_start3A_416 : memref<!tpu.dma_semaphore, #tpu.memory_space<semaphore_mem>>)
        %dma_start3A_417 = arith.constant 1 : i32
        %dma_start3A_418 = arith.constant 3 : i32
        %dma_start3A_419 = arith.constant 3 : i32
        %dma_start3A_420 = arith.constant 100 : i32
        %dma_start3A_421 = arith.constant 0 : i32
        %dma_start3A_422 = tpu.memref_slice %arg8[%dma_start3A_418, %dma_start3A_420, %dma_start3A_421] : memref<4x200x64xf32, #tpu.memory_space<vmem>> -> memref<1x100x64xf32, #tpu.memory_space<vmem>>
        %dma_start3A_423 = tpu.memref_squeeze %dma_start3A_422 : memref<1x100x64xf32, #tpu.memory_space<vmem>> -> memref<100x64xf32, #tpu.memory_space<vmem>>
        %dma_start3A_424 = arith.constant 0 : i32
        %dma_start3A_425 = tpu.memref_slice %arg6[%add3A_209, %dma_start3A_417, %dma_start3A_424] : memref<128x2x100xi32, #tpu.memory_space<vmem>> -> memref<1x1x100xi32, #tpu.memory_space<vmem>>
        %dma_start3A_426 = tpu.memref_squeeze %dma_start3A_425 : memref<1x1x100xi32, #tpu.memory_space<vmem>> -> memref<100xi32, #tpu.memory_space<vmem>>
        %dma_start3A_427 = arith.constant 0 : i32
        %dma_start3A_428 = arith.constant 0 : i32
        %dma_start3A_429 = tpu.memref_slice %arg3[%dma_start3A_427, %dma_start3A_428] : memref<1000000x64xf32, #tpu.memory_space<hbm>> -> memref<1000000x64xf32, #tpu.memory_space<hbm>>
        %dma_start3A_430 = tpu.memref_slice %arg9[%dma_start3A_419] : memref<4x!tpu.dma_semaphore, #tpu.memory_space<semaphore_mem>> -> memref<1x!tpu.dma_semaphore, #tpu.memory_space<semaphore_mem>>
        %dma_start3A_431 = tpu.memref_squeeze %dma_start3A_430 : memref<1x!tpu.dma_semaphore, #tpu.memory_space<semaphore_mem>> -> memref<!tpu.dma_semaphore, #tpu.memory_space<semaphore_mem>>
        tpu.enqueue_indirect_dma source(%dma_start3A_429 : memref<1000000x64xf32, #tpu.memory_space<hbm>>) target(%dma_start3A_423 : memref<100x64xf32, #tpu.memory_space<vmem>>) offsets(%dma_start3A_426 : memref<100xi32, #tpu.memory_space<vmem>>) semaphore(%dma_start3A_431 : memref<!tpu.dma_semaphore, #tpu.memory_space<semaphore_mem>>)
      } else {
      }
      %dma_wait3A_215 = arith.constant 0 : i32
      %dma_wait3A_216 = arith.constant 1 : i32
      %dma_wait3A_217 = arith.constant 1 : i32
      %dma_wait3A_218 = arith.constant 0 : i32
      %dma_wait3A_219 = arith.constant 0 : i32
      %dma_wait3A_220 = tpu.memref_slice %arg8[%dma_wait3A_216, %dma_wait3A_218, %dma_wait3A_219] : memref<4x200x64xf32, #tpu.memory_space<vmem>> -> memref<1x100x64xf32, #tpu.memory_space<vmem>>
      %dma_wait3A_221 = tpu.memref_squeeze %dma_wait3A_220 : memref<1x100x64xf32, #tpu.memory_space<vmem>> -> memref<100x64xf32, #tpu.memory_space<vmem>>
      %dma_wait3A_222 = arith.constant 0 : i32
      %dma_wait3A_223 = tpu.memref_slice %arg6[%add3A_207, %dma_wait3A_215, %dma_wait3A_222] : memref<128x2x100xi32, #tpu.memory_space<vmem>> -> memref<1x1x100xi32, #tpu.memory_space<vmem>>
      %dma_wait3A_224 = tpu.memref_squeeze %dma_wait3A_223 : memref<1x1x100xi32, #tpu.memory_space<vmem>> -> memref<100xi32, #tpu.memory_space<vmem>>
      %dma_wait3A_225 = arith.constant 0 : i32
      %dma_wait3A_226 = arith.constant 0 : i32
      %dma_wait3A_227 = tpu.memref_slice %arg3[%dma_wait3A_225, %dma_wait3A_226] : memref<1000000x64xf32, #tpu.memory_space<hbm>> -> memref<1000000x64xf32, #tpu.memory_space<hbm>>
      %dma_wait3A_228 = tpu.memref_slice %arg9[%dma_wait3A_217] : memref<4x!tpu.dma_semaphore, #tpu.memory_space<semaphore_mem>> -> memref<1x!tpu.dma_semaphore, #tpu.memory_space<semaphore_mem>>
      %dma_wait3A_229 = tpu.memref_squeeze %dma_wait3A_228 : memref<1x!tpu.dma_semaphore, #tpu.memory_space<semaphore_mem>> -> memref<!tpu.dma_semaphore, #tpu.memory_space<semaphore_mem>>
      tpu.wait_indirect_dma semaphore(%dma_wait3A_229 : memref<!tpu.dma_semaphore, #tpu.memory_space<semaphore_mem>>) src(%dma_wait3A_227 : memref<1000000x64xf32, #tpu.memory_space<hbm>>) dst(%dma_wait3A_221 : memref<100x64xf32, #tpu.memory_space<vmem>>)
      %dma_wait3A_230 = arith.constant 1 : i32
      %dma_wait3A_231 = arith.constant 1 : i32
      %dma_wait3A_232 = arith.constant 1 : i32
      %dma_wait3A_233 = arith.constant 100 : i32
      %dma_wait3A_234 = arith.constant 0 : i32
      %dma_wait3A_235 = tpu.memref_slice %arg8[%dma_wait3A_231, %dma_wait3A_233, %dma_wait3A_234] : memref<4x200x64xf32, #tpu.memory_space<vmem>> -> memref<1x100x64xf32, #tpu.memory_space<vmem>>
      %dma_wait3A_236 = tpu.memref_squeeze %dma_wait3A_235 : memref<1x100x64xf32, #tpu.memory_space<vmem>> -> memref<100x64xf32, #tpu.memory_space<vmem>>
      %dma_wait3A_237 = arith.constant 0 : i32
      %dma_wait3A_238 = tpu.memref_slice %arg6[%add3A_207, %dma_wait3A_230, %dma_wait3A_237] : memref<128x2x100xi32, #tpu.memory_space<vmem>> -> memref<1x1x100xi32, #tpu.memory_space<vmem>>
      %dma_wait3A_239 = tpu.memref_squeeze %dma_wait3A_238 : memref<1x1x100xi32, #tpu.memory_space<vmem>> -> memref<100xi32, #tpu.memory_space<vmem>>
      %dma_wait3A_240 = arith.constant 0 : i32
      %dma_wait3A_241 = arith.constant 0 : i32
      %dma_wait3A_242 = tpu.memref_slice %arg3[%dma_wait3A_240, %dma_wait3A_241] : memref<1000000x64xf32, #tpu.memory_space<hbm>> -> memref<1000000x64xf32, #tpu.memory_space<hbm>>
      %dma_wait3A_243 = tpu.memref_slice %arg9[%dma_wait3A_232] : memref<4x!tpu.dma_semaphore, #tpu.memory_space<semaphore_mem>> -> memref<1x!tpu.dma_semaphore, #tpu.memory_space<semaphore_mem>>
      %dma_wait3A_244 = tpu.memref_squeeze %dma_wait3A_243 : memref<1x!tpu.dma_semaphore, #tpu.memory_space<semaphore_mem>> -> memref<!tpu.dma_semaphore, #tpu.memory_space<semaphore_mem>>
      tpu.wait_indirect_dma semaphore(%dma_wait3A_244 : memref<!tpu.dma_semaphore, #tpu.memory_space<semaphore_mem>>) src(%dma_wait3A_242 : memref<1000000x64xf32, #tpu.memory_space<hbm>>) dst(%dma_wait3A_236 : memref<100x64xf32, #tpu.memory_space<vmem>>)
      %scan3A_245 = arith.constant 0 : i32
      %scan3A_246 = arith.constant 0 : i32
      %scan3A_247 = arith.constant 200 : i32
      %scan3A_248 = arith.addi %scan3A_246, %scan3A_247 : i32
      %scan3A_249 = arith.constant 8 : i32
      scf.for %scan3A_398 = %scan3A_246 to %scan3A_248 step %scan3A_249  : i32 {
        %get3A = arith.index_cast %scan3A_398 : i32 to index
        %get3A_399 = arith.constant 0 : index
        %get3A_400 = tpu.vector_load %arg7[%get3A, %get3A_399] {strides = array<i32>} : memref<200x64xf32, #tpu.memory_space<vmem>>, vector<1x16xf32>,
        %get3A_401 = vector.shape_cast %get3A_400 : vector<1x16xf32> to vector<16xf32>
        %swap3A = arith.constant 1 : i32
        %swap3A_402 = arith.index_cast %swap3A : i32 to index
        %swap3A_403 = arith.index_cast %scan3A_398 : i32 to index
        %swap3A_404 = arith.constant 0 : index
        %swap3A_405 = tpu.vector_load %arg8[%swap3A_402, %swap3A_403, %swap3A_404] {strides = array<i32>} : memref<4x200x64xf32, #tpu.memory_space<vmem>>, vector<1x1x16xf32>,
        %swap3A_406 = vector.shape_cast %swap3A_405 : vector<1x1x16xf32> to vector<16xf32>
        %swap3A_407 = vector.shape_cast %get3A_401 : vector<16xf32> to vector<1x1x16xf32>
        tpu.vector_store %arg8[%swap3A_402, %swap3A_403, %swap3A_404], %swap3A_407 {add = true, strides = array<i32>} : memref<4x200x64xf32, #tpu.memory_space<vmem>>, vector<1x1x16xf32>,
        %get3A_408 = arith.index_cast %scan3A_398 : i32 to index
        %get3A_409 = arith.constant 16 : index
        %get3A_410 = tpu.vector_load %arg7[%get3A_408, %get3A_409] {strides = array<i32>} : memref<200x64xf32, #tpu.memory_space<vmem>>, vector<1x16xf32>,
        %get3A_411 = vector.shape_cast %get3A_410 : vector<1x16xf32> to vector<16xf32>
        %swap3A_412 = arith.constant 1 : i32
        %swap3A_413 = arith.index_cast %swap3A_412 : i32 to index
        %swap3A_414 = arith.index_cast %scan3A_398 : i32 to index
        %swap3A_415 = arith.constant 16 : index
        %swap3A_416 = tpu.vector_load %arg8[%swap3A_413, %swap3A_414, %swap3A_415] {strides = array<i32>} : memref<4x200x64xf32, #tpu.memory_space<vmem>>, vector<1x1x16xf32>,
        %swap3A_417 = vector.shape_cast %swap3A_416 : vector<1x1x16xf32> to vector<16xf32>
        %swap3A_418 = vector.shape_cast %get3A_411 : vector<16xf32> to vector<1x1x16xf32>
        tpu.vector_store %arg8[%swap3A_413, %swap3A_414, %swap3A_415], %swap3A_418 {add = true, strides = array<i32>} : memref<4x200x64xf32, #tpu.memory_space<vmem>>, vector<1x1x16xf32>,
        %get3A_419 = arith.index_cast %scan3A_398 : i32 to index
        %get3A_420 = arith.constant 32 : index
        %get3A_421 = tpu.vector_load %arg7[%get3A_419, %get3A_420] {strides = array<i32>} : memref<200x64xf32, #tpu.memory_space<vmem>>, vector<1x16xf32>,
        %get3A_422 = vector.shape_cast %get3A_421 : vector<1x16xf32> to vector<16xf32>
        %swap3A_423 = arith.constant 1 : i32
        %swap3A_424 = arith.index_cast %swap3A_423 : i32 to index
        %swap3A_425 = arith.index_cast %scan3A_398 : i32 to index
        %swap3A_426 = arith.constant 32 : index
        %swap3A_427 = tpu.vector_load %arg8[%swap3A_424, %swap3A_425, %swap3A_426] {strides = array<i32>} : memref<4x200x64xf32, #tpu.memory_space<vmem>>, vector<1x1x16xf32>,
        %swap3A_428 = vector.shape_cast %swap3A_427 : vector<1x1x16xf32> to vector<16xf32>
        %swap3A_429 = vector.shape_cast %get3A_422 : vector<16xf32> to vector<1x1x16xf32>
        tpu.vector_store %arg8[%swap3A_424, %swap3A_425, %swap3A_426], %swap3A_429 {add = true, strides = array<i32>} : memref<4x200x64xf32, #tpu.memory_space<vmem>>, vector<1x1x16xf32>,
        %get3A_430 = arith.index_cast %scan3A_398 : i32 to index
        %get3A_431 = arith.constant 48 : index
        %get3A_432 = tpu.vector_load %arg7[%get3A_430, %get3A_431] {strides = array<i32>} : memref<200x64xf32, #tpu.memory_space<vmem>>, vector<1x16xf32>,
        %get3A_433 = vector.shape_cast %get3A_432 : vector<1x16xf32> to vector<16xf32>
        %swap3A_434 = arith.constant 1 : i32
        %swap3A_435 = arith.index_cast %swap3A_434 : i32 to index
        %swap3A_436 = arith.index_cast %scan3A_398 : i32 to index
        %swap3A_437 = arith.constant 48 : index
        %swap3A_438 = tpu.vector_load %arg8[%swap3A_435, %swap3A_436, %swap3A_437] {strides = array<i32>} : memref<4x200x64xf32, #tpu.memory_space<vmem>>, vector<1x1x16xf32>,
        %swap3A_439 = vector.shape_cast %swap3A_438 : vector<1x1x16xf32> to vector<16xf32>
        %swap3A_440 = vector.shape_cast %get3A_433 : vector<16xf32> to vector<1x1x16xf32>
        tpu.vector_store %arg8[%swap3A_435, %swap3A_436, %swap3A_437], %swap3A_440 {add = true, strides = array<i32>} : memref<4x200x64xf32, #tpu.memory_space<vmem>>, vector<1x1x16xf32>,
        %scan3A_441 = arith.constant 1 : i32
        %scan3A_442 = arith.addi %scan3A_398, %scan3A_441 : i32
        %get3A_443 = arith.index_cast %scan3A_442 : i32 to index
        %get3A_444 = arith.constant 0 : index
        %get3A_445 = tpu.vector_load %arg7[%get3A_443, %get3A_444] {strides = array<i32>} : memref<200x64xf32, #tpu.memory_space<vmem>>, vector<1x16xf32>,
        %get3A_446 = vector.shape_cast %get3A_445 : vector<1x16xf32> to vector<16xf32>
        %swap3A_447 = arith.constant 1 : i32
        %swap3A_448 = arith.index_cast %swap3A_447 : i32 to index
        %swap3A_449 = arith.index_cast %scan3A_442 : i32 to index
        %swap3A_450 = arith.constant 0 : index
        %swap3A_451 = tpu.vector_load %arg8[%swap3A_448, %swap3A_449, %swap3A_450] {strides = array<i32>} : memref<4x200x64xf32, #tpu.memory_space<vmem>>, vector<1x1x16xf32>,
        %swap3A_452 = vector.shape_cast %swap3A_451 : vector<1x1x16xf32> to vector<16xf32>
        %swap3A_453 = vector.shape_cast %get3A_446 : vector<16xf32> to vector<1x1x16xf32>
        tpu.vector_store %arg8[%swap3A_448, %swap3A_449, %swap3A_450], %swap3A_453 {add = true, strides = array<i32>} : memref<4x200x64xf32, #tpu.memory_space<vmem>>, vector<1x1x16xf32>,
        %get3A_454 = arith.index_cast %scan3A_442 : i32 to index
        %get3A_455 = arith.constant 16 : index
        %get3A_456 = tpu.vector_load %arg7[%get3A_454, %get3A_455] {strides = array<i32>} : memref<200x64xf32, #tpu.memory_space<vmem>>, vector<1x16xf32>,
        %get3A_457 = vector.shape_cast %get3A_456 : vector<1x16xf32> to vector<16xf32>
        %swap3A_458 = arith.constant 1 : i32
        %swap3A_459 = arith.index_cast %swap3A_458 : i32 to index
        %swap3A_460 = arith.index_cast %scan3A_442 : i32 to index
        %swap3A_461 = arith.constant 16 : index
        %swap3A_462 = tpu.vector_load %arg8[%swap3A_459, %swap3A_460, %swap3A_461] {strides = array<i32>} : memref<4x200x64xf32, #tpu.memory_space<vmem>>, vector<1x1x16xf32>,
        %swap3A_463 = vector.shape_cast %swap3A_462 : vector<1x1x16xf32> to vector<16xf32>
        %swap3A_464 = vector.shape_cast %get3A_457 : vector<16xf32> to vector<1x1x16xf32>
        tpu.vector_store %arg8[%swap3A_459, %swap3A_460, %swap3A_461], %swap3A_464 {add = true, strides = array<i32>} : memref<4x200x64xf32, #tpu.memory_space<vmem>>, vector<1x1x16xf32>,
        %get3A_465 = arith.index_cast %scan3A_442 : i32 to index
        %get3A_466 = arith.constant 32 : index
        %get3A_467 = tpu.vector_load %arg7[%get3A_465, %get3A_466] {strides = array<i32>} : memref<200x64xf32, #tpu.memory_space<vmem>>, vector<1x16xf32>,
        %get3A_468 = vector.shape_cast %get3A_467 : vector<1x16xf32> to vector<16xf32>
        %swap3A_469 = arith.constant 1 : i32
        %swap3A_470 = arith.index_cast %swap3A_469 : i32 to index
        %swap3A_471 = arith.index_cast %scan3A_442 : i32 to index
        %swap3A_472 = arith.constant 32 : index
        %swap3A_473 = tpu.vector_load %arg8[%swap3A_470, %swap3A_471, %swap3A_472] {strides = array<i32>} : memref<4x200x64xf32, #tpu.memory_space<vmem>>, vector<1x1x16xf32>,
        %swap3A_474 = vector.shape_cast %swap3A_473 : vector<1x1x16xf32> to vector<16xf32>
        %swap3A_475 = vector.shape_cast %get3A_468 : vector<16xf32> to vector<1x1x16xf32>
        tpu.vector_store %arg8[%swap3A_470, %swap3A_471, %swap3A_472], %swap3A_475 {add = true, strides = array<i32>} : memref<4x200x64xf32, #tpu.memory_space<vmem>>, vector<1x1x16xf32>,
        %get3A_476 = arith.index_cast %scan3A_442 : i32 to index
        %get3A_477 = arith.constant 48 : index
        %get3A_478 = tpu.vector_load %arg7[%get3A_476, %get3A_477] {strides = array<i32>} : memref<200x64xf32, #tpu.memory_space<vmem>>, vector<1x16xf32>,
        %get3A_479 = vector.shape_cast %get3A_478 : vector<1x16xf32> to vector<16xf32>
        %swap3A_480 = arith.constant 1 : i32
        %swap3A_481 = arith.index_cast %swap3A_480 : i32 to index
        %swap3A_482 = arith.index_cast %scan3A_442 : i32 to index
        %swap3A_483 = arith.constant 48 : index
        %swap3A_484 = tpu.vector_load %arg8[%swap3A_481, %swap3A_482, %swap3A_483] {strides = array<i32>} : memref<4x200x64xf32, #tpu.memory_space<vmem>>, vector<1x1x16xf32>,
        %swap3A_485 = vector.shape_cast %swap3A_484 : vector<1x1x16xf32> to vector<16xf32>
        %swap3A_486 = vector.shape_cast %get3A_479 : vector<16xf32> to vector<1x1x16xf32>
        tpu.vector_store %arg8[%swap3A_481, %swap3A_482, %swap3A_483], %swap3A_486 {add = true, strides = array<i32>} : memref<4x200x64xf32, #tpu.memory_space<vmem>>, vector<1x1x16xf32>,
        %scan3A_487 = arith.constant 2 : i32
        %scan3A_488 = arith.addi %scan3A_398, %scan3A_487 : i32
        %get3A_489 = arith.index_cast %scan3A_488 : i32 to index
        %get3A_490 = arith.constant 0 : index
        %get3A_491 = tpu.vector_load %arg7[%get3A_489, %get3A_490] {strides = array<i32>} : memref<200x64xf32, #tpu.memory_space<vmem>>, vector<1x16xf32>,
        %get3A_492 = vector.shape_cast %get3A_491 : vector<1x16xf32> to vector<16xf32>
        %swap3A_493 = arith.constant 1 : i32
        %swap3A_494 = arith.index_cast %swap3A_493 : i32 to index
        %swap3A_495 = arith.index_cast %scan3A_488 : i32 to index
        %swap3A_496 = arith.constant 0 : index
        %swap3A_497 = tpu.vector_load %arg8[%swap3A_494, %swap3A_495, %swap3A_496] {strides = array<i32>} : memref<4x200x64xf32, #tpu.memory_space<vmem>>, vector<1x1x16xf32>,
        %swap3A_498 = vector.shape_cast %swap3A_497 : vector<1x1x16xf32> to vector<16xf32>
        %swap3A_499 = vector.shape_cast %get3A_492 : vector<16xf32> to vector<1x1x16xf32>
        tpu.vector_store %arg8[%swap3A_494, %swap3A_495, %swap3A_496], %swap3A_499 {add = true, strides = array<i32>} : memref<4x200x64xf32, #tpu.memory_space<vmem>>, vector<1x1x16xf32>,
        %get3A_500 = arith.index_cast %scan3A_488 : i32 to index
        %get3A_501 = arith.constant 16 : index
        %get3A_502 = tpu.vector_load %arg7[%get3A_500, %get3A_501] {strides = array<i32>} : memref<200x64xf32, #tpu.memory_space<vmem>>, vector<1x16xf32>,
        %get3A_503 = vector.shape_cast %get3A_502 : vector<1x16xf32> to vector<16xf32>
        %swap3A_504 = arith.constant 1 : i32
        %swap3A_505 = arith.index_cast %swap3A_504 : i32 to index
        %swap3A_506 = arith.index_cast %scan3A_488 : i32 to index
        %swap3A_507 = arith.constant 16 : index
        %swap3A_508 = tpu.vector_load %arg8[%swap3A_505, %swap3A_506, %swap3A_507] {strides = array<i32>} : memref<4x200x64xf32, #tpu.memory_space<vmem>>, vector<1x1x16xf32>,
        %swap3A_509 = vector.shape_cast %swap3A_508 : vector<1x1x16xf32> to vector<16xf32>
        %swap3A_510 = vector.shape_cast %get3A_503 : vector<16xf32> to vector<1x1x16xf32>
        tpu.vector_store %arg8[%swap3A_505, %swap3A_506, %swap3A_507], %swap3A_510 {add = true, strides = array<i32>} : memref<4x200x64xf32, #tpu.memory_space<vmem>>, vector<1x1x16xf32>,
        %get3A_511 = arith.index_cast %scan3A_488 : i32 to index
        %get3A_512 = arith.constant 32 : index
        %get3A_513 = tpu.vector_load %arg7[%get3A_511, %get3A_512] {strides = array<i32>} : memref<200x64xf32, #tpu.memory_space<vmem>>, vector<1x16xf32>,
        %get3A_514 = vector.shape_cast %get3A_513 : vector<1x16xf32> to vector<16xf32>
        %swap3A_515 = arith.constant 1 : i32
        %swap3A_516 = arith.index_cast %swap3A_515 : i32 to index
        %swap3A_517 = arith.index_cast %scan3A_488 : i32 to index
        %swap3A_518 = arith.constant 32 : index
        %swap3A_519 = tpu.vector_load %arg8[%swap3A_516, %swap3A_517, %swap3A_518] {strides = array<i32>} : memref<4x200x64xf32, #tpu.memory_space<vmem>>, vector<1x1x16xf32>,
        %swap3A_520 = vector.shape_cast %swap3A_519 : vector<1x1x16xf32> to vector<16xf32>
        %swap3A_521 = vector.shape_cast %get3A_514 : vector<16xf32> to vector<1x1x16xf32>
        tpu.vector_store %arg8[%swap3A_516, %swap3A_517, %swap3A_518], %swap3A_521 {add = true, strides = array<i32>} : memref<4x200x64xf32, #tpu.memory_space<vmem>>, vector<1x1x16xf32>,
        %get3A_522 = arith.index_cast %scan3A_488 : i32 to index
        %get3A_523 = arith.constant 48 : index
        %get3A_524 = tpu.vector_load %arg7[%get3A_522, %get3A_523] {strides = array<i32>} : memref<200x64xf32, #tpu.memory_space<vmem>>, vector<1x16xf32>,
        %get3A_525 = vector.shape_cast %get3A_524 : vector<1x16xf32> to vector<16xf32>
        %swap3A_526 = arith.constant 1 : i32
        %swap3A_527 = arith.index_cast %swap3A_526 : i32 to index
        %swap3A_528 = arith.index_cast %scan3A_488 : i32 to index
        %swap3A_529 = arith.constant 48 : index
        %swap3A_530 = tpu.vector_load %arg8[%swap3A_527, %swap3A_528, %swap3A_529] {strides = array<i32>} : memref<4x200x64xf32, #tpu.memory_space<vmem>>, vector<1x1x16xf32>,
        %swap3A_531 = vector.shape_cast %swap3A_530 : vector<1x1x16xf32> to vector<16xf32>
        %swap3A_532 = vector.shape_cast %get3A_525 : vector<16xf32> to vector<1x1x16xf32>
        tpu.vector_store %arg8[%swap3A_527, %swap3A_528, %swap3A_529], %swap3A_532 {add = true, strides = array<i32>} : memref<4x200x64xf32, #tpu.memory_space<vmem>>, vector<1x1x16xf32>,
        %scan3A_533 = arith.constant 3 : i32
        %scan3A_534 = arith.addi %scan3A_398, %scan3A_533 : i32
        %get3A_535 = arith.index_cast %scan3A_534 : i32 to index
        %get3A_536 = arith.constant 0 : index
        %get3A_537 = tpu.vector_load %arg7[%get3A_535, %get3A_536] {strides = array<i32>} : memref<200x64xf32, #tpu.memory_space<vmem>>, vector<1x16xf32>,
        %get3A_538 = vector.shape_cast %get3A_537 : vector<1x16xf32> to vector<16xf32>
        %swap3A_539 = arith.constant 1 : i32
        %swap3A_540 = arith.index_cast %swap3A_539 : i32 to index
        %swap3A_541 = arith.index_cast %scan3A_534 : i32 to index
        %swap3A_542 = arith.constant 0 : index
        %swap3A_543 = tpu.vector_load %arg8[%swap3A_540, %swap3A_541, %swap3A_542] {strides = array<i32>} : memref<4x200x64xf32, #tpu.memory_space<vmem>>, vector<1x1x16xf32>,
        %swap3A_544 = vector.shape_cast %swap3A_543 : vector<1x1x16xf32> to vector<16xf32>
        %swap3A_545 = vector.shape_cast %get3A_538 : vector<16xf32> to vector<1x1x16xf32>
        tpu.vector_store %arg8[%swap3A_540, %swap3A_541, %swap3A_542], %swap3A_545 {add = true, strides = array<i32>} : memref<4x200x64xf32, #tpu.memory_space<vmem>>, vector<1x1x16xf32>,
        %get3A_546 = arith.index_cast %scan3A_534 : i32 to index
        %get3A_547 = arith.constant 16 : index
        %get3A_548 = tpu.vector_load %arg7[%get3A_546, %get3A_547] {strides = array<i32>} : memref<200x64xf32, #tpu.memory_space<vmem>>, vector<1x16xf32>,
        %get3A_549 = vector.shape_cast %get3A_548 : vector<1x16xf32> to vector<16xf32>
        %swap3A_550 = arith.constant 1 : i32
        %swap3A_551 = arith.index_cast %swap3A_550 : i32 to index
        %swap3A_552 = arith.index_cast %scan3A_534 : i32 to index
        %swap3A_553 = arith.constant 16 : index
        %swap3A_554 = tpu.vector_load %arg8[%swap3A_551, %swap3A_552, %swap3A_553] {strides = array<i32>} : memref<4x200x64xf32, #tpu.memory_space<vmem>>, vector<1x1x16xf32>,
        %swap3A_555 = vector.shape_cast %swap3A_554 : vector<1x1x16xf32> to vector<16xf32>
        %swap3A_556 = vector.shape_cast %get3A_549 : vector<16xf32> to vector<1x1x16xf32>
        tpu.vector_store %arg8[%swap3A_551, %swap3A_552, %swap3A_553], %swap3A_556 {add = true, strides = array<i32>} : memref<4x200x64xf32, #tpu.memory_space<vmem>>, vector<1x1x16xf32>,
        %get3A_557 = arith.index_cast %scan3A_534 : i32 to index
        %get3A_558 = arith.constant 32 : index
        %get3A_559 = tpu.vector_load %arg7[%get3A_557, %get3A_558] {strides = array<i32>} : memref<200x64xf32, #tpu.memory_space<vmem>>, vector<1x16xf32>,
        %get3A_560 = vector.shape_cast %get3A_559 : vector<1x16xf32> to vector<16xf32>
        %swap3A_561 = arith.constant 1 : i32
        %swap3A_562 = arith.index_cast %swap3A_561 : i32 to index
        %swap3A_563 = arith.index_cast %scan3A_534 : i32 to index
        %swap3A_564 = arith.constant 32 : index
        %swap3A_565 = tpu.vector_load %arg8[%swap3A_562, %swap3A_563, %swap3A_564] {strides = array<i32>} : memref<4x200x64xf32, #tpu.memory_space<vmem>>, vector<1x1x16xf32>,
        %swap3A_566 = vector.shape_cast %swap3A_565 : vector<1x1x16xf32> to vector<16xf32>
        %swap3A_567 = vector.shape_cast %get3A_560 : vector<16xf32> to vector<1x1x16xf32>
        tpu.vector_store %arg8[%swap3A_562, %swap3A_563, %swap3A_564], %swap3A_567 {add = true, strides = array<i32>} : memref<4x200x64xf32, #tpu.memory_space<vmem>>, vector<1x1x16xf32>,
        %get3A_568 = arith.index_cast %scan3A_534 : i32 to index
        %get3A_569 = arith.constant 48 : index
        %get3A_570 = tpu.vector_load %arg7[%get3A_568, %get3A_569] {strides = array<i32>} : memref<200x64xf32, #tpu.memory_space<vmem>>, vector<1x16xf32>,
        %get3A_571 = vector.shape_cast %get3A_570 : vector<1x16xf32> to vector<16xf32>
        %swap3A_572 = arith.constant 1 : i32
        %swap3A_573 = arith.index_cast %swap3A_572 : i32 to index
        %swap3A_574 = arith.index_cast %scan3A_534 : i32 to index
        %swap3A_575 = arith.constant 48 : index
        %swap3A_576 = tpu.vector_load %arg8[%swap3A_573, %swap3A_574, %swap3A_575] {strides = array<i32>} : memref<4x200x64xf32, #tpu.memory_space<vmem>>, vector<1x1x16xf32>,
        %swap3A_577 = vector.shape_cast %swap3A_576 : vector<1x1x16xf32> to vector<16xf32>
        %swap3A_578 = vector.shape_cast %get3A_571 : vector<16xf32> to vector<1x1x16xf32>
        tpu.vector_store %arg8[%swap3A_573, %swap3A_574, %swap3A_575], %swap3A_578 {add = true, strides = array<i32>} : memref<4x200x64xf32, #tpu.memory_space<vmem>>, vector<1x1x16xf32>,
        %scan3A_579 = arith.constant 4 : i32
        %scan3A_580 = arith.addi %scan3A_398, %scan3A_579 : i32
        %get3A_581 = arith.index_cast %scan3A_580 : i32 to index
        %get3A_582 = arith.constant 0 : index
        %get3A_583 = tpu.vector_load %arg7[%get3A_581, %get3A_582] {strides = array<i32>} : memref<200x64xf32, #tpu.memory_space<vmem>>, vector<1x16xf32>,
        %get3A_584 = vector.shape_cast %get3A_583 : vector<1x16xf32> to vector<16xf32>
        %swap3A_585 = arith.constant 1 : i32
        %swap3A_586 = arith.index_cast %swap3A_585 : i32 to index
        %swap3A_587 = arith.index_cast %scan3A_580 : i32 to index
        %swap3A_588 = arith.constant 0 : index
        %swap3A_589 = tpu.vector_load %arg8[%swap3A_586, %swap3A_587, %swap3A_588] {strides = array<i32>} : memref<4x200x64xf32, #tpu.memory_space<vmem>>, vector<1x1x16xf32>,
        %swap3A_590 = vector.shape_cast %swap3A_589 : vector<1x1x16xf32> to vector<16xf32>
        %swap3A_591 = vector.shape_cast %get3A_584 : vector<16xf32> to vector<1x1x16xf32>
        tpu.vector_store %arg8[%swap3A_586, %swap3A_587, %swap3A_588], %swap3A_591 {add = true, strides = array<i32>} : memref<4x200x64xf32, #tpu.memory_space<vmem>>, vector<1x1x16xf32>,
        %get3A_592 = arith.index_cast %scan3A_580 : i32 to index
        %get3A_593 = arith.constant 16 : index
        %get3A_594 = tpu.vector_load %arg7[%get3A_592, %get3A_593] {strides = array<i32>} : memref<200x64xf32, #tpu.memory_space<vmem>>, vector<1x16xf32>,
        %get3A_595 = vector.shape_cast %get3A_594 : vector<1x16xf32> to vector<16xf32>
        %swap3A_596 = arith.constant 1 : i32
        %swap3A_597 = arith.index_cast %swap3A_596 : i32 to index
        %swap3A_598 = arith.index_cast %scan3A_580 : i32 to index
        %swap3A_599 = arith.constant 16 : index
        %swap3A_600 = tpu.vector_load %arg8[%swap3A_597, %swap3A_598, %swap3A_599] {strides = array<i32>} : memref<4x200x64xf32, #tpu.memory_space<vmem>>, vector<1x1x16xf32>,
        %swap3A_601 = vector.shape_cast %swap3A_600 : vector<1x1x16xf32> to vector<16xf32>
        %swap3A_602 = vector.shape_cast %get3A_595 : vector<16xf32> to vector<1x1x16xf32>
        tpu.vector_store %arg8[%swap3A_597, %swap3A_598, %swap3A_599], %swap3A_602 {add = true, strides = array<i32>} : memref<4x200x64xf32, #tpu.memory_space<vmem>>, vector<1x1x16xf32>,
        %get3A_603 = arith.index_cast %scan3A_580 : i32 to index
        %get3A_604 = arith.constant 32 : index
        %get3A_605 = tpu.vector_load %arg7[%get3A_603, %get3A_604] {strides = array<i32>} : memref<200x64xf32, #tpu.memory_space<vmem>>, vector<1x16xf32>,
        %get3A_606 = vector.shape_cast %get3A_605 : vector<1x16xf32> to vector<16xf32>
        %swap3A_607 = arith.constant 1 : i32
        %swap3A_608 = arith.index_cast %swap3A_607 : i32 to index
        %swap3A_609 = arith.index_cast %scan3A_580 : i32 to index
        %swap3A_610 = arith.constant 32 : index
        %swap3A_611 = tpu.vector_load %arg8[%swap3A_608, %swap3A_609, %swap3A_610] {strides = array<i32>} : memref<4x200x64xf32, #tpu.memory_space<vmem>>, vector<1x1x16xf32>,
        %swap3A_612 = vector.shape_cast %swap3A_611 : vector<1x1x16xf32> to vector<16xf32>
        %swap3A_613 = vector.shape_cast %get3A_606 : vector<16xf32> to vector<1x1x16xf32>
        tpu.vector_store %arg8[%swap3A_608, %swap3A_609, %swap3A_610], %swap3A_613 {add = true, strides = array<i32>} : memref<4x200x64xf32, #tpu.memory_space<vmem>>, vector<1x1x16xf32>,
        %get3A_614 = arith.index_cast %scan3A_580 : i32 to index
        %get3A_615 = arith.constant 48 : index
        %get3A_616 = tpu.vector_load %arg7[%get3A_614, %get3A_615] {strides = array<i32>} : memref<200x64xf32, #tpu.memory_space<vmem>>, vector<1x16xf32>,
        %get3A_617 = vector.shape_cast %get3A_616 : vector<1x16xf32> to vector<16xf32>
        %swap3A_618 = arith.constant 1 : i32
        %swap3A_619 = arith.index_cast %swap3A_618 : i32 to index
        %swap3A_620 = arith.index_cast %scan3A_580 : i32 to index
        %swap3A_621 = arith.constant 48 : index
        %swap3A_622 = tpu.vector_load %arg8[%swap3A_619, %swap3A_620, %swap3A_621] {strides = array<i32>} : memref<4x200x64xf32, #tpu.memory_space<vmem>>, vector<1x1x16xf32>,
        %swap3A_623 = vector.shape_cast %swap3A_622 : vector<1x1x16xf32> to vector<16xf32>
        %swap3A_624 = vector.shape_cast %get3A_617 : vector<16xf32> to vector<1x1x16xf32>
        tpu.vector_store %arg8[%swap3A_619, %swap3A_620, %swap3A_621], %swap3A_624 {add = true, strides = array<i32>} : memref<4x200x64xf32, #tpu.memory_space<vmem>>, vector<1x1x16xf32>,
        %scan3A_625 = arith.constant 5 : i32
        %scan3A_626 = arith.addi %scan3A_398, %scan3A_625 : i32
        %get3A_627 = arith.index_cast %scan3A_626 : i32 to index
        %get3A_628 = arith.constant 0 : index
        %get3A_629 = tpu.vector_load %arg7[%get3A_627, %get3A_628] {strides = array<i32>} : memref<200x64xf32, #tpu.memory_space<vmem>>, vector<1x16xf32>,
        %get3A_630 = vector.shape_cast %get3A_629 : vector<1x16xf32> to vector<16xf32>
        %swap3A_631 = arith.constant 1 : i32
        %swap3A_632 = arith.index_cast %swap3A_631 : i32 to index
        %swap3A_633 = arith.index_cast %scan3A_626 : i32 to index
        %swap3A_634 = arith.constant 0 : index
        %swap3A_635 = tpu.vector_load %arg8[%swap3A_632, %swap3A_633, %swap3A_634] {strides = array<i32>} : memref<4x200x64xf32, #tpu.memory_space<vmem>>, vector<1x1x16xf32>,
        %swap3A_636 = vector.shape_cast %swap3A_635 : vector<1x1x16xf32> to vector<16xf32>
        %swap3A_637 = vector.shape_cast %get3A_630 : vector<16xf32> to vector<1x1x16xf32>
        tpu.vector_store %arg8[%swap3A_632, %swap3A_633, %swap3A_634], %swap3A_637 {add = true, strides = array<i32>} : memref<4x200x64xf32, #tpu.memory_space<vmem>>, vector<1x1x16xf32>,
        %get3A_638 = arith.index_cast %scan3A_626 : i32 to index
        %get3A_639 = arith.constant 16 : index
        %get3A_640 = tpu.vector_load %arg7[%get3A_638, %get3A_639] {strides = array<i32>} : memref<200x64xf32, #tpu.memory_space<vmem>>, vector<1x16xf32>,
        %get3A_641 = vector.shape_cast %get3A_640 : vector<1x16xf32> to vector<16xf32>
        %swap3A_642 = arith.constant 1 : i32
        %swap3A_643 = arith.index_cast %swap3A_642 : i32 to index
        %swap3A_644 = arith.index_cast %scan3A_626 : i32 to index
        %swap3A_645 = arith.constant 16 : index
        %swap3A_646 = tpu.vector_load %arg8[%swap3A_643, %swap3A_644, %swap3A_645] {strides = array<i32>} : memref<4x200x64xf32, #tpu.memory_space<vmem>>, vector<1x1x16xf32>,
        %swap3A_647 = vector.shape_cast %swap3A_646 : vector<1x1x16xf32> to vector<16xf32>
        %swap3A_648 = vector.shape_cast %get3A_641 : vector<16xf32> to vector<1x1x16xf32>
        tpu.vector_store %arg8[%swap3A_643, %swap3A_644, %swap3A_645], %swap3A_648 {add = true, strides = array<i32>} : memref<4x200x64xf32, #tpu.memory_space<vmem>>, vector<1x1x16xf32>,
        %get3A_649 = arith.index_cast %scan3A_626 : i32 to index
        %get3A_650 = arith.constant 32 : index
        %get3A_651 = tpu.vector_load %arg7[%get3A_649, %get3A_650] {strides = array<i32>} : memref<200x64xf32, #tpu.memory_space<vmem>>, vector<1x16xf32>,
        %get3A_652 = vector.shape_cast %get3A_651 : vector<1x16xf32> to vector<16xf32>
        %swap3A_653 = arith.constant 1 : i32
        %swap3A_654 = arith.index_cast %swap3A_653 : i32 to index
        %swap3A_655 = arith.index_cast %scan3A_626 : i32 to index
        %swap3A_656 = arith.constant 32 : index
        %swap3A_657 = tpu.vector_load %arg8[%swap3A_654, %swap3A_655, %swap3A_656] {strides = array<i32>} : memref<4x200x64xf32, #tpu.memory_space<vmem>>, vector<1x1x16xf32>,
        %swap3A_658 = vector.shape_cast %swap3A_657 : vector<1x1x16xf32> to vector<16xf32>
        %swap3A_659 = vector.shape_cast %get3A_652 : vector<16xf32> to vector<1x1x16xf32>
        tpu.vector_store %arg8[%swap3A_654, %swap3A_655, %swap3A_656], %swap3A_659 {add = true, strides = array<i32>} : memref<4x200x64xf32, #tpu.memory_space<vmem>>, vector<1x1x16xf32>,
        %get3A_660 = arith.index_cast %scan3A_626 : i32 to index
        %get3A_661 = arith.constant 48 : index
        %get3A_662 = tpu.vector_load %arg7[%get3A_660, %get3A_661] {strides = array<i32>} : memref<200x64xf32, #tpu.memory_space<vmem>>, vector<1x16xf32>,
        %get3A_663 = vector.shape_cast %get3A_662 : vector<1x16xf32> to vector<16xf32>
        %swap3A_664 = arith.constant 1 : i32
        %swap3A_665 = arith.index_cast %swap3A_664 : i32 to index
        %swap3A_666 = arith.index_cast %scan3A_626 : i32 to index
        %swap3A_667 = arith.constant 48 : index
        %swap3A_668 = tpu.vector_load %arg8[%swap3A_665, %swap3A_666, %swap3A_667] {strides = array<i32>} : memref<4x200x64xf32, #tpu.memory_space<vmem>>, vector<1x1x16xf32>,
        %swap3A_669 = vector.shape_cast %swap3A_668 : vector<1x1x16xf32> to vector<16xf32>
        %swap3A_670 = vector.shape_cast %get3A_663 : vector<16xf32> to vector<1x1x16xf32>
        tpu.vector_store %arg8[%swap3A_665, %swap3A_666, %swap3A_667], %swap3A_670 {add = true, strides = array<i32>} : memref<4x200x64xf32, #tpu.memory_space<vmem>>, vector<1x1x16xf32>,
        %scan3A_671 = arith.constant 6 : i32
        %scan3A_672 = arith.addi %scan3A_398, %scan3A_671 : i32
        %get3A_673 = arith.index_cast %scan3A_672 : i32 to index
        %get3A_674 = arith.constant 0 : index
        %get3A_675 = tpu.vector_load %arg7[%get3A_673, %get3A_674] {strides = array<i32>} : memref<200x64xf32, #tpu.memory_space<vmem>>, vector<1x16xf32>,
        %get3A_676 = vector.shape_cast %get3A_675 : vector<1x16xf32> to vector<16xf32>
        %swap3A_677 = arith.constant 1 : i32
        %swap3A_678 = arith.index_cast %swap3A_677 : i32 to index
        %swap3A_679 = arith.index_cast %scan3A_672 : i32 to index
        %swap3A_680 = arith.constant 0 : index
        %swap3A_681 = tpu.vector_load %arg8[%swap3A_678, %swap3A_679, %swap3A_680] {strides = array<i32>} : memref<4x200x64xf32, #tpu.memory_space<vmem>>, vector<1x1x16xf32>,
        %swap3A_682 = vector.shape_cast %swap3A_681 : vector<1x1x16xf32> to vector<16xf32>
        %swap3A_683 = vector.shape_cast %get3A_676 : vector<16xf32> to vector<1x1x16xf32>
        tpu.vector_store %arg8[%swap3A_678, %swap3A_679, %swap3A_680], %swap3A_683 {add = true, strides = array<i32>} : memref<4x200x64xf32, #tpu.memory_space<vmem>>, vector<1x1x16xf32>,
        %get3A_684 = arith.index_cast %scan3A_672 : i32 to index
        %get3A_685 = arith.constant 16 : index
        %get3A_686 = tpu.vector_load %arg7[%get3A_684, %get3A_685] {strides = array<i32>} : memref<200x64xf32, #tpu.memory_space<vmem>>, vector<1x16xf32>,
        %get3A_687 = vector.shape_cast %get3A_686 : vector<1x16xf32> to vector<16xf32>
        %swap3A_688 = arith.constant 1 : i32
        %swap3A_689 = arith.index_cast %swap3A_688 : i32 to index
        %swap3A_690 = arith.index_cast %scan3A_672 : i32 to index
        %swap3A_691 = arith.constant 16 : index
        %swap3A_692 = tpu.vector_load %arg8[%swap3A_689, %swap3A_690, %swap3A_691] {strides = array<i32>} : memref<4x200x64xf32, #tpu.memory_space<vmem>>, vector<1x1x16xf32>,
        %swap3A_693 = vector.shape_cast %swap3A_692 : vector<1x1x16xf32> to vector<16xf32>
        %swap3A_694 = vector.shape_cast %get3A_687 : vector<16xf32> to vector<1x1x16xf32>
        tpu.vector_store %arg8[%swap3A_689, %swap3A_690, %swap3A_691], %swap3A_694 {add = true, strides = array<i32>} : memref<4x200x64xf32, #tpu.memory_space<vmem>>, vector<1x1x16xf32>,
        %get3A_695 = arith.index_cast %scan3A_672 : i32 to index
        %get3A_696 = arith.constant 32 : index
        %get3A_697 = tpu.vector_load %arg7[%get3A_695, %get3A_696] {strides = array<i32>} : memref<200x64xf32, #tpu.memory_space<vmem>>, vector<1x16xf32>,
        %get3A_698 = vector.shape_cast %get3A_697 : vector<1x16xf32> to vector<16xf32>
        %swap3A_699 = arith.constant 1 : i32
        %swap3A_700 = arith.index_cast %swap3A_699 : i32 to index
        %swap3A_701 = arith.index_cast %scan3A_672 : i32 to index
        %swap3A_702 = arith.constant 32 : index
        %swap3A_703 = tpu.vector_load %arg8[%swap3A_700, %swap3A_701, %swap3A_702] {strides = array<i32>} : memref<4x200x64xf32, #tpu.memory_space<vmem>>, vector<1x1x16xf32>,
        %swap3A_704 = vector.shape_cast %swap3A_703 : vector<1x1x16xf32> to vector<16xf32>
        %swap3A_705 = vector.shape_cast %get3A_698 : vector<16xf32> to vector<1x1x16xf32>
        tpu.vector_store %arg8[%swap3A_700, %swap3A_701, %swap3A_702], %swap3A_705 {add = true, strides = array<i32>} : memref<4x200x64xf32, #tpu.memory_space<vmem>>, vector<1x1x16xf32>,
        %get3A_706 = arith.index_cast %scan3A_672 : i32 to index
        %get3A_707 = arith.constant 48 : index
        %get3A_708 = tpu.vector_load %arg7[%get3A_706, %get3A_707] {strides = array<i32>} : memref<200x64xf32, #tpu.memory_space<vmem>>, vector<1x16xf32>,
        %get3A_709 = vector.shape_cast %get3A_708 : vector<1x16xf32> to vector<16xf32>
        %swap3A_710 = arith.constant 1 : i32
        %swap3A_711 = arith.index_cast %swap3A_710 : i32 to index
        %swap3A_712 = arith.index_cast %scan3A_672 : i32 to index
        %swap3A_713 = arith.constant 48 : index
        %swap3A_714 = tpu.vector_load %arg8[%swap3A_711, %swap3A_712, %swap3A_713] {strides = array<i32>} : memref<4x200x64xf32, #tpu.memory_space<vmem>>, vector<1x1x16xf32>,
        %swap3A_715 = vector.shape_cast %swap3A_714 : vector<1x1x16xf32> to vector<16xf32>
        %swap3A_716 = vector.shape_cast %get3A_709 : vector<16xf32> to vector<1x1x16xf32>
        tpu.vector_store %arg8[%swap3A_711, %swap3A_712, %swap3A_713], %swap3A_716 {add = true, strides = array<i32>} : memref<4x200x64xf32, #tpu.memory_space<vmem>>, vector<1x1x16xf32>,
        %scan3A_717 = arith.constant 7 : i32
        %scan3A_718 = arith.addi %scan3A_398, %scan3A_717 : i32
        %get3A_719 = arith.index_cast %scan3A_718 : i32 to index
        %get3A_720 = arith.constant 0 : index
        %get3A_721 = tpu.vector_load %arg7[%get3A_719, %get3A_720] {strides = array<i32>} : memref<200x64xf32, #tpu.memory_space<vmem>>, vector<1x16xf32>,
        %get3A_722 = vector.shape_cast %get3A_721 : vector<1x16xf32> to vector<16xf32>
        %swap3A_723 = arith.constant 1 : i32
        %swap3A_724 = arith.index_cast %swap3A_723 : i32 to index
        %swap3A_725 = arith.index_cast %scan3A_718 : i32 to index
        %swap3A_726 = arith.constant 0 : index
        %swap3A_727 = tpu.vector_load %arg8[%swap3A_724, %swap3A_725, %swap3A_726] {strides = array<i32>} : memref<4x200x64xf32, #tpu.memory_space<vmem>>, vector<1x1x16xf32>,
        %swap3A_728 = vector.shape_cast %swap3A_727 : vector<1x1x16xf32> to vector<16xf32>
        %swap3A_729 = vector.shape_cast %get3A_722 : vector<16xf32> to vector<1x1x16xf32>
        tpu.vector_store %arg8[%swap3A_724, %swap3A_725, %swap3A_726], %swap3A_729 {add = true, strides = array<i32>} : memref<4x200x64xf32, #tpu.memory_space<vmem>>, vector<1x1x16xf32>,
        %get3A_730 = arith.index_cast %scan3A_718 : i32 to index
        %get3A_731 = arith.constant 16 : index
        %get3A_732 = tpu.vector_load %arg7[%get3A_730, %get3A_731] {strides = array<i32>} : memref<200x64xf32, #tpu.memory_space<vmem>>, vector<1x16xf32>,
        %get3A_733 = vector.shape_cast %get3A_732 : vector<1x16xf32> to vector<16xf32>
        %swap3A_734 = arith.constant 1 : i32
        %swap3A_735 = arith.index_cast %swap3A_734 : i32 to index
        %swap3A_736 = arith.index_cast %scan3A_718 : i32 to index
        %swap3A_737 = arith.constant 16 : index
        %swap3A_738 = tpu.vector_load %arg8[%swap3A_735, %swap3A_736, %swap3A_737] {strides = array<i32>} : memref<4x200x64xf32, #tpu.memory_space<vmem>>, vector<1x1x16xf32>,
        %swap3A_739 = vector.shape_cast %swap3A_738 : vector<1x1x16xf32> to vector<16xf32>
        %swap3A_740 = vector.shape_cast %get3A_733 : vector<16xf32> to vector<1x1x16xf32>
        tpu.vector_store %arg8[%swap3A_735, %swap3A_736, %swap3A_737], %swap3A_740 {add = true, strides = array<i32>} : memref<4x200x64xf32, #tpu.memory_space<vmem>>, vector<1x1x16xf32>,
        %get3A_741 = arith.index_cast %scan3A_718 : i32 to index
        %get3A_742 = arith.constant 32 : index
        %get3A_743 = tpu.vector_load %arg7[%get3A_741, %get3A_742] {strides = array<i32>} : memref<200x64xf32, #tpu.memory_space<vmem>>, vector<1x16xf32>,
        %get3A_744 = vector.shape_cast %get3A_743 : vector<1x16xf32> to vector<16xf32>
        %swap3A_745 = arith.constant 1 : i32
        %swap3A_746 = arith.index_cast %swap3A_745 : i32 to index
        %swap3A_747 = arith.index_cast %scan3A_718 : i32 to index
        %swap3A_748 = arith.constant 32 : index
        %swap3A_749 = tpu.vector_load %arg8[%swap3A_746, %swap3A_747, %swap3A_748] {strides = array<i32>} : memref<4x200x64xf32, #tpu.memory_space<vmem>>, vector<1x1x16xf32>,
        %swap3A_750 = vector.shape_cast %swap3A_749 : vector<1x1x16xf32> to vector<16xf32>
        %swap3A_751 = vector.shape_cast %get3A_744 : vector<16xf32> to vector<1x1x16xf32>
        tpu.vector_store %arg8[%swap3A_746, %swap3A_747, %swap3A_748], %swap3A_751 {add = true, strides = array<i32>} : memref<4x200x64xf32, #tpu.memory_space<vmem>>, vector<1x1x16xf32>,
        %get3A_752 = arith.index_cast %scan3A_718 : i32 to index
        %get3A_753 = arith.constant 48 : index
        %get3A_754 = tpu.vector_load %arg7[%get3A_752, %get3A_753] {strides = array<i32>} : memref<200x64xf32, #tpu.memory_space<vmem>>, vector<1x16xf32>,
        %get3A_755 = vector.shape_cast %get3A_754 : vector<1x16xf32> to vector<16xf32>
        %swap3A_756 = arith.constant 1 : i32
        %swap3A_757 = arith.index_cast %swap3A_756 : i32 to index
        %swap3A_758 = arith.index_cast %scan3A_718 : i32 to index
        %swap3A_759 = arith.constant 48 : index
        %swap3A_760 = tpu.vector_load %arg8[%swap3A_757, %swap3A_758, %swap3A_759] {strides = array<i32>} : memref<4x200x64xf32, #tpu.memory_space<vmem>>, vector<1x1x16xf32>,
        %swap3A_761 = vector.shape_cast %swap3A_760 : vector<1x1x16xf32> to vector<16xf32>
        %swap3A_762 = vector.shape_cast %get3A_755 : vector<16xf32> to vector<1x1x16xf32>
        tpu.vector_store %arg8[%swap3A_757, %swap3A_758, %swap3A_759], %swap3A_762 {add = true, strides = array<i32>} : memref<4x200x64xf32, #tpu.memory_space<vmem>>, vector<1x1x16xf32>,
      }
      %scan3A_250 = arith.constant 200 : i32
      %add3A_251 = arith.addi %mul3A_2, %add3A_207 : i32
      %mul3A_252 = arith.constant 200 : i32
      %mul3A_253 = arith.muli %add3A_251, %mul3A_252 : i32
      %dma_start3A_254 = arith.constant 1 : i32
      %dma_start3A_255 = arith.constant 1 : i32
      %dma_start3A_256 = arith.constant 0 : i32
      %dma_start3A_257 = arith.constant 0 : i32
      %dma_start3A_258 = tpu.memref_slice %arg8[%dma_start3A_254, %dma_start3A_256, %dma_start3A_257] : memref<4x200x64xf32, #tpu.memory_space<vmem>> -> memref<1x200x64xf32, #tpu.memory_space<vmem>>
      %dma_start3A_259 = tpu.memref_squeeze %dma_start3A_258 : memref<1x200x64xf32, #tpu.memory_space<vmem>> -> memref<200x64xf32, #tpu.memory_space<vmem>>
      %dma_start3A_260 = arith.constant 0 : i32
      %dma_start3A_261 = tpu.memref_slice %arg5[%mul3A_253, %dma_start3A_260] : memref<819200x128xf32, #tpu.memory_space<hbm>> -> memref<200x64xf32, #tpu.memory_space<hbm>>
      %dma_start3A_262 = tpu.memref_slice %arg10[%dma_start3A_255] : memref<4x!tpu.dma_semaphore, #tpu.memory_space<semaphore_mem>> -> memref<1x!tpu.dma_semaphore, #tpu.memory_space<semaphore_mem>>
      %dma_start3A_263 = tpu.memref_squeeze %dma_start3A_262 : memref<1x!tpu.dma_semaphore, #tpu.memory_space<semaphore_mem>> -> memref<!tpu.dma_semaphore, #tpu.memory_space<semaphore_mem>>
      %dma_start3A_264 = arith.constant 0 : i32
      %dma_start3A_265 = tpu.memref_slice %arg5[%mul3A_253, %dma_start3A_264] : memref<819200x128xf32, #tpu.memory_space<hbm>> -> memref<200x64xf32, #tpu.memory_space<hbm>>
      %dma_start3A_266 = arith.constant 0 : i32
      %dma_start3A_267 = arith.constant 0 : i32
      %dma_start3A_268 = tpu.memref_slice %arg8[%dma_start3A_254, %dma_start3A_266, %dma_start3A_267] : memref<4x200x64xf32, #tpu.memory_space<vmem>> -> memref<1x200x64xf32, #tpu.memory_space<vmem>>
      %dma_start3A_269 = tpu.memref_squeeze %dma_start3A_268 : memref<1x200x64xf32, #tpu.memory_space<vmem>> -> memref<200x64xf32, #tpu.memory_space<vmem>>
      tpu.enqueue_dma source(%dma_start3A_269 : memref<200x64xf32, #tpu.memory_space<vmem>>) target(%dma_start3A_265 : memref<200x64xf32, #tpu.memory_space<hbm>>) target_semaphore(%dma_start3A_263 : memref<!tpu.dma_semaphore, #tpu.memory_space<semaphore_mem>>)
      %add3A_270 = arith.constant 2 : i32
      %add3A_271 = arith.addi %mul3A_144, %add3A_270 : i32
      %add3A_272 = arith.constant 2 : i32
      %add3A_273 = arith.addi %add3A_271, %add3A_272 : i32
      %lt3A_274 = arith.constant 128 : i32
      %lt3A_275 = arith.cmpi slt, %add3A_273, %lt3A_274 : i32
      %convert_element_type3A_276 = arith.extui %lt3A_275 : i1 to i32
      %cond3A_277 = arith.constant 0 : i32
      %cond3A_278 = arith.cmpi ne, %convert_element_type3A_276, %cond3A_277 : i32
      scf.if %cond3A_278 {
        %ge3A = arith.constant 4 : i32
        %ge3A_398 = arith.cmpi sge, %add3A_273, %ge3A : i32
        %convert_element_type3A_399 = arith.extui %ge3A_398 : i1 to i32
        %cond3A_400 = arith.constant 0 : i32
        %cond3A_401 = arith.cmpi ne, %convert_element_type3A_399, %cond3A_400 : i32
        scf.if %cond3A_401 {
          %mul3A_432 = arith.constant 200 : i32
          %mul3A_433 = arith.muli %mul3A_2, %mul3A_432 : i32
          %dma_wait3A_434 = arith.constant 0 : i32
          %dma_wait3A_435 = arith.constant 0 : i32
          %dma_wait3A_436 = arith.constant 0 : i32
          %dma_wait3A_437 = arith.constant 0 : i32
          %dma_wait3A_438 = tpu.memref_slice %arg8[%dma_wait3A_434, %dma_wait3A_436, %dma_wait3A_437] : memref<4x200x64xf32, #tpu.memory_space<vmem>> -> memref<1x200x64xf32, #tpu.memory_space<vmem>>
          %dma_wait3A_439 = tpu.memref_squeeze %dma_wait3A_438 : memref<1x200x64xf32, #tpu.memory_space<vmem>> -> memref<200x64xf32, #tpu.memory_space<vmem>>
          %dma_wait3A_440 = arith.constant 0 : i32
          %dma_wait3A_441 = tpu.memref_slice %arg5[%mul3A_433, %dma_wait3A_440] : memref<819200x128xf32, #tpu.memory_space<hbm>> -> memref<200x64xf32, #tpu.memory_space<hbm>>
          %dma_wait3A_442 = tpu.memref_slice %arg10[%dma_wait3A_435] : memref<4x!tpu.dma_semaphore, #tpu.memory_space<semaphore_mem>> -> memref<1x!tpu.dma_semaphore, #tpu.memory_space<semaphore_mem>>
          %dma_wait3A_443 = tpu.memref_squeeze %dma_wait3A_442 : memref<1x!tpu.dma_semaphore, #tpu.memory_space<semaphore_mem>> -> memref<!tpu.dma_semaphore, #tpu.memory_space<semaphore_mem>>
          %dma_wait3A_444 = arith.constant 0 : i32
          %dma_wait3A_445 = tpu.memref_slice %arg5[%mul3A_433, %dma_wait3A_444] : memref<819200x128xf32, #tpu.memory_space<hbm>> -> memref<200x64xf32, #tpu.memory_space<hbm>>
          %dma_wait3A_446 = arith.constant 0 : i32
          %dma_wait3A_447 = arith.constant 0 : i32
          %dma_wait3A_448 = tpu.memref_slice %arg8[%dma_wait3A_434, %dma_wait3A_446, %dma_wait3A_447] : memref<4x200x64xf32, #tpu.memory_space<vmem>> -> memref<1x200x64xf32, #tpu.memory_space<vmem>>
          %dma_wait3A_449 = tpu.memref_squeeze %dma_wait3A_448 : memref<1x200x64xf32, #tpu.memory_space<vmem>> -> memref<200x64xf32, #tpu.memory_space<vmem>>
          tpu.wait_dma2 semaphore(%dma_wait3A_443 : memref<!tpu.dma_semaphore, #tpu.memory_space<semaphore_mem>>) src(%dma_wait3A_449 : memref<200x64xf32, #tpu.memory_space<vmem>>) dst(%dma_wait3A_445 : memref<200x64xf32, #tpu.memory_space<hbm>>)
        } else {
        }
        %dma_start3A_402 = arith.constant 0 : i32
        %dma_start3A_403 = arith.constant 0 : i32
        %dma_start3A_404 = arith.constant 0 : i32
        %dma_start3A_405 = arith.constant 0 : i32
        %dma_start3A_406 = arith.constant 0 : i32
        %dma_start3A_407 = tpu.memref_slice %arg8[%dma_start3A_403, %dma_start3A_405, %dma_start3A_406] : memref<4x200x64xf32, #tpu.memory_space<vmem>> -> memref<1x100x64xf32, #tpu.memory_space<vmem>>
        %dma_start3A_408 = tpu.memref_squeeze %dma_start3A_407 : memref<1x100x64xf32, #tpu.memory_space<vmem>> -> memref<100x64xf32, #tpu.memory_space<vmem>>
        %dma_start3A_409 = arith.constant 0 : i32
        %dma_start3A_410 = tpu.memref_slice %arg6[%add3A_273, %dma_start3A_402, %dma_start3A_409] : memref<128x2x100xi32, #tpu.memory_space<vmem>> -> memref<1x1x100xi32, #tpu.memory_space<vmem>>
        %dma_start3A_411 = tpu.memref_squeeze %dma_start3A_410 : memref<1x1x100xi32, #tpu.memory_space<vmem>> -> memref<100xi32, #tpu.memory_space<vmem>>
        %dma_start3A_412 = arith.constant 0 : i32
        %dma_start3A_413 = arith.constant 0 : i32
        %dma_start3A_414 = tpu.memref_slice %arg3[%dma_start3A_412, %dma_start3A_413] : memref<1000000x64xf32, #tpu.memory_space<hbm>> -> memref<1000000x64xf32, #tpu.memory_space<hbm>>
        %dma_start3A_415 = tpu.memref_slice %arg9[%dma_start3A_404] : memref<4x!tpu.dma_semaphore, #tpu.memory_space<semaphore_mem>> -> memref<1x!tpu.dma_semaphore, #tpu.memory_space<semaphore_mem>>
        %dma_start3A_416 = tpu.memref_squeeze %dma_start3A_415 : memref<1x!tpu.dma_semaphore, #tpu.memory_space<semaphore_mem>> -> memref<!tpu.dma_semaphore, #tpu.memory_space<semaphore_mem>>
        tpu.enqueue_indirect_dma source(%dma_start3A_414 : memref<1000000x64xf32, #tpu.memory_space<hbm>>) target(%dma_start3A_408 : memref<100x64xf32, #tpu.memory_space<vmem>>) offsets(%dma_start3A_411 : memref<100xi32, #tpu.memory_space<vmem>>) semaphore(%dma_start3A_416 : memref<!tpu.dma_semaphore, #tpu.memory_space<semaphore_mem>>)
        %dma_start3A_417 = arith.constant 1 : i32
        %dma_start3A_418 = arith.constant 0 : i32
        %dma_start3A_419 = arith.constant 0 : i32
        %dma_start3A_420 = arith.constant 100 : i32
        %dma_start3A_421 = arith.constant 0 : i32
        %dma_start3A_422 = tpu.memref_slice %arg8[%dma_start3A_418, %dma_start3A_420, %dma_start3A_421] : memref<4x200x64xf32, #tpu.memory_space<vmem>> -> memref<1x100x64xf32, #tpu.memory_space<vmem>>
        %dma_start3A_423 = tpu.memref_squeeze %dma_start3A_422 : memref<1x100x64xf32, #tpu.memory_space<vmem>> -> memref<100x64xf32, #tpu.memory_space<vmem>>
        %dma_start3A_424 = arith.constant 0 : i32
        %dma_start3A_425 = tpu.memref_slice %arg6[%add3A_273, %dma_start3A_417, %dma_start3A_424] : memref<128x2x100xi32, #tpu.memory_space<vmem>> -> memref<1x1x100xi32, #tpu.memory_space<vmem>>
        %dma_start3A_426 = tpu.memref_squeeze %dma_start3A_425 : memref<1x1x100xi32, #tpu.memory_space<vmem>> -> memref<100xi32, #tpu.memory_space<vmem>>
        %dma_start3A_427 = arith.constant 0 : i32
        %dma_start3A_428 = arith.constant 0 : i32
        %dma_start3A_429 = tpu.memref_slice %arg3[%dma_start3A_427, %dma_start3A_428] : memref<1000000x64xf32, #tpu.memory_space<hbm>> -> memref<1000000x64xf32, #tpu.memory_space<hbm>>
        %dma_start3A_430 = tpu.memref_slice %arg9[%dma_start3A_419] : memref<4x!tpu.dma_semaphore, #tpu.memory_space<semaphore_mem>> -> memref<1x!tpu.dma_semaphore, #tpu.memory_space<semaphore_mem>>
        %dma_start3A_431 = tpu.memref_squeeze %dma_start3A_430 : memref<1x!tpu.dma_semaphore, #tpu.memory_space<semaphore_mem>> -> memref<!tpu.dma_semaphore, #tpu.memory_space<semaphore_mem>>
        tpu.enqueue_indirect_dma source(%dma_start3A_429 : memref<1000000x64xf32, #tpu.memory_space<hbm>>) target(%dma_start3A_423 : memref<100x64xf32, #tpu.memory_space<vmem>>) offsets(%dma_start3A_426 : memref<100xi32, #tpu.memory_space<vmem>>) semaphore(%dma_start3A_431 : memref<!tpu.dma_semaphore, #tpu.memory_space<semaphore_mem>>)
      } else {
      }
      %dma_wait3A_279 = arith.constant 0 : i32
      %dma_wait3A_280 = arith.constant 2 : i32
      %dma_wait3A_281 = arith.constant 2 : i32
      %dma_wait3A_282 = arith.constant 0 : i32
      %dma_wait3A_283 = arith.constant 0 : i32
      %dma_wait3A_284 = tpu.memref_slice %arg8[%dma_wait3A_280, %dma_wait3A_282, %dma_wait3A_283] : memref<4x200x64xf32, #tpu.memory_space<vmem>> -> memref<1x100x64xf32, #tpu.memory_space<vmem>>
      %dma_wait3A_285 = tpu.memref_squeeze %dma_wait3A_284 : memref<1x100x64xf32, #tpu.memory_space<vmem>> -> memref<100x64xf32, #tpu.memory_space<vmem>>
      %dma_wait3A_286 = arith.constant 0 : i32
      %dma_wait3A_287 = tpu.memref_slice %arg6[%add3A_271, %dma_wait3A_279, %dma_wait3A_286] : memref<128x2x100xi32, #tpu.memory_space<vmem>> -> memref<1x1x100xi32, #tpu.memory_space<vmem>>
      %dma_wait3A_288 = tpu.memref_squeeze %dma_wait3A_287 : memref<1x1x100xi32, #tpu.memory_space<vmem>> -> memref<100xi32, #tpu.memory_space<vmem>>
      %dma_wait3A_289 = arith.constant 0 : i32
      %dma_wait3A_290 = arith.constant 0 : i32
      %dma_wait3A_291 = tpu.memref_slice %arg3[%dma_wait3A_289, %dma_wait3A_290] : memref<1000000x64xf32, #tpu.memory_space<hbm>> -> memref<1000000x64xf32, #tpu.memory_space<hbm>>
      %dma_wait3A_292 = tpu.memref_slice %arg9[%dma_wait3A_281] : memref<4x!tpu.dma_semaphore, #tpu.memory_space<semaphore_mem>> -> memref<1x!tpu.dma_semaphore, #tpu.memory_space<semaphore_mem>>
      %dma_wait3A_293 = tpu.memref_squeeze %dma_wait3A_292 : memref<1x!tpu.dma_semaphore, #tpu.memory_space<semaphore_mem>> -> memref<!tpu.dma_semaphore, #tpu.memory_space<semaphore_mem>>
      tpu.wait_indirect_dma semaphore(%dma_wait3A_293 : memref<!tpu.dma_semaphore, #tpu.memory_space<semaphore_mem>>) src(%dma_wait3A_291 : memref<1000000x64xf32, #tpu.memory_space<hbm>>) dst(%dma_wait3A_285 : memref<100x64xf32, #tpu.memory_space<vmem>>)
      %dma_wait3A_294 = arith.constant 1 : i32
      %dma_wait3A_295 = arith.constant 2 : i32
      %dma_wait3A_296 = arith.constant 2 : i32
      %dma_wait3A_297 = arith.constant 100 : i32
      %dma_wait3A_298 = arith.constant 0 : i32
      %dma_wait3A_299 = tpu.memref_slice %arg8[%dma_wait3A_295, %dma_wait3A_297, %dma_wait3A_298] : memref<4x200x64xf32, #tpu.memory_space<vmem>> -> memref<1x100x64xf32, #tpu.memory_space<vmem>>
      %dma_wait3A_300 = tpu.memref_squeeze %dma_wait3A_299 : memref<1x100x64xf32, #tpu.memory_space<vmem>> -> memref<100x64xf32, #tpu.memory_space<vmem>>
      %dma_wait3A_301 = arith.constant 0 : i32
      %dma_wait3A_302 = tpu.memref_slice %arg6[%add3A_271, %dma_wait3A_294, %dma_wait3A_301] : memref<128x2x100xi32, #tpu.memory_space<vmem>> -> memref<1x1x100xi32, #tpu.memory_space<vmem>>
      %dma_wait3A_303 = tpu.memref_squeeze %dma_wait3A_302 : memref<1x1x100xi32, #tpu.memory_space<vmem>> -> memref<100xi32, #tpu.memory_space<vmem>>
      %dma_wait3A_304 = arith.constant 0 : i32
      %dma_wait3A_305 = arith.constant 0 : i32
      %dma_wait3A_306 = tpu.memref_slice %arg3[%dma_wait3A_304, %dma_wait3A_305] : memref<1000000x64xf32, #tpu.memory_space<hbm>> -> memref<1000000x64xf32, #tpu.memory_space<hbm>>
      %dma_wait3A_307 = tpu.memref_slice %arg9[%dma_wait3A_296] : memref<4x!tpu.dma_semaphore, #tpu.memory_space<semaphore_mem>> -> memref<1x!tpu.dma_semaphore, #tpu.memory_space<semaphore_mem>>
      %dma_wait3A_308 = tpu.memref_squeeze %dma_wait3A_307 : memref<1x!tpu.dma_semaphore, #tpu.memory_space<semaphore_mem>> -> memref<!tpu.dma_semaphore, #tpu.memory_space<semaphore_mem>>
      tpu.wait_indirect_dma semaphore(%dma_wait3A_308 : memref<!tpu.dma_semaphore, #tpu.memory_space<semaphore_mem>>) src(%dma_wait3A_306 : memref<1000000x64xf32, #tpu.memory_space<hbm>>) dst(%dma_wait3A_300 : memref<100x64xf32, #tpu.memory_space<vmem>>)
      %scan3A_309 = arith.constant 0 : i32
      %scan3A_310 = arith.constant 0 : i32
      %scan3A_311 = arith.constant 200 : i32
      %scan3A_312 = arith.addi %scan3A_310, %scan3A_311 : i32
      %scan3A_313 = arith.constant 8 : i32
      scf.for %scan3A_398 = %scan3A_310 to %scan3A_312 step %scan3A_313  : i32 {
        %get3A = arith.index_cast %scan3A_398 : i32 to index
        %get3A_399 = arith.constant 0 : index
        %get3A_400 = tpu.vector_load %arg7[%get3A, %get3A_399] {strides = array<i32>} : memref<200x64xf32, #tpu.memory_space<vmem>>, vector<1x16xf32>,
        %get3A_401 = vector.shape_cast %get3A_400 : vector<1x16xf32> to vector<16xf32>
        %swap3A = arith.constant 2 : i32
        %swap3A_402 = arith.index_cast %swap3A : i32 to index
        %swap3A_403 = arith.index_cast %scan3A_398 : i32 to index
        %swap3A_404 = arith.constant 0 : index
        %swap3A_405 = tpu.vector_load %arg8[%swap3A_402, %swap3A_403, %swap3A_404] {strides = array<i32>} : memref<4x200x64xf32, #tpu.memory_space<vmem>>, vector<1x1x16xf32>,
        %swap3A_406 = vector.shape_cast %swap3A_405 : vector<1x1x16xf32> to vector<16xf32>
        %swap3A_407 = vector.shape_cast %get3A_401 : vector<16xf32> to vector<1x1x16xf32>
        tpu.vector_store %arg8[%swap3A_402, %swap3A_403, %swap3A_404], %swap3A_407 {add = true, strides = array<i32>} : memref<4x200x64xf32, #tpu.memory_space<vmem>>, vector<1x1x16xf32>,
        %get3A_408 = arith.index_cast %scan3A_398 : i32 to index
        %get3A_409 = arith.constant 16 : index
        %get3A_410 = tpu.vector_load %arg7[%get3A_408, %get3A_409] {strides = array<i32>} : memref<200x64xf32, #tpu.memory_space<vmem>>, vector<1x16xf32>,
        %get3A_411 = vector.shape_cast %get3A_410 : vector<1x16xf32> to vector<16xf32>
        %swap3A_412 = arith.constant 2 : i32
        %swap3A_413 = arith.index_cast %swap3A_412 : i32 to index
        %swap3A_414 = arith.index_cast %scan3A_398 : i32 to index
        %swap3A_415 = arith.constant 16 : index
        %swap3A_416 = tpu.vector_load %arg8[%swap3A_413, %swap3A_414, %swap3A_415] {strides = array<i32>} : memref<4x200x64xf32, #tpu.memory_space<vmem>>, vector<1x1x16xf32>,
        %swap3A_417 = vector.shape_cast %swap3A_416 : vector<1x1x16xf32> to vector<16xf32>
        %swap3A_418 = vector.shape_cast %get3A_411 : vector<16xf32> to vector<1x1x16xf32>
        tpu.vector_store %arg8[%swap3A_413, %swap3A_414, %swap3A_415], %swap3A_418 {add = true, strides = array<i32>} : memref<4x200x64xf32, #tpu.memory_space<vmem>>, vector<1x1x16xf32>,
        %get3A_419 = arith.index_cast %scan3A_398 : i32 to index
        %get3A_420 = arith.constant 32 : index
        %get3A_421 = tpu.vector_load %arg7[%get3A_419, %get3A_420] {strides = array<i32>} : memref<200x64xf32, #tpu.memory_space<vmem>>, vector<1x16xf32>,
        %get3A_422 = vector.shape_cast %get3A_421 : vector<1x16xf32> to vector<16xf32>
        %swap3A_423 = arith.constant 2 : i32
        %swap3A_424 = arith.index_cast %swap3A_423 : i32 to index
        %swap3A_425 = arith.index_cast %scan3A_398 : i32 to index
        %swap3A_426 = arith.constant 32 : index
        %swap3A_427 = tpu.vector_load %arg8[%swap3A_424, %swap3A_425, %swap3A_426] {strides = array<i32>} : memref<4x200x64xf32, #tpu.memory_space<vmem>>, vector<1x1x16xf32>,
        %swap3A_428 = vector.shape_cast %swap3A_427 : vector<1x1x16xf32> to vector<16xf32>
        %swap3A_429 = vector.shape_cast %get3A_422 : vector<16xf32> to vector<1x1x16xf32>
        tpu.vector_store %arg8[%swap3A_424, %swap3A_425, %swap3A_426], %swap3A_429 {add = true, strides = array<i32>} : memref<4x200x64xf32, #tpu.memory_space<vmem>>, vector<1x1x16xf32>,
        %get3A_430 = arith.index_cast %scan3A_398 : i32 to index
        %get3A_431 = arith.constant 48 : index
        %get3A_432 = tpu.vector_load %arg7[%get3A_430, %get3A_431] {strides = array<i32>} : memref<200x64xf32, #tpu.memory_space<vmem>>, vector<1x16xf32>,
        %get3A_433 = vector.shape_cast %get3A_432 : vector<1x16xf32> to vector<16xf32>
        %swap3A_434 = arith.constant 2 : i32
        %swap3A_435 = arith.index_cast %swap3A_434 : i32 to index
        %swap3A_436 = arith.index_cast %scan3A_398 : i32 to index
        %swap3A_437 = arith.constant 48 : index
        %swap3A_438 = tpu.vector_load %arg8[%swap3A_435, %swap3A_436, %swap3A_437] {strides = array<i32>} : memref<4x200x64xf32, #tpu.memory_space<vmem>>, vector<1x1x16xf32>,
        %swap3A_439 = vector.shape_cast %swap3A_438 : vector<1x1x16xf32> to vector<16xf32>
        %swap3A_440 = vector.shape_cast %get3A_433 : vector<16xf32> to vector<1x1x16xf32>
        tpu.vector_store %arg8[%swap3A_435, %swap3A_436, %swap3A_437], %swap3A_440 {add = true, strides = array<i32>} : memref<4x200x64xf32, #tpu.memory_space<vmem>>, vector<1x1x16xf32>,
        %scan3A_441 = arith.constant 1 : i32
        %scan3A_442 = arith.addi %scan3A_398, %scan3A_441 : i32
        %get3A_443 = arith.index_cast %scan3A_442 : i32 to index
        %get3A_444 = arith.constant 0 : index
        %get3A_445 = tpu.vector_load %arg7[%get3A_443, %get3A_444] {strides = array<i32>} : memref<200x64xf32, #tpu.memory_space<vmem>>, vector<1x16xf32>,
        %get3A_446 = vector.shape_cast %get3A_445 : vector<1x16xf32> to vector<16xf32>
        %swap3A_447 = arith.constant 2 : i32
        %swap3A_448 = arith.index_cast %swap3A_447 : i32 to index
        %swap3A_449 = arith.index_cast %scan3A_442 : i32 to index
        %swap3A_450 = arith.constant 0 : index
        %swap3A_451 = tpu.vector_load %arg8[%swap3A_448, %swap3A_449, %swap3A_450] {strides = array<i32>} : memref<4x200x64xf32, #tpu.memory_space<vmem>>, vector<1x1x16xf32>,
        %swap3A_452 = vector.shape_cast %swap3A_451 : vector<1x1x16xf32> to vector<16xf32>
        %swap3A_453 = vector.shape_cast %get3A_446 : vector<16xf32> to vector<1x1x16xf32>
        tpu.vector_store %arg8[%swap3A_448, %swap3A_449, %swap3A_450], %swap3A_453 {add = true, strides = array<i32>} : memref<4x200x64xf32, #tpu.memory_space<vmem>>, vector<1x1x16xf32>,
        %get3A_454 = arith.index_cast %scan3A_442 : i32 to index
        %get3A_455 = arith.constant 16 : index
        %get3A_456 = tpu.vector_load %arg7[%get3A_454, %get3A_455] {strides = array<i32>} : memref<200x64xf32, #tpu.memory_space<vmem>>, vector<1x16xf32>,
        %get3A_457 = vector.shape_cast %get3A_456 : vector<1x16xf32> to vector<16xf32>
        %swap3A_458 = arith.constant 2 : i32
        %swap3A_459 = arith.index_cast %swap3A_458 : i32 to index
        %swap3A_460 = arith.index_cast %scan3A_442 : i32 to index
        %swap3A_461 = arith.constant 16 : index
        %swap3A_462 = tpu.vector_load %arg8[%swap3A_459, %swap3A_460, %swap3A_461] {strides = array<i32>} : memref<4x200x64xf32, #tpu.memory_space<vmem>>, vector<1x1x16xf32>,
        %swap3A_463 = vector.shape_cast %swap3A_462 : vector<1x1x16xf32> to vector<16xf32>
        %swap3A_464 = vector.shape_cast %get3A_457 : vector<16xf32> to vector<1x1x16xf32>
        tpu.vector_store %arg8[%swap3A_459, %swap3A_460, %swap3A_461], %swap3A_464 {add = true, strides = array<i32>} : memref<4x200x64xf32, #tpu.memory_space<vmem>>, vector<1x1x16xf32>,
        %get3A_465 = arith.index_cast %scan3A_442 : i32 to index
        %get3A_466 = arith.constant 32 : index
        %get3A_467 = tpu.vector_load %arg7[%get3A_465, %get3A_466] {strides = array<i32>} : memref<200x64xf32, #tpu.memory_space<vmem>>, vector<1x16xf32>,
        %get3A_468 = vector.shape_cast %get3A_467 : vector<1x16xf32> to vector<16xf32>
        %swap3A_469 = arith.constant 2 : i32
        %swap3A_470 = arith.index_cast %swap3A_469 : i32 to index
        %swap3A_471 = arith.index_cast %scan3A_442 : i32 to index
        %swap3A_472 = arith.constant 32 : index
        %swap3A_473 = tpu.vector_load %arg8[%swap3A_470, %swap3A_471, %swap3A_472] {strides = array<i32>} : memref<4x200x64xf32, #tpu.memory_space<vmem>>, vector<1x1x16xf32>,
        %swap3A_474 = vector.shape_cast %swap3A_473 : vector<1x1x16xf32> to vector<16xf32>
        %swap3A_475 = vector.shape_cast %get3A_468 : vector<16xf32> to vector<1x1x16xf32>
        tpu.vector_store %arg8[%swap3A_470, %swap3A_471, %swap3A_472], %swap3A_475 {add = true, strides = array<i32>} : memref<4x200x64xf32, #tpu.memory_space<vmem>>, vector<1x1x16xf32>,
        %get3A_476 = arith.index_cast %scan3A_442 : i32 to index
        %get3A_477 = arith.constant 48 : index
        %get3A_478 = tpu.vector_load %arg7[%get3A_476, %get3A_477] {strides = array<i32>} : memref<200x64xf32, #tpu.memory_space<vmem>>, vector<1x16xf32>,
        %get3A_479 = vector.shape_cast %get3A_478 : vector<1x16xf32> to vector<16xf32>
        %swap3A_480 = arith.constant 2 : i32
        %swap3A_481 = arith.index_cast %swap3A_480 : i32 to index
        %swap3A_482 = arith.index_cast %scan3A_442 : i32 to index
        %swap3A_483 = arith.constant 48 : index
        %swap3A_484 = tpu.vector_load %arg8[%swap3A_481, %swap3A_482, %swap3A_483] {strides = array<i32>} : memref<4x200x64xf32, #tpu.memory_space<vmem>>, vector<1x1x16xf32>,
        %swap3A_485 = vector.shape_cast %swap3A_484 : vector<1x1x16xf32> to vector<16xf32>
        %swap3A_486 = vector.shape_cast %get3A_479 : vector<16xf32> to vector<1x1x16xf32>
        tpu.vector_store %arg8[%swap3A_481, %swap3A_482, %swap3A_483], %swap3A_486 {add = true, strides = array<i32>} : memref<4x200x64xf32, #tpu.memory_space<vmem>>, vector<1x1x16xf32>,
        %scan3A_487 = arith.constant 2 : i32
        %scan3A_488 = arith.addi %scan3A_398, %scan3A_487 : i32
        %get3A_489 = arith.index_cast %scan3A_488 : i32 to index
        %get3A_490 = arith.constant 0 : index
        %get3A_491 = tpu.vector_load %arg7[%get3A_489, %get3A_490] {strides = array<i32>} : memref<200x64xf32, #tpu.memory_space<vmem>>, vector<1x16xf32>,
        %get3A_492 = vector.shape_cast %get3A_491 : vector<1x16xf32> to vector<16xf32>
        %swap3A_493 = arith.constant 2 : i32
        %swap3A_494 = arith.index_cast %swap3A_493 : i32 to index
        %swap3A_495 = arith.index_cast %scan3A_488 : i32 to index
        %swap3A_496 = arith.constant 0 : index
        %swap3A_497 = tpu.vector_load %arg8[%swap3A_494, %swap3A_495, %swap3A_496] {strides = array<i32>} : memref<4x200x64xf32, #tpu.memory_space<vmem>>, vector<1x1x16xf32>,
        %swap3A_498 = vector.shape_cast %swap3A_497 : vector<1x1x16xf32> to vector<16xf32>
        %swap3A_499 = vector.shape_cast %get3A_492 : vector<16xf32> to vector<1x1x16xf32>
        tpu.vector_store %arg8[%swap3A_494, %swap3A_495, %swap3A_496], %swap3A_499 {add = true, strides = array<i32>} : memref<4x200x64xf32, #tpu.memory_space<vmem>>, vector<1x1x16xf32>,
        %get3A_500 = arith.index_cast %scan3A_488 : i32 to index
        %get3A_501 = arith.constant 16 : index
        %get3A_502 = tpu.vector_load %arg7[%get3A_500, %get3A_501] {strides = array<i32>} : memref<200x64xf32, #tpu.memory_space<vmem>>, vector<1x16xf32>,
        %get3A_503 = vector.shape_cast %get3A_502 : vector<1x16xf32> to vector<16xf32>
        %swap3A_504 = arith.constant 2 : i32
        %swap3A_505 = arith.index_cast %swap3A_504 : i32 to index
        %swap3A_506 = arith.index_cast %scan3A_488 : i32 to index
        %swap3A_507 = arith.constant 16 : index
        %swap3A_508 = tpu.vector_load %arg8[%swap3A_505, %swap3A_506, %swap3A_507] {strides = array<i32>} : memref<4x200x64xf32, #tpu.memory_space<vmem>>, vector<1x1x16xf32>,
        %swap3A_509 = vector.shape_cast %swap3A_508 : vector<1x1x16xf32> to vector<16xf32>
        %swap3A_510 = vector.shape_cast %get3A_503 : vector<16xf32> to vector<1x1x16xf32>
        tpu.vector_store %arg8[%swap3A_505, %swap3A_506, %swap3A_507], %swap3A_510 {add = true, strides = array<i32>} : memref<4x200x64xf32, #tpu.memory_space<vmem>>, vector<1x1x16xf32>,
        %get3A_511 = arith.index_cast %scan3A_488 : i32 to index
        %get3A_512 = arith.constant 32 : index
        %get3A_513 = tpu.vector_load %arg7[%get3A_511, %get3A_512] {strides = array<i32>} : memref<200x64xf32, #tpu.memory_space<vmem>>, vector<1x16xf32>,
        %get3A_514 = vector.shape_cast %get3A_513 : vector<1x16xf32> to vector<16xf32>
        %swap3A_515 = arith.constant 2 : i32
        %swap3A_516 = arith.index_cast %swap3A_515 : i32 to index
        %swap3A_517 = arith.index_cast %scan3A_488 : i32 to index
        %swap3A_518 = arith.constant 32 : index
        %swap3A_519 = tpu.vector_load %arg8[%swap3A_516, %swap3A_517, %swap3A_518] {strides = array<i32>} : memref<4x200x64xf32, #tpu.memory_space<vmem>>, vector<1x1x16xf32>,
        %swap3A_520 = vector.shape_cast %swap3A_519 : vector<1x1x16xf32> to vector<16xf32>
        %swap3A_521 = vector.shape_cast %get3A_514 : vector<16xf32> to vector<1x1x16xf32>
        tpu.vector_store %arg8[%swap3A_516, %swap3A_517, %swap3A_518], %swap3A_521 {add = true, strides = array<i32>} : memref<4x200x64xf32, #tpu.memory_space<vmem>>, vector<1x1x16xf32>,
        %get3A_522 = arith.index_cast %scan3A_488 : i32 to index
        %get3A_523 = arith.constant 48 : index
        %get3A_524 = tpu.vector_load %arg7[%get3A_522, %get3A_523] {strides = array<i32>} : memref<200x64xf32, #tpu.memory_space<vmem>>, vector<1x16xf32>,
        %get3A_525 = vector.shape_cast %get3A_524 : vector<1x16xf32> to vector<16xf32>
        %swap3A_526 = arith.constant 2 : i32
        %swap3A_527 = arith.index_cast %swap3A_526 : i32 to index
        %swap3A_528 = arith.index_cast %scan3A_488 : i32 to index
        %swap3A_529 = arith.constant 48 : index
        %swap3A_530 = tpu.vector_load %arg8[%swap3A_527, %swap3A_528, %swap3A_529] {strides = array<i32>} : memref<4x200x64xf32, #tpu.memory_space<vmem>>, vector<1x1x16xf32>,
        %swap3A_531 = vector.shape_cast %swap3A_530 : vector<1x1x16xf32> to vector<16xf32>
        %swap3A_532 = vector.shape_cast %get3A_525 : vector<16xf32> to vector<1x1x16xf32>
        tpu.vector_store %arg8[%swap3A_527, %swap3A_528, %swap3A_529], %swap3A_532 {add = true, strides = array<i32>} : memref<4x200x64xf32, #tpu.memory_space<vmem>>, vector<1x1x16xf32>,
        %scan3A_533 = arith.constant 3 : i32
        %scan3A_534 = arith.addi %scan3A_398, %scan3A_533 : i32
        %get3A_535 = arith.index_cast %scan3A_534 : i32 to index
        %get3A_536 = arith.constant 0 : index
        %get3A_537 = tpu.vector_load %arg7[%get3A_535, %get3A_536] {strides = array<i32>} : memref<200x64xf32, #tpu.memory_space<vmem>>, vector<1x16xf32>,
        %get3A_538 = vector.shape_cast %get3A_537 : vector<1x16xf32> to vector<16xf32>
        %swap3A_539 = arith.constant 2 : i32
        %swap3A_540 = arith.index_cast %swap3A_539 : i32 to index
        %swap3A_541 = arith.index_cast %scan3A_534 : i32 to index
        %swap3A_542 = arith.constant 0 : index
        %swap3A_543 = tpu.vector_load %arg8[%swap3A_540, %swap3A_541, %swap3A_542] {strides = array<i32>} : memref<4x200x64xf32, #tpu.memory_space<vmem>>, vector<1x1x16xf32>,
        %swap3A_544 = vector.shape_cast %swap3A_543 : vector<1x1x16xf32> to vector<16xf32>
        %swap3A_545 = vector.shape_cast %get3A_538 : vector<16xf32> to vector<1x1x16xf32>
        tpu.vector_store %arg8[%swap3A_540, %swap3A_541, %swap3A_542], %swap3A_545 {add = true, strides = array<i32>} : memref<4x200x64xf32, #tpu.memory_space<vmem>>, vector<1x1x16xf32>,
        %get3A_546 = arith.index_cast %scan3A_534 : i32 to index
        %get3A_547 = arith.constant 16 : index
        %get3A_548 = tpu.vector_load %arg7[%get3A_546, %get3A_547] {strides = array<i32>} : memref<200x64xf32, #tpu.memory_space<vmem>>, vector<1x16xf32>,
        %get3A_549 = vector.shape_cast %get3A_548 : vector<1x16xf32> to vector<16xf32>
        %swap3A_550 = arith.constant 2 : i32
        %swap3A_551 = arith.index_cast %swap3A_550 : i32 to index
        %swap3A_552 = arith.index_cast %scan3A_534 : i32 to index
        %swap3A_553 = arith.constant 16 : index
        %swap3A_554 = tpu.vector_load %arg8[%swap3A_551, %swap3A_552, %swap3A_553] {strides = array<i32>} : memref<4x200x64xf32, #tpu.memory_space<vmem>>, vector<1x1x16xf32>,
        %swap3A_555 = vector.shape_cast %swap3A_554 : vector<1x1x16xf32> to vector<16xf32>
        %swap3A_556 = vector.shape_cast %get3A_549 : vector<16xf32> to vector<1x1x16xf32>
        tpu.vector_store %arg8[%swap3A_551, %swap3A_552, %swap3A_553], %swap3A_556 {add = true, strides = array<i32>} : memref<4x200x64xf32, #tpu.memory_space<vmem>>, vector<1x1x16xf32>,
        %get3A_557 = arith.index_cast %scan3A_534 : i32 to index
        %get3A_558 = arith.constant 32 : index
        %get3A_559 = tpu.vector_load %arg7[%get3A_557, %get3A_558] {strides = array<i32>} : memref<200x64xf32, #tpu.memory_space<vmem>>, vector<1x16xf32>,
        %get3A_560 = vector.shape_cast %get3A_559 : vector<1x16xf32> to vector<16xf32>
        %swap3A_561 = arith.constant 2 : i32
        %swap3A_562 = arith.index_cast %swap3A_561 : i32 to index
        %swap3A_563 = arith.index_cast %scan3A_534 : i32 to index
        %swap3A_564 = arith.constant 32 : index
        %swap3A_565 = tpu.vector_load %arg8[%swap3A_562, %swap3A_563, %swap3A_564] {strides = array<i32>} : memref<4x200x64xf32, #tpu.memory_space<vmem>>, vector<1x1x16xf32>,
        %swap3A_566 = vector.shape_cast %swap3A_565 : vector<1x1x16xf32> to vector<16xf32>
        %swap3A_567 = vector.shape_cast %get3A_560 : vector<16xf32> to vector<1x1x16xf32>
        tpu.vector_store %arg8[%swap3A_562, %swap3A_563, %swap3A_564], %swap3A_567 {add = true, strides = array<i32>} : memref<4x200x64xf32, #tpu.memory_space<vmem>>, vector<1x1x16xf32>,
        %get3A_568 = arith.index_cast %scan3A_534 : i32 to index
        %get3A_569 = arith.constant 48 : index
        %get3A_570 = tpu.vector_load %arg7[%get3A_568, %get3A_569] {strides = array<i32>} : memref<200x64xf32, #tpu.memory_space<vmem>>, vector<1x16xf32>,
        %get3A_571 = vector.shape_cast %get3A_570 : vector<1x16xf32> to vector<16xf32>
        %swap3A_572 = arith.constant 2 : i32
        %swap3A_573 = arith.index_cast %swap3A_572 : i32 to index
        %swap3A_574 = arith.index_cast %scan3A_534 : i32 to index
        %swap3A_575 = arith.constant 48 : index
        %swap3A_576 = tpu.vector_load %arg8[%swap3A_573, %swap3A_574, %swap3A_575] {strides = array<i32>} : memref<4x200x64xf32, #tpu.memory_space<vmem>>, vector<1x1x16xf32>,
        %swap3A_577 = vector.shape_cast %swap3A_576 : vector<1x1x16xf32> to vector<16xf32>
        %swap3A_578 = vector.shape_cast %get3A_571 : vector<16xf32> to vector<1x1x16xf32>
        tpu.vector_store %arg8[%swap3A_573, %swap3A_574, %swap3A_575], %swap3A_578 {add = true, strides = array<i32>} : memref<4x200x64xf32, #tpu.memory_space<vmem>>, vector<1x1x16xf32>,
        %scan3A_579 = arith.constant 4 : i32
        %scan3A_580 = arith.addi %scan3A_398, %scan3A_579 : i32
        %get3A_581 = arith.index_cast %scan3A_580 : i32 to index
        %get3A_582 = arith.constant 0 : index
        %get3A_583 = tpu.vector_load %arg7[%get3A_581, %get3A_582] {strides = array<i32>} : memref<200x64xf32, #tpu.memory_space<vmem>>, vector<1x16xf32>,
        %get3A_584 = vector.shape_cast %get3A_583 : vector<1x16xf32> to vector<16xf32>
        %swap3A_585 = arith.constant 2 : i32
        %swap3A_586 = arith.index_cast %swap3A_585 : i32 to index
        %swap3A_587 = arith.index_cast %scan3A_580 : i32 to index
        %swap3A_588 = arith.constant 0 : index
        %swap3A_589 = tpu.vector_load %arg8[%swap3A_586, %swap3A_587, %swap3A_588] {strides = array<i32>} : memref<4x200x64xf32, #tpu.memory_space<vmem>>, vector<1x1x16xf32>,
        %swap3A_590 = vector.shape_cast %swap3A_589 : vector<1x1x16xf32> to vector<16xf32>
        %swap3A_591 = vector.shape_cast %get3A_584 : vector<16xf32> to vector<1x1x16xf32>
        tpu.vector_store %arg8[%swap3A_586, %swap3A_587, %swap3A_588], %swap3A_591 {add = true, strides = array<i32>} : memref<4x200x64xf32, #tpu.memory_space<vmem>>, vector<1x1x16xf32>,
        %get3A_592 = arith.index_cast %scan3A_580 : i32 to index
        %get3A_593 = arith.constant 16 : index
        %get3A_594 = tpu.vector_load %arg7[%get3A_592, %get3A_593] {strides = array<i32>} : memref<200x64xf32, #tpu.memory_space<vmem>>, vector<1x16xf32>,
        %get3A_595 = vector.shape_cast %get3A_594 : vector<1x16xf32> to vector<16xf32>
        %swap3A_596 = arith.constant 2 : i32
        %swap3A_597 = arith.index_cast %swap3A_596 : i32 to index
        %swap3A_598 = arith.index_cast %scan3A_580 : i32 to index
        %swap3A_599 = arith.constant 16 : index
        %swap3A_600 = tpu.vector_load %arg8[%swap3A_597, %swap3A_598, %swap3A_599] {strides = array<i32>} : memref<4x200x64xf32, #tpu.memory_space<vmem>>, vector<1x1x16xf32>,
        %swap3A_601 = vector.shape_cast %swap3A_600 : vector<1x1x16xf32> to vector<16xf32>
        %swap3A_602 = vector.shape_cast %get3A_595 : vector<16xf32> to vector<1x1x16xf32>
        tpu.vector_store %arg8[%swap3A_597, %swap3A_598, %swap3A_599], %swap3A_602 {add = true, strides = array<i32>} : memref<4x200x64xf32, #tpu.memory_space<vmem>>, vector<1x1x16xf32>,
        %get3A_603 = arith.index_cast %scan3A_580 : i32 to index
        %get3A_604 = arith.constant 32 : index
        %get3A_605 = tpu.vector_load %arg7[%get3A_603, %get3A_604] {strides = array<i32>} : memref<200x64xf32, #tpu.memory_space<vmem>>, vector<1x16xf32>,
        %get3A_606 = vector.shape_cast %get3A_605 : vector<1x16xf32> to vector<16xf32>
        %swap3A_607 = arith.constant 2 : i32
        %swap3A_608 = arith.index_cast %swap3A_607 : i32 to index
        %swap3A_609 = arith.index_cast %scan3A_580 : i32 to index
        %swap3A_610 = arith.constant 32 : index
        %swap3A_611 = tpu.vector_load %arg8[%swap3A_608, %swap3A_609, %swap3A_610] {strides = array<i32>} : memref<4x200x64xf32, #tpu.memory_space<vmem>>, vector<1x1x16xf32>,
        %swap3A_612 = vector.shape_cast %swap3A_611 : vector<1x1x16xf32> to vector<16xf32>
        %swap3A_613 = vector.shape_cast %get3A_606 : vector<16xf32> to vector<1x1x16xf32>
        tpu.vector_store %arg8[%swap3A_608, %swap3A_609, %swap3A_610], %swap3A_613 {add = true, strides = array<i32>} : memref<4x200x64xf32, #tpu.memory_space<vmem>>, vector<1x1x16xf32>,
        %get3A_614 = arith.index_cast %scan3A_580 : i32 to index
        %get3A_615 = arith.constant 48 : index
        %get3A_616 = tpu.vector_load %arg7[%get3A_614, %get3A_615] {strides = array<i32>} : memref<200x64xf32, #tpu.memory_space<vmem>>, vector<1x16xf32>,
        %get3A_617 = vector.shape_cast %get3A_616 : vector<1x16xf32> to vector<16xf32>
        %swap3A_618 = arith.constant 2 : i32
        %swap3A_619 = arith.index_cast %swap3A_618 : i32 to index
        %swap3A_620 = arith.index_cast %scan3A_580 : i32 to index
        %swap3A_621 = arith.constant 48 : index
        %swap3A_622 = tpu.vector_load %arg8[%swap3A_619, %swap3A_620, %swap3A_621] {strides = array<i32>} : memref<4x200x64xf32, #tpu.memory_space<vmem>>, vector<1x1x16xf32>,
        %swap3A_623 = vector.shape_cast %swap3A_622 : vector<1x1x16xf32> to vector<16xf32>
        %swap3A_624 = vector.shape_cast %get3A_617 : vector<16xf32> to vector<1x1x16xf32>
        tpu.vector_store %arg8[%swap3A_619, %swap3A_620, %swap3A_621], %swap3A_624 {add = true, strides = array<i32>} : memref<4x200x64xf32, #tpu.memory_space<vmem>>, vector<1x1x16xf32>,
        %scan3A_625 = arith.constant 5 : i32
        %scan3A_626 = arith.addi %scan3A_398, %scan3A_625 : i32
        %get3A_627 = arith.index_cast %scan3A_626 : i32 to index
        %get3A_628 = arith.constant 0 : index
        %get3A_629 = tpu.vector_load %arg7[%get3A_627, %get3A_628] {strides = array<i32>} : memref<200x64xf32, #tpu.memory_space<vmem>>, vector<1x16xf32>,
        %get3A_630 = vector.shape_cast %get3A_629 : vector<1x16xf32> to vector<16xf32>
        %swap3A_631 = arith.constant 2 : i32
        %swap3A_632 = arith.index_cast %swap3A_631 : i32 to index
        %swap3A_633 = arith.index_cast %scan3A_626 : i32 to index
        %swap3A_634 = arith.constant 0 : index
        %swap3A_635 = tpu.vector_load %arg8[%swap3A_632, %swap3A_633, %swap3A_634] {strides = array<i32>} : memref<4x200x64xf32, #tpu.memory_space<vmem>>, vector<1x1x16xf32>,
        %swap3A_636 = vector.shape_cast %swap3A_635 : vector<1x1x16xf32> to vector<16xf32>
        %swap3A_637 = vector.shape_cast %get3A_630 : vector<16xf32> to vector<1x1x16xf32>
        tpu.vector_store %arg8[%swap3A_632, %swap3A_633, %swap3A_634], %swap3A_637 {add = true, strides = array<i32>} : memref<4x200x64xf32, #tpu.memory_space<vmem>>, vector<1x1x16xf32>,
        %get3A_638 = arith.index_cast %scan3A_626 : i32 to index
        %get3A_639 = arith.constant 16 : index
        %get3A_640 = tpu.vector_load %arg7[%get3A_638, %get3A_639] {strides = array<i32>} : memref<200x64xf32, #tpu.memory_space<vmem>>, vector<1x16xf32>,
        %get3A_641 = vector.shape_cast %get3A_640 : vector<1x16xf32> to vector<16xf32>
        %swap3A_642 = arith.constant 2 : i32
        %swap3A_643 = arith.index_cast %swap3A_642 : i32 to index
        %swap3A_644 = arith.index_cast %scan3A_626 : i32 to index
        %swap3A_645 = arith.constant 16 : index
        %swap3A_646 = tpu.vector_load %arg8[%swap3A_643, %swap3A_644, %swap3A_645] {strides = array<i32>} : memref<4x200x64xf32, #tpu.memory_space<vmem>>, vector<1x1x16xf32>,
        %swap3A_647 = vector.shape_cast %swap3A_646 : vector<1x1x16xf32> to vector<16xf32>
        %swap3A_648 = vector.shape_cast %get3A_641 : vector<16xf32> to vector<1x1x16xf32>
        tpu.vector_store %arg8[%swap3A_643, %swap3A_644, %swap3A_645], %swap3A_648 {add = true, strides = array<i32>} : memref<4x200x64xf32, #tpu.memory_space<vmem>>, vector<1x1x16xf32>,
        %get3A_649 = arith.index_cast %scan3A_626 : i32 to index
        %get3A_650 = arith.constant 32 : index
        %get3A_651 = tpu.vector_load %arg7[%get3A_649, %get3A_650] {strides = array<i32>} : memref<200x64xf32, #tpu.memory_space<vmem>>, vector<1x16xf32>,
        %get3A_652 = vector.shape_cast %get3A_651 : vector<1x16xf32> to vector<16xf32>
        %swap3A_653 = arith.constant 2 : i32
        %swap3A_654 = arith.index_cast %swap3A_653 : i32 to index
        %swap3A_655 = arith.index_cast %scan3A_626 : i32 to index
        %swap3A_656 = arith.constant 32 : index
        %swap3A_657 = tpu.vector_load %arg8[%swap3A_654, %swap3A_655, %swap3A_656] {strides = array<i32>} : memref<4x200x64xf32, #tpu.memory_space<vmem>>, vector<1x1x16xf32>,
        %swap3A_658 = vector.shape_cast %swap3A_657 : vector<1x1x16xf32> to vector<16xf32>
        %swap3A_659 = vector.shape_cast %get3A_652 : vector<16xf32> to vector<1x1x16xf32>
        tpu.vector_store %arg8[%swap3A_654, %swap3A_655, %swap3A_656], %swap3A_659 {add = true, strides = array<i32>} : memref<4x200x64xf32, #tpu.memory_space<vmem>>, vector<1x1x16xf32>,
        %get3A_660 = arith.index_cast %scan3A_626 : i32 to index
        %get3A_661 = arith.constant 48 : index
        %get3A_662 = tpu.vector_load %arg7[%get3A_660, %get3A_661] {strides = array<i32>} : memref<200x64xf32, #tpu.memory_space<vmem>>, vector<1x16xf32>,
        %get3A_663 = vector.shape_cast %get3A_662 : vector<1x16xf32> to vector<16xf32>
        %swap3A_664 = arith.constant 2 : i32
        %swap3A_665 = arith.index_cast %swap3A_664 : i32 to index
        %swap3A_666 = arith.index_cast %scan3A_626 : i32 to index
        %swap3A_667 = arith.constant 48 : index
        %swap3A_668 = tpu.vector_load %arg8[%swap3A_665, %swap3A_666, %swap3A_667] {strides = array<i32>} : memref<4x200x64xf32, #tpu.memory_space<vmem>>, vector<1x1x16xf32>,
        %swap3A_669 = vector.shape_cast %swap3A_668 : vector<1x1x16xf32> to vector<16xf32>
        %swap3A_670 = vector.shape_cast %get3A_663 : vector<16xf32> to vector<1x1x16xf32>
        tpu.vector_store %arg8[%swap3A_665, %swap3A_666, %swap3A_667], %swap3A_670 {add = true, strides = array<i32>} : memref<4x200x64xf32, #tpu.memory_space<vmem>>, vector<1x1x16xf32>,
        %scan3A_671 = arith.constant 6 : i32
        %scan3A_672 = arith.addi %scan3A_398, %scan3A_671 : i32
        %get3A_673 = arith.index_cast %scan3A_672 : i32 to index
        %get3A_674 = arith.constant 0 : index
        %get3A_675 = tpu.vector_load %arg7[%get3A_673, %get3A_674] {strides = array<i32>} : memref<200x64xf32, #tpu.memory_space<vmem>>, vector<1x16xf32>,
        %get3A_676 = vector.shape_cast %get3A_675 : vector<1x16xf32> to vector<16xf32>
        %swap3A_677 = arith.constant 2 : i32
        %swap3A_678 = arith.index_cast %swap3A_677 : i32 to index
        %swap3A_679 = arith.index_cast %scan3A_672 : i32 to index
        %swap3A_680 = arith.constant 0 : index
        %swap3A_681 = tpu.vector_load %arg8[%swap3A_678, %swap3A_679, %swap3A_680] {strides = array<i32>} : memref<4x200x64xf32, #tpu.memory_space<vmem>>, vector<1x1x16xf32>,
        %swap3A_682 = vector.shape_cast %swap3A_681 : vector<1x1x16xf32> to vector<16xf32>
        %swap3A_683 = vector.shape_cast %get3A_676 : vector<16xf32> to vector<1x1x16xf32>
        tpu.vector_store %arg8[%swap3A_678, %swap3A_679, %swap3A_680], %swap3A_683 {add = true, strides = array<i32>} : memref<4x200x64xf32, #tpu.memory_space<vmem>>, vector<1x1x16xf32>,
        %get3A_684 = arith.index_cast %scan3A_672 : i32 to index
        %get3A_685 = arith.constant 16 : index
        %get3A_686 = tpu.vector_load %arg7[%get3A_684, %get3A_685] {strides = array<i32>} : memref<200x64xf32, #tpu.memory_space<vmem>>, vector<1x16xf32>,
        %get3A_687 = vector.shape_cast %get3A_686 : vector<1x16xf32> to vector<16xf32>
        %swap3A_688 = arith.constant 2 : i32
        %swap3A_689 = arith.index_cast %swap3A_688 : i32 to index
        %swap3A_690 = arith.index_cast %scan3A_672 : i32 to index
        %swap3A_691 = arith.constant 16 : index
        %swap3A_692 = tpu.vector_load %arg8[%swap3A_689, %swap3A_690, %swap3A_691] {strides = array<i32>} : memref<4x200x64xf32, #tpu.memory_space<vmem>>, vector<1x1x16xf32>,
        %swap3A_693 = vector.shape_cast %swap3A_692 : vector<1x1x16xf32> to vector<16xf32>
        %swap3A_694 = vector.shape_cast %get3A_687 : vector<16xf32> to vector<1x1x16xf32>
        tpu.vector_store %arg8[%swap3A_689, %swap3A_690, %swap3A_691], %swap3A_694 {add = true, strides = array<i32>} : memref<4x200x64xf32, #tpu.memory_space<vmem>>, vector<1x1x16xf32>,
        %get3A_695 = arith.index_cast %scan3A_672 : i32 to index
        %get3A_696 = arith.constant 32 : index
        %get3A_697 = tpu.vector_load %arg7[%get3A_695, %get3A_696] {strides = array<i32>} : memref<200x64xf32, #tpu.memory_space<vmem>>, vector<1x16xf32>,
        %get3A_698 = vector.shape_cast %get3A_697 : vector<1x16xf32> to vector<16xf32>
        %swap3A_699 = arith.constant 2 : i32
        %swap3A_700 = arith.index_cast %swap3A_699 : i32 to index
        %swap3A_701 = arith.index_cast %scan3A_672 : i32 to index
        %swap3A_702 = arith.constant 32 : index
        %swap3A_703 = tpu.vector_load %arg8[%swap3A_700, %swap3A_701, %swap3A_702] {strides = array<i32>} : memref<4x200x64xf32, #tpu.memory_space<vmem>>, vector<1x1x16xf32>,
        %swap3A_704 = vector.shape_cast %swap3A_703 : vector<1x1x16xf32> to vector<16xf32>
        %swap3A_705 = vector.shape_cast %get3A_698 : vector<16xf32> to vector<1x1x16xf32>
        tpu.vector_store %arg8[%swap3A_700, %swap3A_701, %swap3A_702], %swap3A_705 {add = true, strides = array<i32>} : memref<4x200x64xf32, #tpu.memory_space<vmem>>, vector<1x1x16xf32>,
        %get3A_706 = arith.index_cast %scan3A_672 : i32 to index
        %get3A_707 = arith.constant 48 : index
        %get3A_708 = tpu.vector_load %arg7[%get3A_706, %get3A_707] {strides = array<i32>} : memref<200x64xf32, #tpu.memory_space<vmem>>, vector<1x16xf32>,
        %get3A_709 = vector.shape_cast %get3A_708 : vector<1x16xf32> to vector<16xf32>
        %swap3A_710 = arith.constant 2 : i32
        %swap3A_711 = arith.index_cast %swap3A_710 : i32 to index
        %swap3A_712 = arith.index_cast %scan3A_672 : i32 to index
        %swap3A_713 = arith.constant 48 : index
        %swap3A_714 = tpu.vector_load %arg8[%swap3A_711, %swap3A_712, %swap3A_713] {strides = array<i32>} : memref<4x200x64xf32, #tpu.memory_space<vmem>>, vector<1x1x16xf32>,
        %swap3A_715 = vector.shape_cast %swap3A_714 : vector<1x1x16xf32> to vector<16xf32>
        %swap3A_716 = vector.shape_cast %get3A_709 : vector<16xf32> to vector<1x1x16xf32>
        tpu.vector_store %arg8[%swap3A_711, %swap3A_712, %swap3A_713], %swap3A_716 {add = true, strides = array<i32>} : memref<4x200x64xf32, #tpu.memory_space<vmem>>, vector<1x1x16xf32>,
        %scan3A_717 = arith.constant 7 : i32
        %scan3A_718 = arith.addi %scan3A_398, %scan3A_717 : i32
        %get3A_719 = arith.index_cast %scan3A_718 : i32 to index
        %get3A_720 = arith.constant 0 : index
        %get3A_721 = tpu.vector_load %arg7[%get3A_719, %get3A_720] {strides = array<i32>} : memref<200x64xf32, #tpu.memory_space<vmem>>, vector<1x16xf32>,
        %get3A_722 = vector.shape_cast %get3A_721 : vector<1x16xf32> to vector<16xf32>
        %swap3A_723 = arith.constant 2 : i32
        %swap3A_724 = arith.index_cast %swap3A_723 : i32 to index
        %swap3A_725 = arith.index_cast %scan3A_718 : i32 to index
        %swap3A_726 = arith.constant 0 : index
        %swap3A_727 = tpu.vector_load %arg8[%swap3A_724, %swap3A_725, %swap3A_726] {strides = array<i32>} : memref<4x200x64xf32, #tpu.memory_space<vmem>>, vector<1x1x16xf32>,
        %swap3A_728 = vector.shape_cast %swap3A_727 : vector<1x1x16xf32> to vector<16xf32>
        %swap3A_729 = vector.shape_cast %get3A_722 : vector<16xf32> to vector<1x1x16xf32>
        tpu.vector_store %arg8[%swap3A_724, %swap3A_725, %swap3A_726], %swap3A_729 {add = true, strides = array<i32>} : memref<4x200x64xf32, #tpu.memory_space<vmem>>, vector<1x1x16xf32>,
        %get3A_730 = arith.index_cast %scan3A_718 : i32 to index
        %get3A_731 = arith.constant 16 : index
        %get3A_732 = tpu.vector_load %arg7[%get3A_730, %get3A_731] {strides = array<i32>} : memref<200x64xf32, #tpu.memory_space<vmem>>, vector<1x16xf32>,
        %get3A_733 = vector.shape_cast %get3A_732 : vector<1x16xf32> to vector<16xf32>
        %swap3A_734 = arith.constant 2 : i32
        %swap3A_735 = arith.index_cast %swap3A_734 : i32 to index
        %swap3A_736 = arith.index_cast %scan3A_718 : i32 to index
        %swap3A_737 = arith.constant 16 : index
        %swap3A_738 = tpu.vector_load %arg8[%swap3A_735, %swap3A_736, %swap3A_737] {strides = array<i32>} : memref<4x200x64xf32, #tpu.memory_space<vmem>>, vector<1x1x16xf32>,
        %swap3A_739 = vector.shape_cast %swap3A_738 : vector<1x1x16xf32> to vector<16xf32>
        %swap3A_740 = vector.shape_cast %get3A_733 : vector<16xf32> to vector<1x1x16xf32>
        tpu.vector_store %arg8[%swap3A_735, %swap3A_736, %swap3A_737], %swap3A_740 {add = true, strides = array<i32>} : memref<4x200x64xf32, #tpu.memory_space<vmem>>, vector<1x1x16xf32>,
        %get3A_741 = arith.index_cast %scan3A_718 : i32 to index
        %get3A_742 = arith.constant 32 : index
        %get3A_743 = tpu.vector_load %arg7[%get3A_741, %get3A_742] {strides = array<i32>} : memref<200x64xf32, #tpu.memory_space<vmem>>, vector<1x16xf32>,
        %get3A_744 = vector.shape_cast %get3A_743 : vector<1x16xf32> to vector<16xf32>
        %swap3A_745 = arith.constant 2 : i32
        %swap3A_746 = arith.index_cast %swap3A_745 : i32 to index
        %swap3A_747 = arith.index_cast %scan3A_718 : i32 to index
        %swap3A_748 = arith.constant 32 : index
        %swap3A_749 = tpu.vector_load %arg8[%swap3A_746, %swap3A_747, %swap3A_748] {strides = array<i32>} : memref<4x200x64xf32, #tpu.memory_space<vmem>>, vector<1x1x16xf32>,
        %swap3A_750 = vector.shape_cast %swap3A_749 : vector<1x1x16xf32> to vector<16xf32>
        %swap3A_751 = vector.shape_cast %get3A_744 : vector<16xf32> to vector<1x1x16xf32>
        tpu.vector_store %arg8[%swap3A_746, %swap3A_747, %swap3A_748], %swap3A_751 {add = true, strides = array<i32>} : memref<4x200x64xf32, #tpu.memory_space<vmem>>, vector<1x1x16xf32>,
        %get3A_752 = arith.index_cast %scan3A_718 : i32 to index
        %get3A_753 = arith.constant 48 : index
        %get3A_754 = tpu.vector_load %arg7[%get3A_752, %get3A_753] {strides = array<i32>} : memref<200x64xf32, #tpu.memory_space<vmem>>, vector<1x16xf32>,
        %get3A_755 = vector.shape_cast %get3A_754 : vector<1x16xf32> to vector<16xf32>
        %swap3A_756 = arith.constant 2 : i32
        %swap3A_757 = arith.index_cast %swap3A_756 : i32 to index
        %swap3A_758 = arith.index_cast %scan3A_718 : i32 to index
        %swap3A_759 = arith.constant 48 : index
        %swap3A_760 = tpu.vector_load %arg8[%swap3A_757, %swap3A_758, %swap3A_759] {strides = array<i32>} : memref<4x200x64xf32, #tpu.memory_space<vmem>>, vector<1x1x16xf32>,
        %swap3A_761 = vector.shape_cast %swap3A_760 : vector<1x1x16xf32> to vector<16xf32>
        %swap3A_762 = vector.shape_cast %get3A_755 : vector<16xf32> to vector<1x1x16xf32>
        tpu.vector_store %arg8[%swap3A_757, %swap3A_758, %swap3A_759], %swap3A_762 {add = true, strides = array<i32>} : memref<4x200x64xf32, #tpu.memory_space<vmem>>, vector<1x1x16xf32>,
      }
      %scan3A_314 = arith.constant 200 : i32
      %add3A_315 = arith.addi %mul3A_2, %add3A_271 : i32
      %mul3A_316 = arith.constant 200 : i32
      %mul3A_317 = arith.muli %add3A_315, %mul3A_316 : i32
      %dma_start3A_318 = arith.constant 2 : i32
      %dma_start3A_319 = arith.constant 2 : i32
      %dma_start3A_320 = arith.constant 0 : i32
      %dma_start3A_321 = arith.constant 0 : i32
      %dma_start3A_322 = tpu.memref_slice %arg8[%dma_start3A_318, %dma_start3A_320, %dma_start3A_321] : memref<4x200x64xf32, #tpu.memory_space<vmem>> -> memref<1x200x64xf32, #tpu.memory_space<vmem>>
      %dma_start3A_323 = tpu.memref_squeeze %dma_start3A_322 : memref<1x200x64xf32, #tpu.memory_space<vmem>> -> memref<200x64xf32, #tpu.memory_space<vmem>>
      %dma_start3A_324 = arith.constant 0 : i32
      %dma_start3A_325 = tpu.memref_slice %arg5[%mul3A_317, %dma_start3A_324] : memref<819200x128xf32, #tpu.memory_space<hbm>> -> memref<200x64xf32, #tpu.memory_space<hbm>>
      %dma_start3A_326 = tpu.memref_slice %arg10[%dma_start3A_319] : memref<4x!tpu.dma_semaphore, #tpu.memory_space<semaphore_mem>> -> memref<1x!tpu.dma_semaphore, #tpu.memory_space<semaphore_mem>>
      %dma_start3A_327 = tpu.memref_squeeze %dma_start3A_326 : memref<1x!tpu.dma_semaphore, #tpu.memory_space<semaphore_mem>> -> memref<!tpu.dma_semaphore, #tpu.memory_space<semaphore_mem>>
      %dma_start3A_328 = arith.constant 0 : i32
      %dma_start3A_329 = tpu.memref_slice %arg5[%mul3A_317, %dma_start3A_328] : memref<819200x128xf32, #tpu.memory_space<hbm>> -> memref<200x64xf32, #tpu.memory_space<hbm>>
      %dma_start3A_330 = arith.constant 0 : i32
      %dma_start3A_331 = arith.constant 0 : i32
      %dma_start3A_332 = tpu.memref_slice %arg8[%dma_start3A_318, %dma_start3A_330, %dma_start3A_331] : memref<4x200x64xf32, #tpu.memory_space<vmem>> -> memref<1x200x64xf32, #tpu.memory_space<vmem>>
      %dma_start3A_333 = tpu.memref_squeeze %dma_start3A_332 : memref<1x200x64xf32, #tpu.memory_space<vmem>> -> memref<200x64xf32, #tpu.memory_space<vmem>>
      tpu.enqueue_dma source(%dma_start3A_333 : memref<200x64xf32, #tpu.memory_space<vmem>>) target(%dma_start3A_329 : memref<200x64xf32, #tpu.memory_space<hbm>>) target_semaphore(%dma_start3A_327 : memref<!tpu.dma_semaphore, #tpu.memory_space<semaphore_mem>>)
      %add3A_334 = arith.constant 3 : i32
      %add3A_335 = arith.addi %mul3A_144, %add3A_334 : i32
      %add3A_336 = arith.constant 2 : i32
      %add3A_337 = arith.addi %add3A_335, %add3A_336 : i32
      %lt3A_338 = arith.constant 128 : i32
      %lt3A_339 = arith.cmpi slt, %add3A_337, %lt3A_338 : i32
      %convert_element_type3A_340 = arith.extui %lt3A_339 : i1 to i32
      %cond3A_341 = arith.constant 0 : i32
      %cond3A_342 = arith.cmpi ne, %convert_element_type3A_340, %cond3A_341 : i32
      scf.if %cond3A_342 {
        %ge3A = arith.constant 4 : i32
        %ge3A_398 = arith.cmpi sge, %add3A_337, %ge3A : i32
        %convert_element_type3A_399 = arith.extui %ge3A_398 : i1 to i32
        %cond3A_400 = arith.constant 0 : i32
        %cond3A_401 = arith.cmpi ne, %convert_element_type3A_399, %cond3A_400 : i32
        scf.if %cond3A_401 {
          %mul3A_432 = arith.constant 200 : i32
          %mul3A_433 = arith.muli %mul3A_2, %mul3A_432 : i32
          %dma_wait3A_434 = arith.constant 1 : i32
          %dma_wait3A_435 = arith.constant 1 : i32
          %dma_wait3A_436 = arith.constant 0 : i32
          %dma_wait3A_437 = arith.constant 0 : i32
          %dma_wait3A_438 = tpu.memref_slice %arg8[%dma_wait3A_434, %dma_wait3A_436, %dma_wait3A_437] : memref<4x200x64xf32, #tpu.memory_space<vmem>> -> memref<1x200x64xf32, #tpu.memory_space<vmem>>
          %dma_wait3A_439 = tpu.memref_squeeze %dma_wait3A_438 : memref<1x200x64xf32, #tpu.memory_space<vmem>> -> memref<200x64xf32, #tpu.memory_space<vmem>>
          %dma_wait3A_440 = arith.constant 0 : i32
          %dma_wait3A_441 = tpu.memref_slice %arg5[%mul3A_433, %dma_wait3A_440] : memref<819200x128xf32, #tpu.memory_space<hbm>> -> memref<200x64xf32, #tpu.memory_space<hbm>>
          %dma_wait3A_442 = tpu.memref_slice %arg10[%dma_wait3A_435] : memref<4x!tpu.dma_semaphore, #tpu.memory_space<semaphore_mem>> -> memref<1x!tpu.dma_semaphore, #tpu.memory_space<semaphore_mem>>
          %dma_wait3A_443 = tpu.memref_squeeze %dma_wait3A_442 : memref<1x!tpu.dma_semaphore, #tpu.memory_space<semaphore_mem>> -> memref<!tpu.dma_semaphore, #tpu.memory_space<semaphore_mem>>
          %dma_wait3A_444 = arith.constant 0 : i32
          %dma_wait3A_445 = tpu.memref_slice %arg5[%mul3A_433, %dma_wait3A_444] : memref<819200x128xf32, #tpu.memory_space<hbm>> -> memref<200x64xf32, #tpu.memory_space<hbm>>
          %dma_wait3A_446 = arith.constant 0 : i32
          %dma_wait3A_447 = arith.constant 0 : i32
          %dma_wait3A_448 = tpu.memref_slice %arg8[%dma_wait3A_434, %dma_wait3A_446, %dma_wait3A_447] : memref<4x200x64xf32, #tpu.memory_space<vmem>> -> memref<1x200x64xf32, #tpu.memory_space<vmem>>
          %dma_wait3A_449 = tpu.memref_squeeze %dma_wait3A_448 : memref<1x200x64xf32, #tpu.memory_space<vmem>> -> memref<200x64xf32, #tpu.memory_space<vmem>>
          tpu.wait_dma2 semaphore(%dma_wait3A_443 : memref<!tpu.dma_semaphore, #tpu.memory_space<semaphore_mem>>) src(%dma_wait3A_449 : memref<200x64xf32, #tpu.memory_space<vmem>>) dst(%dma_wait3A_445 : memref<200x64xf32, #tpu.memory_space<hbm>>)
        } else {
        }
        %dma_start3A_402 = arith.constant 0 : i32
        %dma_start3A_403 = arith.constant 1 : i32
        %dma_start3A_404 = arith.constant 1 : i32
        %dma_start3A_405 = arith.constant 0 : i32
        %dma_start3A_406 = arith.constant 0 : i32
        %dma_start3A_407 = tpu.memref_slice %arg8[%dma_start3A_403, %dma_start3A_405, %dma_start3A_406] : memref<4x200x64xf32, #tpu.memory_space<vmem>> -> memref<1x100x64xf32, #tpu.memory_space<vmem>>
        %dma_start3A_408 = tpu.memref_squeeze %dma_start3A_407 : memref<1x100x64xf32, #tpu.memory_space<vmem>> -> memref<100x64xf32, #tpu.memory_space<vmem>>
        %dma_start3A_409 = arith.constant 0 : i32
        %dma_start3A_410 = tpu.memref_slice %arg6[%add3A_337, %dma_start3A_402, %dma_start3A_409] : memref<128x2x100xi32, #tpu.memory_space<vmem>> -> memref<1x1x100xi32, #tpu.memory_space<vmem>>
        %dma_start3A_411 = tpu.memref_squeeze %dma_start3A_410 : memref<1x1x100xi32, #tpu.memory_space<vmem>> -> memref<100xi32, #tpu.memory_space<vmem>>
        %dma_start3A_412 = arith.constant 0 : i32
        %dma_start3A_413 = arith.constant 0 : i32
        %dma_start3A_414 = tpu.memref_slice %arg3[%dma_start3A_412, %dma_start3A_413] : memref<1000000x64xf32, #tpu.memory_space<hbm>> -> memref<1000000x64xf32, #tpu.memory_space<hbm>>
        %dma_start3A_415 = tpu.memref_slice %arg9[%dma_start3A_404] : memref<4x!tpu.dma_semaphore, #tpu.memory_space<semaphore_mem>> -> memref<1x!tpu.dma_semaphore, #tpu.memory_space<semaphore_mem>>
        %dma_start3A_416 = tpu.memref_squeeze %dma_start3A_415 : memref<1x!tpu.dma_semaphore, #tpu.memory_space<semaphore_mem>> -> memref<!tpu.dma_semaphore, #tpu.memory_space<semaphore_mem>>
        tpu.enqueue_indirect_dma source(%dma_start3A_414 : memref<1000000x64xf32, #tpu.memory_space<hbm>>) target(%dma_start3A_408 : memref<100x64xf32, #tpu.memory_space<vmem>>) offsets(%dma_start3A_411 : memref<100xi32, #tpu.memory_space<vmem>>) semaphore(%dma_start3A_416 : memref<!tpu.dma_semaphore, #tpu.memory_space<semaphore_mem>>)
        %dma_start3A_417 = arith.constant 1 : i32
        %dma_start3A_418 = arith.constant 1 : i32
        %dma_start3A_419 = arith.constant 1 : i32
        %dma_start3A_420 = arith.constant 100 : i32
        %dma_start3A_421 = arith.constant 0 : i32
        %dma_start3A_422 = tpu.memref_slice %arg8[%dma_start3A_418, %dma_start3A_420, %dma_start3A_421] : memref<4x200x64xf32, #tpu.memory_space<vmem>> -> memref<1x100x64xf32, #tpu.memory_space<vmem>>
        %dma_start3A_423 = tpu.memref_squeeze %dma_start3A_422 : memref<1x100x64xf32, #tpu.memory_space<vmem>> -> memref<100x64xf32, #tpu.memory_space<vmem>>
        %dma_start3A_424 = arith.constant 0 : i32
        %dma_start3A_425 = tpu.memref_slice %arg6[%add3A_337, %dma_start3A_417, %dma_start3A_424] : memref<128x2x100xi32, #tpu.memory_space<vmem>> -> memref<1x1x100xi32, #tpu.memory_space<vmem>>
        %dma_start3A_426 = tpu.memref_squeeze %dma_start3A_425 : memref<1x1x100xi32, #tpu.memory_space<vmem>> -> memref<100xi32, #tpu.memory_space<vmem>>
        %dma_start3A_427 = arith.constant 0 : i32
        %dma_start3A_428 = arith.constant 0 : i32
        %dma_start3A_429 = tpu.memref_slice %arg3[%dma_start3A_427, %dma_start3A_428] : memref<1000000x64xf32, #tpu.memory_space<hbm>> -> memref<1000000x64xf32, #tpu.memory_space<hbm>>
        %dma_start3A_430 = tpu.memref_slice %arg9[%dma_start3A_419] : memref<4x!tpu.dma_semaphore, #tpu.memory_space<semaphore_mem>> -> memref<1x!tpu.dma_semaphore, #tpu.memory_space<semaphore_mem>>
        %dma_start3A_431 = tpu.memref_squeeze %dma_start3A_430 : memref<1x!tpu.dma_semaphore, #tpu.memory_space<semaphore_mem>> -> memref<!tpu.dma_semaphore, #tpu.memory_space<semaphore_mem>>
        tpu.enqueue_indirect_dma source(%dma_start3A_429 : memref<1000000x64xf32, #tpu.memory_space<hbm>>) target(%dma_start3A_423 : memref<100x64xf32, #tpu.memory_space<vmem>>) offsets(%dma_start3A_426 : memref<100xi32, #tpu.memory_space<vmem>>) semaphore(%dma_start3A_431 : memref<!tpu.dma_semaphore, #tpu.memory_space<semaphore_mem>>)
      } else {
      }
      %dma_wait3A_343 = arith.constant 0 : i32
      %dma_wait3A_344 = arith.constant 3 : i32
      %dma_wait3A_345 = arith.constant 3 : i32
      %dma_wait3A_346 = arith.constant 0 : i32
      %dma_wait3A_347 = arith.constant 0 : i32
      %dma_wait3A_348 = tpu.memref_slice %arg8[%dma_wait3A_344, %dma_wait3A_346, %dma_wait3A_347] : memref<4x200x64xf32, #tpu.memory_space<vmem>> -> memref<1x100x64xf32, #tpu.memory_space<vmem>>
      %dma_wait3A_349 = tpu.memref_squeeze %dma_wait3A_348 : memref<1x100x64xf32, #tpu.memory_space<vmem>> -> memref<100x64xf32, #tpu.memory_space<vmem>>
      %dma_wait3A_350 = arith.constant 0 : i32
      %dma_wait3A_351 = tpu.memref_slice %arg6[%add3A_335, %dma_wait3A_343, %dma_wait3A_350] : memref<128x2x100xi32, #tpu.memory_space<vmem>> -> memref<1x1x100xi32, #tpu.memory_space<vmem>>
      %dma_wait3A_352 = tpu.memref_squeeze %dma_wait3A_351 : memref<1x1x100xi32, #tpu.memory_space<vmem>> -> memref<100xi32, #tpu.memory_space<vmem>>
      %dma_wait3A_353 = arith.constant 0 : i32
      %dma_wait3A_354 = arith.constant 0 : i32
      %dma_wait3A_355 = tpu.memref_slice %arg3[%dma_wait3A_353, %dma_wait3A_354] : memref<1000000x64xf32, #tpu.memory_space<hbm>> -> memref<1000000x64xf32, #tpu.memory_space<hbm>>
      %dma_wait3A_356 = tpu.memref_slice %arg9[%dma_wait3A_345] : memref<4x!tpu.dma_semaphore, #tpu.memory_space<semaphore_mem>> -> memref<1x!tpu.dma_semaphore, #tpu.memory_space<semaphore_mem>>
      %dma_wait3A_357 = tpu.memref_squeeze %dma_wait3A_356 : memref<1x!tpu.dma_semaphore, #tpu.memory_space<semaphore_mem>> -> memref<!tpu.dma_semaphore, #tpu.memory_space<semaphore_mem>>
      tpu.wait_indirect_dma semaphore(%dma_wait3A_357 : memref<!tpu.dma_semaphore, #tpu.memory_space<semaphore_mem>>) src(%dma_wait3A_355 : memref<1000000x64xf32, #tpu.memory_space<hbm>>) dst(%dma_wait3A_349 : memref<100x64xf32, #tpu.memory_space<vmem>>)
      %dma_wait3A_358 = arith.constant 1 : i32
      %dma_wait3A_359 = arith.constant 3 : i32
      %dma_wait3A_360 = arith.constant 3 : i32
      %dma_wait3A_361 = arith.constant 100 : i32
      %dma_wait3A_362 = arith.constant 0 : i32
      %dma_wait3A_363 = tpu.memref_slice %arg8[%dma_wait3A_359, %dma_wait3A_361, %dma_wait3A_362] : memref<4x200x64xf32, #tpu.memory_space<vmem>> -> memref<1x100x64xf32, #tpu.memory_space<vmem>>
      %dma_wait3A_364 = tpu.memref_squeeze %dma_wait3A_363 : memref<1x100x64xf32, #tpu.memory_space<vmem>> -> memref<100x64xf32, #tpu.memory_space<vmem>>
      %dma_wait3A_365 = arith.constant 0 : i32
      %dma_wait3A_366 = tpu.memref_slice %arg6[%add3A_335, %dma_wait3A_358, %dma_wait3A_365] : memref<128x2x100xi32, #tpu.memory_space<vmem>> -> memref<1x1x100xi32, #tpu.memory_space<vmem>>
      %dma_wait3A_367 = tpu.memref_squeeze %dma_wait3A_366 : memref<1x1x100xi32, #tpu.memory_space<vmem>> -> memref<100xi32, #tpu.memory_space<vmem>>
      %dma_wait3A_368 = arith.constant 0 : i32
      %dma_wait3A_369 = arith.constant 0 : i32
      %dma_wait3A_370 = tpu.memref_slice %arg3[%dma_wait3A_368, %dma_wait3A_369] : memref<1000000x64xf32, #tpu.memory_space<hbm>> -> memref<1000000x64xf32, #tpu.memory_space<hbm>>
      %dma_wait3A_371 = tpu.memref_slice %arg9[%dma_wait3A_360] : memref<4x!tpu.dma_semaphore, #tpu.memory_space<semaphore_mem>> -> memref<1x!tpu.dma_semaphore, #tpu.memory_space<semaphore_mem>>
      %dma_wait3A_372 = tpu.memref_squeeze %dma_wait3A_371 : memref<1x!tpu.dma_semaphore, #tpu.memory_space<semaphore_mem>> -> memref<!tpu.dma_semaphore, #tpu.memory_space<semaphore_mem>>
      tpu.wait_indirect_dma semaphore(%dma_wait3A_372 : memref<!tpu.dma_semaphore, #tpu.memory_space<semaphore_mem>>) src(%dma_wait3A_370 : memref<1000000x64xf32, #tpu.memory_space<hbm>>) dst(%dma_wait3A_364 : memref<100x64xf32, #tpu.memory_space<vmem>>)
      %scan3A_373 = arith.constant 0 : i32
      %scan3A_374 = arith.constant 0 : i32
      %scan3A_375 = arith.constant 200 : i32
      %scan3A_376 = arith.addi %scan3A_374, %scan3A_375 : i32
      %scan3A_377 = arith.constant 8 : i32
      scf.for %scan3A_398 = %scan3A_374 to %scan3A_376 step %scan3A_377  : i32 {
        %get3A = arith.index_cast %scan3A_398 : i32 to index
        %get3A_399 = arith.constant 0 : index
        %get3A_400 = tpu.vector_load %arg7[%get3A, %get3A_399] {strides = array<i32>} : memref<200x64xf32, #tpu.memory_space<vmem>>, vector<1x16xf32>,
        %get3A_401 = vector.shape_cast %get3A_400 : vector<1x16xf32> to vector<16xf32>
        %swap3A = arith.constant 3 : i32
        %swap3A_402 = arith.index_cast %swap3A : i32 to index
        %swap3A_403 = arith.index_cast %scan3A_398 : i32 to index
        %swap3A_404 = arith.constant 0 : index
        %swap3A_405 = tpu.vector_load %arg8[%swap3A_402, %swap3A_403, %swap3A_404] {strides = array<i32>} : memref<4x200x64xf32, #tpu.memory_space<vmem>>, vector<1x1x16xf32>,
        %swap3A_406 = vector.shape_cast %swap3A_405 : vector<1x1x16xf32> to vector<16xf32>
        %swap3A_407 = vector.shape_cast %get3A_401 : vector<16xf32> to vector<1x1x16xf32>
        tpu.vector_store %arg8[%swap3A_402, %swap3A_403, %swap3A_404], %swap3A_407 {add = true, strides = array<i32>} : memref<4x200x64xf32, #tpu.memory_space<vmem>>, vector<1x1x16xf32>,
        %get3A_408 = arith.index_cast %scan3A_398 : i32 to index
        %get3A_409 = arith.constant 16 : index
        %get3A_410 = tpu.vector_load %arg7[%get3A_408, %get3A_409] {strides = array<i32>} : memref<200x64xf32, #tpu.memory_space<vmem>>, vector<1x16xf32>,
        %get3A_411 = vector.shape_cast %get3A_410 : vector<1x16xf32> to vector<16xf32>
        %swap3A_412 = arith.constant 3 : i32
        %swap3A_413 = arith.index_cast %swap3A_412 : i32 to index
        %swap3A_414 = arith.index_cast %scan3A_398 : i32 to index
        %swap3A_415 = arith.constant 16 : index
        %swap3A_416 = tpu.vector_load %arg8[%swap3A_413, %swap3A_414, %swap3A_415] {strides = array<i32>} : memref<4x200x64xf32, #tpu.memory_space<vmem>>, vector<1x1x16xf32>,
        %swap3A_417 = vector.shape_cast %swap3A_416 : vector<1x1x16xf32> to vector<16xf32>
        %swap3A_418 = vector.shape_cast %get3A_411 : vector<16xf32> to vector<1x1x16xf32>
        tpu.vector_store %arg8[%swap3A_413, %swap3A_414, %swap3A_415], %swap3A_418 {add = true, strides = array<i32>} : memref<4x200x64xf32, #tpu.memory_space<vmem>>, vector<1x1x16xf32>,
        %get3A_419 = arith.index_cast %scan3A_398 : i32 to index
        %get3A_420 = arith.constant 32 : index
        %get3A_421 = tpu.vector_load %arg7[%get3A_419, %get3A_420] {strides = array<i32>} : memref<200x64xf32, #tpu.memory_space<vmem>>, vector<1x16xf32>,
        %get3A_422 = vector.shape_cast %get3A_421 : vector<1x16xf32> to vector<16xf32>
        %swap3A_423 = arith.constant 3 : i32
        %swap3A_424 = arith.index_cast %swap3A_423 : i32 to index
        %swap3A_425 = arith.index_cast %scan3A_398 : i32 to index
        %swap3A_426 = arith.constant 32 : index
        %swap3A_427 = tpu.vector_load %arg8[%swap3A_424, %swap3A_425, %swap3A_426] {strides = array<i32>} : memref<4x200x64xf32, #tpu.memory_space<vmem>>, vector<1x1x16xf32>,
        %swap3A_428 = vector.shape_cast %swap3A_427 : vector<1x1x16xf32> to vector<16xf32>
        %swap3A_429 = vector.shape_cast %get3A_422 : vector<16xf32> to vector<1x1x16xf32>
        tpu.vector_store %arg8[%swap3A_424, %swap3A_425, %swap3A_426], %swap3A_429 {add = true, strides = array<i32>} : memref<4x200x64xf32, #tpu.memory_space<vmem>>, vector<1x1x16xf32>,
        %get3A_430 = arith.index_cast %scan3A_398 : i32 to index
        %get3A_431 = arith.constant 48 : index
        %get3A_432 = tpu.vector_load %arg7[%get3A_430, %get3A_431] {strides = array<i32>} : memref<200x64xf32, #tpu.memory_space<vmem>>, vector<1x16xf32>,
        %get3A_433 = vector.shape_cast %get3A_432 : vector<1x16xf32> to vector<16xf32>
        %swap3A_434 = arith.constant 3 : i32
        %swap3A_435 = arith.index_cast %swap3A_434 : i32 to index
        %swap3A_436 = arith.index_cast %scan3A_398 : i32 to index
        %swap3A_437 = arith.constant 48 : index
        %swap3A_438 = tpu.vector_load %arg8[%swap3A_435, %swap3A_436, %swap3A_437] {strides = array<i32>} : memref<4x200x64xf32, #tpu.memory_space<vmem>>, vector<1x1x16xf32>,
        %swap3A_439 = vector.shape_cast %swap3A_438 : vector<1x1x16xf32> to vector<16xf32>
        %swap3A_440 = vector.shape_cast %get3A_433 : vector<16xf32> to vector<1x1x16xf32>
        tpu.vector_store %arg8[%swap3A_435, %swap3A_436, %swap3A_437], %swap3A_440 {add = true, strides = array<i32>} : memref<4x200x64xf32, #tpu.memory_space<vmem>>, vector<1x1x16xf32>,
        %scan3A_441 = arith.constant 1 : i32
        %scan3A_442 = arith.addi %scan3A_398, %scan3A_441 : i32
        %get3A_443 = arith.index_cast %scan3A_442 : i32 to index
        %get3A_444 = arith.constant 0 : index
        %get3A_445 = tpu.vector_load %arg7[%get3A_443, %get3A_444] {strides = array<i32>} : memref<200x64xf32, #tpu.memory_space<vmem>>, vector<1x16xf32>,
        %get3A_446 = vector.shape_cast %get3A_445 : vector<1x16xf32> to vector<16xf32>
        %swap3A_447 = arith.constant 3 : i32
        %swap3A_448 = arith.index_cast %swap3A_447 : i32 to index
        %swap3A_449 = arith.index_cast %scan3A_442 : i32 to index
        %swap3A_450 = arith.constant 0 : index
        %swap3A_451 = tpu.vector_load %arg8[%swap3A_448, %swap3A_449, %swap3A_450] {strides = array<i32>} : memref<4x200x64xf32, #tpu.memory_space<vmem>>, vector<1x1x16xf32>,
        %swap3A_452 = vector.shape_cast %swap3A_451 : vector<1x1x16xf32> to vector<16xf32>
        %swap3A_453 = vector.shape_cast %get3A_446 : vector<16xf32> to vector<1x1x16xf32>
        tpu.vector_store %arg8[%swap3A_448, %swap3A_449, %swap3A_450], %swap3A_453 {add = true, strides = array<i32>} : memref<4x200x64xf32, #tpu.memory_space<vmem>>, vector<1x1x16xf32>,
        %get3A_454 = arith.index_cast %scan3A_442 : i32 to index
        %get3A_455 = arith.constant 16 : index
        %get3A_456 = tpu.vector_load %arg7[%get3A_454, %get3A_455] {strides = array<i32>} : memref<200x64xf32, #tpu.memory_space<vmem>>, vector<1x16xf32>,
        %get3A_457 = vector.shape_cast %get3A_456 : vector<1x16xf32> to vector<16xf32>
        %swap3A_458 = arith.constant 3 : i32
        %swap3A_459 = arith.index_cast %swap3A_458 : i32 to index
        %swap3A_460 = arith.index_cast %scan3A_442 : i32 to index
        %swap3A_461 = arith.constant 16 : index
        %swap3A_462 = tpu.vector_load %arg8[%swap3A_459, %swap3A_460, %swap3A_461] {strides = array<i32>} : memref<4x200x64xf32, #tpu.memory_space<vmem>>, vector<1x1x16xf32>,
        %swap3A_463 = vector.shape_cast %swap3A_462 : vector<1x1x16xf32> to vector<16xf32>
        %swap3A_464 = vector.shape_cast %get3A_457 : vector<16xf32> to vector<1x1x16xf32>
        tpu.vector_store %arg8[%swap3A_459, %swap3A_460, %swap3A_461], %swap3A_464 {add = true, strides = array<i32>} : memref<4x200x64xf32, #tpu.memory_space<vmem>>, vector<1x1x16xf32>,
        %get3A_465 = arith.index_cast %scan3A_442 : i32 to index
        %get3A_466 = arith.constant 32 : index
        %get3A_467 = tpu.vector_load %arg7[%get3A_465, %get3A_466] {strides = array<i32>} : memref<200x64xf32, #tpu.memory_space<vmem>>, vector<1x16xf32>,
        %get3A_468 = vector.shape_cast %get3A_467 : vector<1x16xf32> to vector<16xf32>
        %swap3A_469 = arith.constant 3 : i32
        %swap3A_470 = arith.index_cast %swap3A_469 : i32 to index
        %swap3A_471 = arith.index_cast %scan3A_442 : i32 to index
        %swap3A_472 = arith.constant 32 : index
        %swap3A_473 = tpu.vector_load %arg8[%swap3A_470, %swap3A_471, %swap3A_472] {strides = array<i32>} : memref<4x200x64xf32, #tpu.memory_space<vmem>>, vector<1x1x16xf32>,
        %swap3A_474 = vector.shape_cast %swap3A_473 : vector<1x1x16xf32> to vector<16xf32>
        %swap3A_475 = vector.shape_cast %get3A_468 : vector<16xf32> to vector<1x1x16xf32>
        tpu.vector_store %arg8[%swap3A_470, %swap3A_471, %swap3A_472], %swap3A_475 {add = true, strides = array<i32>} : memref<4x200x64xf32, #tpu.memory_space<vmem>>, vector<1x1x16xf32>,
        %get3A_476 = arith.index_cast %scan3A_442 : i32 to index
        %get3A_477 = arith.constant 48 : index
        %get3A_478 = tpu.vector_load %arg7[%get3A_476, %get3A_477] {strides = array<i32>} : memref<200x64xf32, #tpu.memory_space<vmem>>, vector<1x16xf32>,
        %get3A_479 = vector.shape_cast %get3A_478 : vector<1x16xf32> to vector<16xf32>
        %swap3A_480 = arith.constant 3 : i32
        %swap3A_481 = arith.index_cast %swap3A_480 : i32 to index
        %swap3A_482 = arith.index_cast %scan3A_442 : i32 to index
        %swap3A_483 = arith.constant 48 : index
        %swap3A_484 = tpu.vector_load %arg8[%swap3A_481, %swap3A_482, %swap3A_483] {strides = array<i32>} : memref<4x200x64xf32, #tpu.memory_space<vmem>>, vector<1x1x16xf32>,
        %swap3A_485 = vector.shape_cast %swap3A_484 : vector<1x1x16xf32> to vector<16xf32>
        %swap3A_486 = vector.shape_cast %get3A_479 : vector<16xf32> to vector<1x1x16xf32>
        tpu.vector_store %arg8[%swap3A_481, %swap3A_482, %swap3A_483], %swap3A_486 {add = true, strides = array<i32>} : memref<4x200x64xf32, #tpu.memory_space<vmem>>, vector<1x1x16xf32>,
        %scan3A_487 = arith.constant 2 : i32
        %scan3A_488 = arith.addi %scan3A_398, %scan3A_487 : i32
        %get3A_489 = arith.index_cast %scan3A_488 : i32 to index
        %get3A_490 = arith.constant 0 : index
        %get3A_491 = tpu.vector_load %arg7[%get3A_489, %get3A_490] {strides = array<i32>} : memref<200x64xf32, #tpu.memory_space<vmem>>, vector<1x16xf32>,
        %get3A_492 = vector.shape_cast %get3A_491 : vector<1x16xf32> to vector<16xf32>
        %swap3A_493 = arith.constant 3 : i32
        %swap3A_494 = arith.index_cast %swap3A_493 : i32 to index
        %swap3A_495 = arith.index_cast %scan3A_488 : i32 to index
        %swap3A_496 = arith.constant 0 : index
        %swap3A_497 = tpu.vector_load %arg8[%swap3A_494, %swap3A_495, %swap3A_496] {strides = array<i32>} : memref<4x200x64xf32, #tpu.memory_space<vmem>>, vector<1x1x16xf32>,
        %swap3A_498 = vector.shape_cast %swap3A_497 : vector<1x1x16xf32> to vector<16xf32>
        %swap3A_499 = vector.shape_cast %get3A_492 : vector<16xf32> to vector<1x1x16xf32>
        tpu.vector_store %arg8[%swap3A_494, %swap3A_495, %swap3A_496], %swap3A_499 {add = true, strides = array<i32>} : memref<4x200x64xf32, #tpu.memory_space<vmem>>, vector<1x1x16xf32>,
        %get3A_500 = arith.index_cast %scan3A_488 : i32 to index
        %get3A_501 = arith.constant 16 : index
        %get3A_502 = tpu.vector_load %arg7[%get3A_500, %get3A_501] {strides = array<i32>} : memref<200x64xf32, #tpu.memory_space<vmem>>, vector<1x16xf32>,
        %get3A_503 = vector.shape_cast %get3A_502 : vector<1x16xf32> to vector<16xf32>
        %swap3A_504 = arith.constant 3 : i32
        %swap3A_505 = arith.index_cast %swap3A_504 : i32 to index
        %swap3A_506 = arith.index_cast %scan3A_488 : i32 to index
        %swap3A_507 = arith.constant 16 : index
        %swap3A_508 = tpu.vector_load %arg8[%swap3A_505, %swap3A_506, %swap3A_507] {strides = array<i32>} : memref<4x200x64xf32, #tpu.memory_space<vmem>>, vector<1x1x16xf32>,
        %swap3A_509 = vector.shape_cast %swap3A_508 : vector<1x1x16xf32> to vector<16xf32>
        %swap3A_510 = vector.shape_cast %get3A_503 : vector<16xf32> to vector<1x1x16xf32>
        tpu.vector_store %arg8[%swap3A_505, %swap3A_506, %swap3A_507], %swap3A_510 {add = true, strides = array<i32>} : memref<4x200x64xf32, #tpu.memory_space<vmem>>, vector<1x1x16xf32>,
        %get3A_511 = arith.index_cast %scan3A_488 : i32 to index
        %get3A_512 = arith.constant 32 : index
        %get3A_513 = tpu.vector_load %arg7[%get3A_511, %get3A_512] {strides = array<i32>} : memref<200x64xf32, #tpu.memory_space<vmem>>, vector<1x16xf32>,
        %get3A_514 = vector.shape_cast %get3A_513 : vector<1x16xf32> to vector<16xf32>
        %swap3A_515 = arith.constant 3 : i32
        %swap3A_516 = arith.index_cast %swap3A_515 : i32 to index
        %swap3A_517 = arith.index_cast %scan3A_488 : i32 to index
        %swap3A_518 = arith.constant 32 : index
        %swap3A_519 = tpu.vector_load %arg8[%swap3A_516, %swap3A_517, %swap3A_518] {strides = array<i32>} : memref<4x200x64xf32, #tpu.memory_space<vmem>>, vector<1x1x16xf32>,
        %swap3A_520 = vector.shape_cast %swap3A_519 : vector<1x1x16xf32> to vector<16xf32>
        %swap3A_521 = vector.shape_cast %get3A_514 : vector<16xf32> to vector<1x1x16xf32>
        tpu.vector_store %arg8[%swap3A_516, %swap3A_517, %swap3A_518], %swap3A_521 {add = true, strides = array<i32>} : memref<4x200x64xf32, #tpu.memory_space<vmem>>, vector<1x1x16xf32>,
        %get3A_522 = arith.index_cast %scan3A_488 : i32 to index
        %get3A_523 = arith.constant 48 : index
        %get3A_524 = tpu.vector_load %arg7[%get3A_522, %get3A_523] {strides = array<i32>} : memref<200x64xf32, #tpu.memory_space<vmem>>, vector<1x16xf32>,
        %get3A_525 = vector.shape_cast %get3A_524 : vector<1x16xf32> to vector<16xf32>
        %swap3A_526 = arith.constant 3 : i32
        %swap3A_527 = arith.index_cast %swap3A_526 : i32 to index
        %swap3A_528 = arith.index_cast %scan3A_488 : i32 to index
        %swap3A_529 = arith.constant 48 : index
        %swap3A_530 = tpu.vector_load %arg8[%swap3A_527, %swap3A_528, %swap3A_529] {strides = array<i32>} : memref<4x200x64xf32, #tpu.memory_space<vmem>>, vector<1x1x16xf32>,
        %swap3A_531 = vector.shape_cast %swap3A_530 : vector<1x1x16xf32> to vector<16xf32>
        %swap3A_532 = vector.shape_cast %get3A_525 : vector<16xf32> to vector<1x1x16xf32>
        tpu.vector_store %arg8[%swap3A_527, %swap3A_528, %swap3A_529], %swap3A_532 {add = true, strides = array<i32>} : memref<4x200x64xf32, #tpu.memory_space<vmem>>, vector<1x1x16xf32>,
        %scan3A_533 = arith.constant 3 : i32
        %scan3A_534 = arith.addi %scan3A_398, %scan3A_533 : i32
        %get3A_535 = arith.index_cast %scan3A_534 : i32 to index
        %get3A_536 = arith.constant 0 : index
        %get3A_537 = tpu.vector_load %arg7[%get3A_535, %get3A_536] {strides = array<i32>} : memref<200x64xf32, #tpu.memory_space<vmem>>, vector<1x16xf32>,
        %get3A_538 = vector.shape_cast %get3A_537 : vector<1x16xf32> to vector<16xf32>
        %swap3A_539 = arith.constant 3 : i32
        %swap3A_540 = arith.index_cast %swap3A_539 : i32 to index
        %swap3A_541 = arith.index_cast %scan3A_534 : i32 to index
        %swap3A_542 = arith.constant 0 : index
        %swap3A_543 = tpu.vector_load %arg8[%swap3A_540, %swap3A_541, %swap3A_542] {strides = array<i32>} : memref<4x200x64xf32, #tpu.memory_space<vmem>>, vector<1x1x16xf32>,
        %swap3A_544 = vector.shape_cast %swap3A_543 : vector<1x1x16xf32> to vector<16xf32>
        %swap3A_545 = vector.shape_cast %get3A_538 : vector<16xf32> to vector<1x1x16xf32>
        tpu.vector_store %arg8[%swap3A_540, %swap3A_541, %swap3A_542], %swap3A_545 {add = true, strides = array<i32>} : memref<4x200x64xf32, #tpu.memory_space<vmem>>, vector<1x1x16xf32>,
        %get3A_546 = arith.index_cast %scan3A_534 : i32 to index
        %get3A_547 = arith.constant 16 : index
        %get3A_548 = tpu.vector_load %arg7[%get3A_546, %get3A_547] {strides = array<i32>} : memref<200x64xf32, #tpu.memory_space<vmem>>, vector<1x16xf32>,
        %get3A_549 = vector.shape_cast %get3A_548 : vector<1x16xf32> to vector<16xf32>
        %swap3A_550 = arith.constant 3 : i32
        %swap3A_551 = arith.index_cast %swap3A_550 : i32 to index
        %swap3A_552 = arith.index_cast %scan3A_534 : i32 to index
        %swap3A_553 = arith.constant 16 : index
        %swap3A_554 = tpu.vector_load %arg8[%swap3A_551, %swap3A_552, %swap3A_553] {strides = array<i32>} : memref<4x200x64xf32, #tpu.memory_space<vmem>>, vector<1x1x16xf32>,
        %swap3A_555 = vector.shape_cast %swap3A_554 : vector<1x1x16xf32> to vector<16xf32>
        %swap3A_556 = vector.shape_cast %get3A_549 : vector<16xf32> to vector<1x1x16xf32>
        tpu.vector_store %arg8[%swap3A_551, %swap3A_552, %swap3A_553], %swap3A_556 {add = true, strides = array<i32>} : memref<4x200x64xf32, #tpu.memory_space<vmem>>, vector<1x1x16xf32>,
        %get3A_557 = arith.index_cast %scan3A_534 : i32 to index
        %get3A_558 = arith.constant 32 : index
        %get3A_559 = tpu.vector_load %arg7[%get3A_557, %get3A_558] {strides = array<i32>} : memref<200x64xf32, #tpu.memory_space<vmem>>, vector<1x16xf32>,
        %get3A_560 = vector.shape_cast %get3A_559 : vector<1x16xf32> to vector<16xf32>
        %swap3A_561 = arith.constant 3 : i32
        %swap3A_562 = arith.index_cast %swap3A_561 : i32 to index
        %swap3A_563 = arith.index_cast %scan3A_534 : i32 to index
        %swap3A_564 = arith.constant 32 : index
        %swap3A_565 = tpu.vector_load %arg8[%swap3A_562, %swap3A_563, %swap3A_564] {strides = array<i32>} : memref<4x200x64xf32, #tpu.memory_space<vmem>>, vector<1x1x16xf32>,
        %swap3A_566 = vector.shape_cast %swap3A_565 : vector<1x1x16xf32> to vector<16xf32>
        %swap3A_567 = vector.shape_cast %get3A_560 : vector<16xf32> to vector<1x1x16xf32>
        tpu.vector_store %arg8[%swap3A_562, %swap3A_563, %swap3A_564], %swap3A_567 {add = true, strides = array<i32>} : memref<4x200x64xf32, #tpu.memory_space<vmem>>, vector<1x1x16xf32>,
        %get3A_568 = arith.index_cast %scan3A_534 : i32 to index
        %get3A_569 = arith.constant 48 : index
        %get3A_570 = tpu.vector_load %arg7[%get3A_568, %get3A_569] {strides = array<i32>} : memref<200x64xf32, #tpu.memory_space<vmem>>, vector<1x16xf32>,
        %get3A_571 = vector.shape_cast %get3A_570 : vector<1x16xf32> to vector<16xf32>
        %swap3A_572 = arith.constant 3 : i32
        %swap3A_573 = arith.index_cast %swap3A_572 : i32 to index
        %swap3A_574 = arith.index_cast %scan3A_534 : i32 to index
        %swap3A_575 = arith.constant 48 : index
        %swap3A_576 = tpu.vector_load %arg8[%swap3A_573, %swap3A_574, %swap3A_575] {strides = array<i32>} : memref<4x200x64xf32, #tpu.memory_space<vmem>>, vector<1x1x16xf32>,
        %swap3A_577 = vector.shape_cast %swap3A_576 : vector<1x1x16xf32> to vector<16xf32>
        %swap3A_578 = vector.shape_cast %get3A_571 : vector<16xf32> to vector<1x1x16xf32>
        tpu.vector_store %arg8[%swap3A_573, %swap3A_574, %swap3A_575], %swap3A_578 {add = true, strides = array<i32>} : memref<4x200x64xf32, #tpu.memory_space<vmem>>, vector<1x1x16xf32>,
        %scan3A_579 = arith.constant 4 : i32
        %scan3A_580 = arith.addi %scan3A_398, %scan3A_579 : i32
        %get3A_581 = arith.index_cast %scan3A_580 : i32 to index
        %get3A_582 = arith.constant 0 : index
        %get3A_583 = tpu.vector_load %arg7[%get3A_581, %get3A_582] {strides = array<i32>} : memref<200x64xf32, #tpu.memory_space<vmem>>, vector<1x16xf32>,
        %get3A_584 = vector.shape_cast %get3A_583 : vector<1x16xf32> to vector<16xf32>
        %swap3A_585 = arith.constant 3 : i32
        %swap3A_586 = arith.index_cast %swap3A_585 : i32 to index
        %swap3A_587 = arith.index_cast %scan3A_580 : i32 to index
        %swap3A_588 = arith.constant 0 : index
        %swap3A_589 = tpu.vector_load %arg8[%swap3A_586, %swap3A_587, %swap3A_588] {strides = array<i32>} : memref<4x200x64xf32, #tpu.memory_space<vmem>>, vector<1x1x16xf32>,
        %swap3A_590 = vector.shape_cast %swap3A_589 : vector<1x1x16xf32> to vector<16xf32>
        %swap3A_591 = vector.shape_cast %get3A_584 : vector<16xf32> to vector<1x1x16xf32>
        tpu.vector_store %arg8[%swap3A_586, %swap3A_587, %swap3A_588], %swap3A_591 {add = true, strides = array<i32>} : memref<4x200x64xf32, #tpu.memory_space<vmem>>, vector<1x1x16xf32>,
        %get3A_592 = arith.index_cast %scan3A_580 : i32 to index
        %get3A_593 = arith.constant 16 : index
        %get3A_594 = tpu.vector_load %arg7[%get3A_592, %get3A_593] {strides = array<i32>} : memref<200x64xf32, #tpu.memory_space<vmem>>, vector<1x16xf32>,
        %get3A_595 = vector.shape_cast %get3A_594 : vector<1x16xf32> to vector<16xf32>
        %swap3A_596 = arith.constant 3 : i32
        %swap3A_597 = arith.index_cast %swap3A_596 : i32 to index
        %swap3A_598 = arith.index_cast %scan3A_580 : i32 to index
        %swap3A_599 = arith.constant 16 : index
        %swap3A_600 = tpu.vector_load %arg8[%swap3A_597, %swap3A_598, %swap3A_599] {strides = array<i32>} : memref<4x200x64xf32, #tpu.memory_space<vmem>>, vector<1x1x16xf32>,
        %swap3A_601 = vector.shape_cast %swap3A_600 : vector<1x1x16xf32> to vector<16xf32>
        %swap3A_602 = vector.shape_cast %get3A_595 : vector<16xf32> to vector<1x1x16xf32>
        tpu.vector_store %arg8[%swap3A_597, %swap3A_598, %swap3A_599], %swap3A_602 {add = true, strides = array<i32>} : memref<4x200x64xf32, #tpu.memory_space<vmem>>, vector<1x1x16xf32>,
        %get3A_603 = arith.index_cast %scan3A_580 : i32 to index
        %get3A_604 = arith.constant 32 : index
        %get3A_605 = tpu.vector_load %arg7[%get3A_603, %get3A_604] {strides = array<i32>} : memref<200x64xf32, #tpu.memory_space<vmem>>, vector<1x16xf32>,
        %get3A_606 = vector.shape_cast %get3A_605 : vector<1x16xf32> to vector<16xf32>
        %swap3A_607 = arith.constant 3 : i32
        %swap3A_608 = arith.index_cast %swap3A_607 : i32 to index
        %swap3A_609 = arith.index_cast %scan3A_580 : i32 to index
        %swap3A_610 = arith.constant 32 : index
        %swap3A_611 = tpu.vector_load %arg8[%swap3A_608, %swap3A_609, %swap3A_610] {strides = array<i32>} : memref<4x200x64xf32, #tpu.memory_space<vmem>>, vector<1x1x16xf32>,
        %swap3A_612 = vector.shape_cast %swap3A_611 : vector<1x1x16xf32> to vector<16xf32>
        %swap3A_613 = vector.shape_cast %get3A_606 : vector<16xf32> to vector<1x1x16xf32>
        tpu.vector_store %arg8[%swap3A_608, %swap3A_609, %swap3A_610], %swap3A_613 {add = true, strides = array<i32>} : memref<4x200x64xf32, #tpu.memory_space<vmem>>, vector<1x1x16xf32>,
        %get3A_614 = arith.index_cast %scan3A_580 : i32 to index
        %get3A_615 = arith.constant 48 : index
        %get3A_616 = tpu.vector_load %arg7[%get3A_614, %get3A_615] {strides = array<i32>} : memref<200x64xf32, #tpu.memory_space<vmem>>, vector<1x16xf32>,
        %get3A_617 = vector.shape_cast %get3A_616 : vector<1x16xf32> to vector<16xf32>
        %swap3A_618 = arith.constant 3 : i32
        %swap3A_619 = arith.index_cast %swap3A_618 : i32 to index
        %swap3A_620 = arith.index_cast %scan3A_580 : i32 to index
        %swap3A_621 = arith.constant 48 : index
        %swap3A_622 = tpu.vector_load %arg8[%swap3A_619, %swap3A_620, %swap3A_621] {strides = array<i32>} : memref<4x200x64xf32, #tpu.memory_space<vmem>>, vector<1x1x16xf32>,
        %swap3A_623 = vector.shape_cast %swap3A_622 : vector<1x1x16xf32> to vector<16xf32>
        %swap3A_624 = vector.shape_cast %get3A_617 : vector<16xf32> to vector<1x1x16xf32>
        tpu.vector_store %arg8[%swap3A_619, %swap3A_620, %swap3A_621], %swap3A_624 {add = true, strides = array<i32>} : memref<4x200x64xf32, #tpu.memory_space<vmem>>, vector<1x1x16xf32>,
        %scan3A_625 = arith.constant 5 : i32
        %scan3A_626 = arith.addi %scan3A_398, %scan3A_625 : i32
        %get3A_627 = arith.index_cast %scan3A_626 : i32 to index
        %get3A_628 = arith.constant 0 : index
        %get3A_629 = tpu.vector_load %arg7[%get3A_627, %get3A_628] {strides = array<i32>} : memref<200x64xf32, #tpu.memory_space<vmem>>, vector<1x16xf32>,
        %get3A_630 = vector.shape_cast %get3A_629 : vector<1x16xf32> to vector<16xf32>
        %swap3A_631 = arith.constant 3 : i32
        %swap3A_632 = arith.index_cast %swap3A_631 : i32 to index
        %swap3A_633 = arith.index_cast %scan3A_626 : i32 to index
        %swap3A_634 = arith.constant 0 : index
        %swap3A_635 = tpu.vector_load %arg8[%swap3A_632, %swap3A_633, %swap3A_634] {strides = array<i32>} : memref<4x200x64xf32, #tpu.memory_space<vmem>>, vector<1x1x16xf32>,
        %swap3A_636 = vector.shape_cast %swap3A_635 : vector<1x1x16xf32> to vector<16xf32>
        %swap3A_637 = vector.shape_cast %get3A_630 : vector<16xf32> to vector<1x1x16xf32>
        tpu.vector_store %arg8[%swap3A_632, %swap3A_633, %swap3A_634], %swap3A_637 {add = true, strides = array<i32>} : memref<4x200x64xf32, #tpu.memory_space<vmem>>, vector<1x1x16xf32>,
        %get3A_638 = arith.index_cast %scan3A_626 : i32 to index
        %get3A_639 = arith.constant 16 : index
        %get3A_640 = tpu.vector_load %arg7[%get3A_638, %get3A_639] {strides = array<i32>} : memref<200x64xf32, #tpu.memory_space<vmem>>, vector<1x16xf32>,
        %get3A_641 = vector.shape_cast %get3A_640 : vector<1x16xf32> to vector<16xf32>
        %swap3A_642 = arith.constant 3 : i32
        %swap3A_643 = arith.index_cast %swap3A_642 : i32 to index
        %swap3A_644 = arith.index_cast %scan3A_626 : i32 to index
        %swap3A_645 = arith.constant 16 : index
        %swap3A_646 = tpu.vector_load %arg8[%swap3A_643, %swap3A_644, %swap3A_645] {strides = array<i32>} : memref<4x200x64xf32, #tpu.memory_space<vmem>>, vector<1x1x16xf32>,
        %swap3A_647 = vector.shape_cast %swap3A_646 : vector<1x1x16xf32> to vector<16xf32>
        %swap3A_648 = vector.shape_cast %get3A_641 : vector<16xf32> to vector<1x1x16xf32>
        tpu.vector_store %arg8[%swap3A_643, %swap3A_644, %swap3A_645], %swap3A_648 {add = true, strides = array<i32>} : memref<4x200x64xf32, #tpu.memory_space<vmem>>, vector<1x1x16xf32>,
        %get3A_649 = arith.index_cast %scan3A_626 : i32 to index
        %get3A_650 = arith.constant 32 : index
        %get3A_651 = tpu.vector_load %arg7[%get3A_649, %get3A_650] {strides = array<i32>} : memref<200x64xf32, #tpu.memory_space<vmem>>, vector<1x16xf32>,
        %get3A_652 = vector.shape_cast %get3A_651 : vector<1x16xf32> to vector<16xf32>
        %swap3A_653 = arith.constant 3 : i32
        %swap3A_654 = arith.index_cast %swap3A_653 : i32 to index
        %swap3A_655 = arith.index_cast %scan3A_626 : i32 to index
        %swap3A_656 = arith.constant 32 : index
        %swap3A_657 = tpu.vector_load %arg8[%swap3A_654, %swap3A_655, %swap3A_656] {strides = array<i32>} : memref<4x200x64xf32, #tpu.memory_space<vmem>>, vector<1x1x16xf32>,
        %swap3A_658 = vector.shape_cast %swap3A_657 : vector<1x1x16xf32> to vector<16xf32>
        %swap3A_659 = vector.shape_cast %get3A_652 : vector<16xf32> to vector<1x1x16xf32>
        tpu.vector_store %arg8[%swap3A_654, %swap3A_655, %swap3A_656], %swap3A_659 {add = true, strides = array<i32>} : memref<4x200x64xf32, #tpu.memory_space<vmem>>, vector<1x1x16xf32>,
        %get3A_660 = arith.index_cast %scan3A_626 : i32 to index
        %get3A_661 = arith.constant 48 : index
        %get3A_662 = tpu.vector_load %arg7[%get3A_660, %get3A_661] {strides = array<i32>} : memref<200x64xf32, #tpu.memory_space<vmem>>, vector<1x16xf32>,
        %get3A_663 = vector.shape_cast %get3A_662 : vector<1x16xf32> to vector<16xf32>
        %swap3A_664 = arith.constant 3 : i32
        %swap3A_665 = arith.index_cast %swap3A_664 : i32 to index
        %swap3A_666 = arith.index_cast %scan3A_626 : i32 to index
        %swap3A_667 = arith.constant 48 : index
        %swap3A_668 = tpu.vector_load %arg8[%swap3A_665, %swap3A_666, %swap3A_667] {strides = array<i32>} : memref<4x200x64xf32, #tpu.memory_space<vmem>>, vector<1x1x16xf32>,
        %swap3A_669 = vector.shape_cast %swap3A_668 : vector<1x1x16xf32> to vector<16xf32>
        %swap3A_670 = vector.shape_cast %get3A_663 : vector<16xf32> to vector<1x1x16xf32>
        tpu.vector_store %arg8[%swap3A_665, %swap3A_666, %swap3A_667], %swap3A_670 {add = true, strides = array<i32>} : memref<4x200x64xf32, #tpu.memory_space<vmem>>, vector<1x1x16xf32>,
        %scan3A_671 = arith.constant 6 : i32
        %scan3A_672 = arith.addi %scan3A_398, %scan3A_671 : i32
        %get3A_673 = arith.index_cast %scan3A_672 : i32 to index
        %get3A_674 = arith.constant 0 : index
        %get3A_675 = tpu.vector_load %arg7[%get3A_673, %get3A_674] {strides = array<i32>} : memref<200x64xf32, #tpu.memory_space<vmem>>, vector<1x16xf32>,
        %get3A_676 = vector.shape_cast %get3A_675 : vector<1x16xf32> to vector<16xf32>
        %swap3A_677 = arith.constant 3 : i32
        %swap3A_678 = arith.index_cast %swap3A_677 : i32 to index
        %swap3A_679 = arith.index_cast %scan3A_672 : i32 to index
        %swap3A_680 = arith.constant 0 : index
        %swap3A_681 = tpu.vector_load %arg8[%swap3A_678, %swap3A_679, %swap3A_680] {strides = array<i32>} : memref<4x200x64xf32, #tpu.memory_space<vmem>>, vector<1x1x16xf32>,
        %swap3A_682 = vector.shape_cast %swap3A_681 : vector<1x1x16xf32> to vector<16xf32>
        %swap3A_683 = vector.shape_cast %get3A_676 : vector<16xf32> to vector<1x1x16xf32>
        tpu.vector_store %arg8[%swap3A_678, %swap3A_679, %swap3A_680], %swap3A_683 {add = true, strides = array<i32>} : memref<4x200x64xf32, #tpu.memory_space<vmem>>, vector<1x1x16xf32>,
        %get3A_684 = arith.index_cast %scan3A_672 : i32 to index
        %get3A_685 = arith.constant 16 : index
        %get3A_686 = tpu.vector_load %arg7[%get3A_684, %get3A_685] {strides = array<i32>} : memref<200x64xf32, #tpu.memory_space<vmem>>, vector<1x16xf32>,
        %get3A_687 = vector.shape_cast %get3A_686 : vector<1x16xf32> to vector<16xf32>
        %swap3A_688 = arith.constant 3 : i32
        %swap3A_689 = arith.index_cast %swap3A_688 : i32 to index
        %swap3A_690 = arith.index_cast %scan3A_672 : i32 to index
        %swap3A_691 = arith.constant 16 : index
        %swap3A_692 = tpu.vector_load %arg8[%swap3A_689, %swap3A_690, %swap3A_691] {strides = array<i32>} : memref<4x200x64xf32, #tpu.memory_space<vmem>>, vector<1x1x16xf32>,
        %swap3A_693 = vector.shape_cast %swap3A_692 : vector<1x1x16xf32> to vector<16xf32>
        %swap3A_694 = vector.shape_cast %get3A_687 : vector<16xf32> to vector<1x1x16xf32>
        tpu.vector_store %arg8[%swap3A_689, %swap3A_690, %swap3A_691], %swap3A_694 {add = true, strides = array<i32>} : memref<4x200x64xf32, #tpu.memory_space<vmem>>, vector<1x1x16xf32>,
        %get3A_695 = arith.index_cast %scan3A_672 : i32 to index
        %get3A_696 = arith.constant 32 : index
        %get3A_697 = tpu.vector_load %arg7[%get3A_695, %get3A_696] {strides = array<i32>} : memref<200x64xf32, #tpu.memory_space<vmem>>, vector<1x16xf32>,
        %get3A_698 = vector.shape_cast %get3A_697 : vector<1x16xf32> to vector<16xf32>
        %swap3A_699 = arith.constant 3 : i32
        %swap3A_700 = arith.index_cast %swap3A_699 : i32 to index
        %swap3A_701 = arith.index_cast %scan3A_672 : i32 to index
        %swap3A_702 = arith.constant 32 : index
        %swap3A_703 = tpu.vector_load %arg8[%swap3A_700, %swap3A_701, %swap3A_702] {strides = array<i32>} : memref<4x200x64xf32, #tpu.memory_space<vmem>>, vector<1x1x16xf32>,
        %swap3A_704 = vector.shape_cast %swap3A_703 : vector<1x1x16xf32> to vector<16xf32>
        %swap3A_705 = vector.shape_cast %get3A_698 : vector<16xf32> to vector<1x1x16xf32>
        tpu.vector_store %arg8[%swap3A_700, %swap3A_701, %swap3A_702], %swap3A_705 {add = true, strides = array<i32>} : memref<4x200x64xf32, #tpu.memory_space<vmem>>, vector<1x1x16xf32>,
        %get3A_706 = arith.index_cast %scan3A_672 : i32 to index
        %get3A_707 = arith.constant 48 : index
        %get3A_708 = tpu.vector_load %arg7[%get3A_706, %get3A_707] {strides = array<i32>} : memref<200x64xf32, #tpu.memory_space<vmem>>, vector<1x16xf32>,
        %get3A_709 = vector.shape_cast %get3A_708 : vector<1x16xf32> to vector<16xf32>
        %swap3A_710 = arith.constant 3 : i32
        %swap3A_711 = arith.index_cast %swap3A_710 : i32 to index
        %swap3A_712 = arith.index_cast %scan3A_672 : i32 to index
        %swap3A_713 = arith.constant 48 : index
        %swap3A_714 = tpu.vector_load %arg8[%swap3A_711, %swap3A_712, %swap3A_713] {strides = array<i32>} : memref<4x200x64xf32, #tpu.memory_space<vmem>>, vector<1x1x16xf32>,
        %swap3A_715 = vector.shape_cast %swap3A_714 : vector<1x1x16xf32> to vector<16xf32>
        %swap3A_716 = vector.shape_cast %get3A_709 : vector<16xf32> to vector<1x1x16xf32>
        tpu.vector_store %arg8[%swap3A_711, %swap3A_712, %swap3A_713], %swap3A_716 {add = true, strides = array<i32>} : memref<4x200x64xf32, #tpu.memory_space<vmem>>, vector<1x1x16xf32>,
        %scan3A_717 = arith.constant 7 : i32
        %scan3A_718 = arith.addi %scan3A_398, %scan3A_717 : i32
        %get3A_719 = arith.index_cast %scan3A_718 : i32 to index
        %get3A_720 = arith.constant 0 : index
        %get3A_721 = tpu.vector_load %arg7[%get3A_719, %get3A_720] {strides = array<i32>} : memref<200x64xf32, #tpu.memory_space<vmem>>, vector<1x16xf32>,
        %get3A_722 = vector.shape_cast %get3A_721 : vector<1x16xf32> to vector<16xf32>
        %swap3A_723 = arith.constant 3 : i32
        %swap3A_724 = arith.index_cast %swap3A_723 : i32 to index
        %swap3A_725 = arith.index_cast %scan3A_718 : i32 to index
        %swap3A_726 = arith.constant 0 : index
        %swap3A_727 = tpu.vector_load %arg8[%swap3A_724, %swap3A_725, %swap3A_726] {strides = array<i32>} : memref<4x200x64xf32, #tpu.memory_space<vmem>>, vector<1x1x16xf32>,
        %swap3A_728 = vector.shape_cast %swap3A_727 : vector<1x1x16xf32> to vector<16xf32>
        %swap3A_729 = vector.shape_cast %get3A_722 : vector<16xf32> to vector<1x1x16xf32>
        tpu.vector_store %arg8[%swap3A_724, %swap3A_725, %swap3A_726], %swap3A_729 {add = true, strides = array<i32>} : memref<4x200x64xf32, #tpu.memory_space<vmem>>, vector<1x1x16xf32>,
        %get3A_730 = arith.index_cast %scan3A_718 : i32 to index
        %get3A_731 = arith.constant 16 : index
        %get3A_732 = tpu.vector_load %arg7[%get3A_730, %get3A_731] {strides = array<i32>} : memref<200x64xf32, #tpu.memory_space<vmem>>, vector<1x16xf32>,
        %get3A_733 = vector.shape_cast %get3A_732 : vector<1x16xf32> to vector<16xf32>
        %swap3A_734 = arith.constant 3 : i32
        %swap3A_735 = arith.index_cast %swap3A_734 : i32 to index
        %swap3A_736 = arith.index_cast %scan3A_718 : i32 to index
        %swap3A_737 = arith.constant 16 : index
        %swap3A_738 = tpu.vector_load %arg8[%swap3A_735, %swap3A_736, %swap3A_737] {strides = array<i32>} : memref<4x200x64xf32, #tpu.memory_space<vmem>>, vector<1x1x16xf32>,
        %swap3A_739 = vector.shape_cast %swap3A_738 : vector<1x1x16xf32> to vector<16xf32>
        %swap3A_740 = vector.shape_cast %get3A_733 : vector<16xf32> to vector<1x1x16xf32>
        tpu.vector_store %arg8[%swap3A_735, %swap3A_736, %swap3A_737], %swap3A_740 {add = true, strides = array<i32>} : memref<4x200x64xf32, #tpu.memory_space<vmem>>, vector<1x1x16xf32>,
        %get3A_741 = arith.index_cast %scan3A_718 : i32 to index
        %get3A_742 = arith.constant 32 : index
        %get3A_743 = tpu.vector_load %arg7[%get3A_741, %get3A_742] {strides = array<i32>} : memref<200x64xf32, #tpu.memory_space<vmem>>, vector<1x16xf32>,
        %get3A_744 = vector.shape_cast %get3A_743 : vector<1x16xf32> to vector<16xf32>
        %swap3A_745 = arith.constant 3 : i32
        %swap3A_746 = arith.index_cast %swap3A_745 : i32 to index
        %swap3A_747 = arith.index_cast %scan3A_718 : i32 to index
        %swap3A_748 = arith.constant 32 : index
        %swap3A_749 = tpu.vector_load %arg8[%swap3A_746, %swap3A_747, %swap3A_748] {strides = array<i32>} : memref<4x200x64xf32, #tpu.memory_space<vmem>>, vector<1x1x16xf32>,
        %swap3A_750 = vector.shape_cast %swap3A_749 : vector<1x1x16xf32> to vector<16xf32>
        %swap3A_751 = vector.shape_cast %get3A_744 : vector<16xf32> to vector<1x1x16xf32>
        tpu.vector_store %arg8[%swap3A_746, %swap3A_747, %swap3A_748], %swap3A_751 {add = true, strides = array<i32>} : memref<4x200x64xf32, #tpu.memory_space<vmem>>, vector<1x1x16xf32>,
        %get3A_752 = arith.index_cast %scan3A_718 : i32 to index
        %get3A_753 = arith.constant 48 : index
        %get3A_754 = tpu.vector_load %arg7[%get3A_752, %get3A_753] {strides = array<i32>} : memref<200x64xf32, #tpu.memory_space<vmem>>, vector<1x16xf32>,
        %get3A_755 = vector.shape_cast %get3A_754 : vector<1x16xf32> to vector<16xf32>
        %swap3A_756 = arith.constant 3 : i32
        %swap3A_757 = arith.index_cast %swap3A_756 : i32 to index
        %swap3A_758 = arith.index_cast %scan3A_718 : i32 to index
        %swap3A_759 = arith.constant 48 : index
        %swap3A_760 = tpu.vector_load %arg8[%swap3A_757, %swap3A_758, %swap3A_759] {strides = array<i32>} : memref<4x200x64xf32, #tpu.memory_space<vmem>>, vector<1x1x16xf32>,
        %swap3A_761 = vector.shape_cast %swap3A_760 : vector<1x1x16xf32> to vector<16xf32>
        %swap3A_762 = vector.shape_cast %get3A_755 : vector<16xf32> to vector<1x1x16xf32>
        tpu.vector_store %arg8[%swap3A_757, %swap3A_758, %swap3A_759], %swap3A_762 {add = true, strides = array<i32>} : memref<4x200x64xf32, #tpu.memory_space<vmem>>, vector<1x1x16xf32>,
      }
      %scan3A_378 = arith.constant 200 : i32
      %add3A_379 = arith.addi %mul3A_2, %add3A_335 : i32
      %mul3A_380 = arith.constant 200 : i32
      %mul3A_381 = arith.muli %add3A_379, %mul3A_380 : i32
      %dma_start3A_382 = arith.constant 3 : i32
      %dma_start3A_383 = arith.constant 3 : i32
      %dma_start3A_384 = arith.constant 0 : i32
      %dma_start3A_385 = arith.constant 0 : i32
      %dma_start3A_386 = tpu.memref_slice %arg8[%dma_start3A_382, %dma_start3A_384, %dma_start3A_385] : memref<4x200x64xf32, #tpu.memory_space<vmem>> -> memref<1x200x64xf32, #tpu.memory_space<vmem>>
      %dma_start3A_387 = tpu.memref_squeeze %dma_start3A_386 : memref<1x200x64xf32, #tpu.memory_space<vmem>> -> memref<200x64xf32, #tpu.memory_space<vmem>>
      %dma_start3A_388 = arith.constant 0 : i32
      %dma_start3A_389 = tpu.memref_slice %arg5[%mul3A_381, %dma_start3A_388] : memref<819200x128xf32, #tpu.memory_space<hbm>> -> memref<200x64xf32, #tpu.memory_space<hbm>>
      %dma_start3A_390 = tpu.memref_slice %arg10[%dma_start3A_383] : memref<4x!tpu.dma_semaphore, #tpu.memory_space<semaphore_mem>> -> memref<1x!tpu.dma_semaphore, #tpu.memory_space<semaphore_mem>>
      %dma_start3A_391 = tpu.memref_squeeze %dma_start3A_390 : memref<1x!tpu.dma_semaphore, #tpu.memory_space<semaphore_mem>> -> memref<!tpu.dma_semaphore, #tpu.memory_space<semaphore_mem>>
      %dma_start3A_392 = arith.constant 0 : i32
      %dma_start3A_393 = tpu.memref_slice %arg5[%mul3A_381, %dma_start3A_392] : memref<819200x128xf32, #tpu.memory_space<hbm>> -> memref<200x64xf32, #tpu.memory_space<hbm>>
      %dma_start3A_394 = arith.constant 0 : i32
      %dma_start3A_395 = arith.constant 0 : i32
      %dma_start3A_396 = tpu.memref_slice %arg8[%dma_start3A_382, %dma_start3A_394, %dma_start3A_395] : memref<4x200x64xf32, #tpu.memory_space<vmem>> -> memref<1x200x64xf32, #tpu.memory_space<vmem>>
      %dma_start3A_397 = tpu.memref_squeeze %dma_start3A_396 : memref<1x200x64xf32, #tpu.memory_space<vmem>> -> memref<200x64xf32, #tpu.memory_space<vmem>>
      tpu.enqueue_dma source(%dma_start3A_397 : memref<200x64xf32, #tpu.memory_space<vmem>>) target(%dma_start3A_393 : memref<200x64xf32, #tpu.memory_space<hbm>>) target_semaphore(%dma_start3A_391 : memref<!tpu.dma_semaphore, #tpu.memory_space<semaphore_mem>>)
    }
    %scan3A_70 = arith.constant 32 : i32
    %mul3A_71 = arith.constant 200 : i32
    %mul3A_72 = arith.muli %mul3A_2, %mul3A_71 : i32
    %dma_wait3A = arith.constant 0 : i32
    %dma_wait3A_73 = arith.constant 0 : i32
    %dma_wait3A_74 = arith.constant 0 : i32
    %dma_wait3A_75 = arith.constant 0 : i32
    %dma_wait3A_76 = tpu.memref_slice %arg8[%dma_wait3A, %dma_wait3A_74, %dma_wait3A_75] : memref<4x200x64xf32, #tpu.memory_space<vmem>> -> memref<1x200x64xf32, #tpu.memory_space<vmem>>
    %dma_wait3A_77 = tpu.memref_squeeze %dma_wait3A_76 : memref<1x200x64xf32, #tpu.memory_space<vmem>> -> memref<200x64xf32, #tpu.memory_space<vmem>>
    %dma_wait3A_78 = arith.constant 0 : i32
    %dma_wait3A_79 = tpu.memref_slice %arg5[%mul3A_72, %dma_wait3A_78] : memref<819200x128xf32, #tpu.memory_space<hbm>> -> memref<200x64xf32, #tpu.memory_space<hbm>>
    %dma_wait3A_80 = tpu.memref_slice %arg10[%dma_wait3A_73] : memref<4x!tpu.dma_semaphore, #tpu.memory_space<semaphore_mem>> -> memref<1x!tpu.dma_semaphore, #tpu.memory_space<semaphore_mem>>
    %dma_wait3A_81 = tpu.memref_squeeze %dma_wait3A_80 : memref<1x!tpu.dma_semaphore, #tpu.memory_space<semaphore_mem>> -> memref<!tpu.dma_semaphore, #tpu.memory_space<semaphore_mem>>
    %dma_wait3A_82 = arith.constant 0 : i32
    %dma_wait3A_83 = tpu.memref_slice %arg5[%mul3A_72, %dma_wait3A_82] : memref<819200x128xf32, #tpu.memory_space<hbm>> -> memref<200x64xf32, #tpu.memory_space<hbm>>
    %dma_wait3A_84 = arith.constant 0 : i32
    %dma_wait3A_85 = arith.constant 0 : i32
    %dma_wait3A_86 = tpu.memref_slice %arg8[%dma_wait3A, %dma_wait3A_84, %dma_wait3A_85] : memref<4x200x64xf32, #tpu.memory_space<vmem>> -> memref<1x200x64xf32, #tpu.memory_space<vmem>>
    %dma_wait3A_87 = tpu.memref_squeeze %dma_wait3A_86 : memref<1x200x64xf32, #tpu.memory_space<vmem>> -> memref<200x64xf32, #tpu.memory_space<vmem>>
    tpu.wait_dma2 semaphore(%dma_wait3A_81 : memref<!tpu.dma_semaphore, #tpu.memory_space<semaphore_mem>>) src(%dma_wait3A_87 : memref<200x64xf32, #tpu.memory_space<vmem>>) dst(%dma_wait3A_83 : memref<200x64xf32, #tpu.memory_space<hbm>>)
    %mul3A_88 = arith.constant 200 : i32
    %mul3A_89 = arith.muli %mul3A_2, %mul3A_88 : i32
    %dma_wait3A_90 = arith.constant 1 : i32
    %dma_wait3A_91 = arith.constant 1 : i32
    %dma_wait3A_92 = arith.constant 0 : i32
    %dma_wait3A_93 = arith.constant 0 : i32
    %dma_wait3A_94 = tpu.memref_slice %arg8[%dma_wait3A_90, %dma_wait3A_92, %dma_wait3A_93] : memref<4x200x64xf32, #tpu.memory_space<vmem>> -> memref<1x200x64xf32, #tpu.memory_space<vmem>>
    %dma_wait3A_95 = tpu.memref_squeeze %dma_wait3A_94 : memref<1x200x64xf32, #tpu.memory_space<vmem>> -> memref<200x64xf32, #tpu.memory_space<vmem>>
    %dma_wait3A_96 = arith.constant 0 : i32
    %dma_wait3A_97 = tpu.memref_slice %arg5[%mul3A_89, %dma_wait3A_96] : memref<819200x128xf32, #tpu.memory_space<hbm>> -> memref<200x64xf32, #tpu.memory_space<hbm>>
    %dma_wait3A_98 = tpu.memref_slice %arg10[%dma_wait3A_91] : memref<4x!tpu.dma_semaphore, #tpu.memory_space<semaphore_mem>> -> memref<1x!tpu.dma_semaphore, #tpu.memory_space<semaphore_mem>>
    %dma_wait3A_99 = tpu.memref_squeeze %dma_wait3A_98 : memref<1x!tpu.dma_semaphore, #tpu.memory_space<semaphore_mem>> -> memref<!tpu.dma_semaphore, #tpu.memory_space<semaphore_mem>>
    %dma_wait3A_100 = arith.constant 0 : i32
    %dma_wait3A_101 = tpu.memref_slice %arg5[%mul3A_89, %dma_wait3A_100] : memref<819200x128xf32, #tpu.memory_space<hbm>> -> memref<200x64xf32, #tpu.memory_space<hbm>>
    %dma_wait3A_102 = arith.constant 0 : i32
    %dma_wait3A_103 = arith.constant 0 : i32
    %dma_wait3A_104 = tpu.memref_slice %arg8[%dma_wait3A_90, %dma_wait3A_102, %dma_wait3A_103] : memref<4x200x64xf32, #tpu.memory_space<vmem>> -> memref<1x200x64xf32, #tpu.memory_space<vmem>>
    %dma_wait3A_105 = tpu.memref_squeeze %dma_wait3A_104 : memref<1x200x64xf32, #tpu.memory_space<vmem>> -> memref<200x64xf32, #tpu.memory_space<vmem>>
    tpu.wait_dma2 semaphore(%dma_wait3A_99 : memref<!tpu.dma_semaphore, #tpu.memory_space<semaphore_mem>>) src(%dma_wait3A_105 : memref<200x64xf32, #tpu.memory_space<vmem>>) dst(%dma_wait3A_101 : memref<200x64xf32, #tpu.memory_space<hbm>>)
    %mul3A_106 = arith.constant 200 : i32
    %mul3A_107 = arith.muli %mul3A_2, %mul3A_106 : i32
    %dma_wait3A_108 = arith.constant 2 : i32
    %dma_wait3A_109 = arith.constant 2 : i32
    %dma_wait3A_110 = arith.constant 0 : i32
    %dma_wait3A_111 = arith.constant 0 : i32
    %dma_wait3A_112 = tpu.memref_slice %arg8[%dma_wait3A_108, %dma_wait3A_110, %dma_wait3A_111] : memref<4x200x64xf32, #tpu.memory_space<vmem>> -> memref<1x200x64xf32, #tpu.memory_space<vmem>>
    %dma_wait3A_113 = tpu.memref_squeeze %dma_wait3A_112 : memref<1x200x64xf32, #tpu.memory_space<vmem>> -> memref<200x64xf32, #tpu.memory_space<vmem>>
    %dma_wait3A_114 = arith.constant 0 : i32
    %dma_wait3A_115 = tpu.memref_slice %arg5[%mul3A_107, %dma_wait3A_114] : memref<819200x128xf32, #tpu.memory_space<hbm>> -> memref<200x64xf32, #tpu.memory_space<hbm>>
    %dma_wait3A_116 = tpu.memref_slice %arg10[%dma_wait3A_109] : memref<4x!tpu.dma_semaphore, #tpu.memory_space<semaphore_mem>> -> memref<1x!tpu.dma_semaphore, #tpu.memory_space<semaphore_mem>>
    %dma_wait3A_117 = tpu.memref_squeeze %dma_wait3A_116 : memref<1x!tpu.dma_semaphore, #tpu.memory_space<semaphore_mem>> -> memref<!tpu.dma_semaphore, #tpu.memory_space<semaphore_mem>>
    %dma_wait3A_118 = arith.constant 0 : i32
    %dma_wait3A_119 = tpu.memref_slice %arg5[%mul3A_107, %dma_wait3A_118] : memref<819200x128xf32, #tpu.memory_space<hbm>> -> memref<200x64xf32, #tpu.memory_space<hbm>>
    %dma_wait3A_120 = arith.constant 0 : i32
    %dma_wait3A_121 = arith.constant 0 : i32
    %dma_wait3A_122 = tpu.memref_slice %arg8[%dma_wait3A_108, %dma_wait3A_120, %dma_wait3A_121] : memref<4x200x64xf32, #tpu.memory_space<vmem>> -> memref<1x200x64xf32, #tpu.memory_space<vmem>>
    %dma_wait3A_123 = tpu.memref_squeeze %dma_wait3A_122 : memref<1x200x64xf32, #tpu.memory_space<vmem>> -> memref<200x64xf32, #tpu.memory_space<vmem>>
    tpu.wait_dma2 semaphore(%dma_wait3A_117 : memref<!tpu.dma_semaphore, #tpu.memory_space<semaphore_mem>>) src(%dma_wait3A_123 : memref<200x64xf32, #tpu.memory_space<vmem>>) dst(%dma_wait3A_119 : memref<200x64xf32, #tpu.memory_space<hbm>>)
    %mul3A_124 = arith.constant 200 : i32
    %mul3A_125 = arith.muli %mul3A_2, %mul3A_124 : i32
    %dma_wait3A_126 = arith.constant 3 : i32
    %dma_wait3A_127 = arith.constant 3 : i32
    %dma_wait3A_128 = arith.constant 0 : i32
    %dma_wait3A_129 = arith.constant 0 : i32
    %dma_wait3A_130 = tpu.memref_slice %arg8[%dma_wait3A_126, %dma_wait3A_128, %dma_wait3A_129] : memref<4x200x64xf32, #tpu.memory_space<vmem>> -> memref<1x200x64xf32, #tpu.memory_space<vmem>>
    %dma_wait3A_131 = tpu.memref_squeeze %dma_wait3A_130 : memref<1x200x64xf32, #tpu.memory_space<vmem>> -> memref<200x64xf32, #tpu.memory_space<vmem>>
    %dma_wait3A_132 = arith.constant 0 : i32
    %dma_wait3A_133 = tpu.memref_slice %arg5[%mul3A_125, %dma_wait3A_132] : memref<819200x128xf32, #tpu.memory_space<hbm>> -> memref<200x64xf32, #tpu.memory_space<hbm>>
    %dma_wait3A_134 = tpu.memref_slice %arg10[%dma_wait3A_127] : memref<4x!tpu.dma_semaphore, #tpu.memory_space<semaphore_mem>> -> memref<1x!tpu.dma_semaphore, #tpu.memory_space<semaphore_mem>>
    %dma_wait3A_135 = tpu.memref_squeeze %dma_wait3A_134 : memref<1x!tpu.dma_semaphore, #tpu.memory_space<semaphore_mem>> -> memref<!tpu.dma_semaphore, #tpu.memory_space<semaphore_mem>>
    %dma_wait3A_136 = arith.constant 0 : i32
    %dma_wait3A_137 = tpu.memref_slice %arg5[%mul3A_125, %dma_wait3A_136] : memref<819200x128xf32, #tpu.memory_space<hbm>> -> memref<200x64xf32, #tpu.memory_space<hbm>>
    %dma_wait3A_138 = arith.constant 0 : i32
    %dma_wait3A_139 = arith.constant 0 : i32
    %dma_wait3A_140 = tpu.memref_slice %arg8[%dma_wait3A_126, %dma_wait3A_138, %dma_wait3A_139] : memref<4x200x64xf32, #tpu.memory_space<vmem>> -> memref<1x200x64xf32, #tpu.memory_space<vmem>>
    %dma_wait3A_141 = tpu.memref_squeeze %dma_wait3A_140 : memref<1x200x64xf32, #tpu.memory_space<vmem>> -> memref<200x64xf32, #tpu.memory_space<vmem>>
    tpu.wait_dma2 semaphore(%dma_wait3A_135 : memref<!tpu.dma_semaphore, #tpu.memory_space<semaphore_mem>>) src(%dma_wait3A_141 : memref<200x64xf32, #tpu.memory_space<vmem>>) dst(%dma_wait3A_137 : memref<200x64xf32, #tpu.memory_space<hbm>>)
    return
  }
}

module attributes {stable_mosaic.version = 14 : i64} {
  func.func @_pack_body(%arg0: i32, %arg1: memref<2000x64xf32, #tpu.memory_space<vmem>>, %arg2: memref<2000x64xf32, #tpu.memory_space<vmem>>, %arg3: memref<2000x128xf32, #tpu.memory_space<vmem>>) attributes {dimension_semantics = [#tpu.dimension_semantics<arbitrary>], iteration_bounds = array<i64: 250>, scalar_prefetch = 0 : i64, scratch_operands = 0 : i64, tpu.core_type = #tpu.core_type<tc>, window_params = [{transform_indices = @transform_0, window_bounds = array<i64: 2000, 64>}, {transform_indices = @transform_1, window_bounds = array<i64: 2000, 64>}, {transform_indices = @transform_2, window_bounds = array<i64: 2000, 128>}]} {
    %get3A = arith.constant 0 : index
    %get3A_0 = arith.constant 0 : index
    %get3A_1 = vector.load %arg1[%get3A, %get3A_0] : memref<2000x64xf32, #tpu.memory_space<vmem>>, vector<2000x64xf32>
    %get3A_2 = arith.constant 0 : index
    %get3A_3 = arith.constant 0 : index
    %get3A_4 = vector.load %arg2[%get3A_2, %get3A_3] : memref<2000x64xf32, #tpu.memory_space<vmem>>, vector<2000x64xf32>
    %concatenate3A = tpu.concatenate %get3A_1, %get3A_4 in 1 : vector<2000x64xf32>, vector<2000x64xf32> -> vector<2000x128xf32>
    %swap3A = arith.constant 0 : index
    %swap3A_5 = arith.constant 0 : index
    %swap3A_6 = vector.load %arg3[%swap3A, %swap3A_5] : memref<2000x128xf32, #tpu.memory_space<vmem>>, vector<2000x128xf32>
    tpu.vector_store %arg3[%swap3A, %swap3A_5], %concatenate3A {strides = array<i32>} : memref<2000x128xf32, #tpu.memory_space<vmem>>, vector<2000x128xf32>,
    return
  }
  func.func @transform_0(%arg0: i32) -> (i32, i32) {
    %c0_i32 = arith.constant 0 : i32
    %c0_i32_0 = arith.constant 0 : i32
    return %arg0, %c0_i32 : i32, i32
  }
  func.func @transform_1(%arg0: i32) -> (i32, i32) {
    %add3A = arith.constant 250 : i32
    %add3A_0 = arith.addi %arg0, %add3A : i32
    %c0_i32 = arith.constant 0 : i32
    %c0_i32_1 = arith.constant 0 : i32
    return %add3A_0, %c0_i32 : i32, i32
  }
  func.func @transform_2(%arg0: i32) -> (i32, i32) {
    %c0_i32 = arith.constant 0 : i32
    %c0_i32_0 = arith.constant 0 : i32
    return %arg0, %c0_i32 : i32, i32
  }
}

</mosaic_0001>

<sc_bundles>
// kernel: kernel.4.cloned.1.call-start
scs
__scs_entry_jumppad:
0x0: {  	(pc) =	sbr.rel $0x88, $3  }
0x1: {  	(tag) =	ssettag $0x0;
	lr =	simm.s32 $0x1  }
0x2: {  	[smem:$0x3F9E] =	sst lr;
	_ =	strace $0xD0000000  }
0x3: {  	_ = 	snop  }
0x4: {  	_ = 	snop  }
0x5: {  	_ = 	snop  }
0x6: {  	_ = 	snop  }
0x7: {  	_ = 	snop  }
__scs_overlays_trampoline_lowered:
0x8: {  	[smem:$0x3FAD] =	sst s0  }
0x9: {  	[smem:$0x3FAE] =	sst s1  }
0xa: {  	[smem:$0x3FAF] =	sst s2  }
0xb: {  	[smem:$0x3FB0] =	sst s3  }
0xc: {  	[smem:$0x3FB1] =	sst s4  }
0xd: {  	[smem:$0x3FB2] =	sst s5  }
0xe: {  	[smem:$0x3FB3] =	sst s6  }
0xf: {  	[smem:$0x3FB4] =	sst s7  }
0x10: {  	[smem:$0x3FB5] =	sst s8  }
0x11: {  	[smem:$0x3FB6] =	sst s9;
	s0 =	simm.s32 @!p0 $0x0  }
0x12: {  	s1 =	sld [smem:$0x3F9C];
	s0 =	simm.s32 @p0 $0x1  }
0x13: {  	[smem:$0x3FB7] =	sst s0;
	s0 =	simm.s32 @!p1 $0x0  }
0x14: {  	s2 =	sld [smem:$0x3F9B];
	s0 =	simm.s32 @p1 $0x1  }
0x15: {  	[smem:$0x3FB8] =	sst s0;
	s0 =	simm.s32 @!p2 $0x0  }
0x16: {  	s3 =	sld [smem:$0x3FDB];
	s0 =	simm.s32 @p2 $0x1  }
0x17: {  	s4 =	simm.s32 $0x1BF5;
	[smem:$0x3FBA] =	sst s0  }
0x18: {  	s0 =	sld [smem:$0x3F9D];
	_ =	swait.ge [sflag:s4], $0x0  }
0x19: {  	s7 =	sld [smem:$0x3F9E]  }
0x1a: {  	s8 =	sadd.s32 $0xFFFFE003, lr  }
0x1b: {  	s9 =	sadd.s32 $0xFFFFFEF7, lr;
	s5 =	simm.s32 $0xFFFFFFFF;
	p2 =	slt.u32 s8, $0xFFFFF086  }
0x1c: {  	p1 =	slt.u32 s9, $0xF7A;
	s5 =	simm.s32 @!p2 $0x0  }
0x1d: {  	s5 =	simm.s32 @p1 $0x1;
	p0 =	seq.s32 s7, s2  }
0x1e: {  	s7 =	smul.u32 @!p0 $0xF7A, s2;
	p2 =	seq.s32 @!p0 s5, $0x0  }
0x1f: {  	s9 =	smul.u32 $0xF7A, s1;
	s8 =	simm.s32 @!p0 $0x1BF5;
	p2 =	por !p2, p0  }
0x20: {  	[sflag:s8] =	ssyncset.s32 @!p0 $0xFFFFF086;
	s6 =	sadd.s32 @!p0 s3, s7;
	s7 =	simm.s32 @!p0 $0x108  }
0x21: {  	s3 =	sadd.s32 s3, s9;
	s6 =	sadd.s32 @!p0 $0x88, s6;
	s7 =	simm.s32 @p2 $0x1082  }
0x22: {  	[simem:s7], [sflag:s8] =	dma.local @!p0 [hbm:s6], $0xF7A  }
0x23: {  	s9 =	sor.u32 $0xD0000000, s2;
	s6 =	simm.s32 $0x108;
	_ =	swait.ge @!p0 [sflag:s8], $0x0  }
0x24: {  	s3 =	sadd.s32 $0x88, s3;
	s6 =	simm.s32 @!p1 $0x1082;
	[sflag:s4] =	ssyncset.s32 $0xFFFFF086  }
0x25: {  	[simem:s6], [sflag:s4] =	dma.local [hbm:s3], $0xF7A  }
0x26: {  	[smem:$0x3F9E] =	sst s1;
	(tag) =	ssettag s2;
	_ =	strace s9  }
0x27: {  	s1 =	sld [smem:$0x3FAE]  }
0x28: {  	s2 =	sld [smem:$0x3FAF]  }
0x29: {  	s4 =	sld [smem:$0x3FB1]  }
0x2a: {  	p0 =	seq.s32 s5, $0x0;
	s5 =	sld [smem:$0x3FB2]  }
0x2b: {  	s6 =	sld [smem:$0x3FB3]  }
0x2c: {  	s7 =	sld [smem:$0x3FB4]  }
0x2d: {  	s3 =	simm.s32 $0x108;
	s8 =	sld [smem:$0x3FB5]  }
0x2e: {  	s3 =	simm.s32 @!p0 $0x1082;
	s9 =	sld [smem:$0x3FB6]  }
0x2f: {  	lr =	sadd.s32 s0, s3;
	s0 =	sld [smem:$0x3FAD]  }
0x30: {  	s3 =	sld [smem:$0x3FB0]  }
0x31: {  	[smem:$0x3FB9] =	sst s10  }
0x32: {  	s10 =	sld [smem:$0x3FB7];
	_ =	sdelay $0x3  }
0x33: {  	p0 =	seq.s32 s10, $0x1;
	s10 =	sld [smem:$0x3FB9];
	_ =	sdelay $0x3  }
0x34: {  	[smem:$0x3FB9] =	sst s10  }
0x35: {  	s10 =	sld [smem:$0x3FB8];
	_ =	sdelay $0x3  }
0x36: {  	p1 =	seq.s32 s10, $0x1;
	s10 =	sld [smem:$0x3FB9];
	_ =	sdelay $0x3  }
0x37: {  	[smem:$0x3FB9] =	sst s10  }
0x38: {  	s10 =	sld [smem:$0x3FBA]  }
0x39: {  	_ = 	snop;
	(pc) =	sbr.ind lr, $3  }
0x3a: {  	_ = 	snop  }
0x3b: {  	_ = 	snop  }
0x3c: {  	p2 =	seq.s32 s10, $0x1;
	s10 =	sld [smem:$0x3FB9]  }
0x3d: {  	_ =	shalt  }
0x3e: {  	_ =	shalt  }
0x3f: {  	_ =	shalt  }
0x40: {  	_ =	shalt  }
0x41: {  	_ =	shalt  }
0x42: {  	_ =	shalt  }
0x43: {  	_ =	shalt  }
0x44: {  	_ =	shalt  }
0x45: {  	_ =	shalt  }
0x46: {  	_ =	shalt  }
0x47: {  	_ =	shalt  }
0x48: {  	_ =	shalt  }
0x49: {  	_ =	shalt  }
0x4a: {  	_ =	shalt  }
0x4b: {  	_ =	shalt  }
0x4c: {  	_ =	shalt  }
0x4d: {  	_ =	shalt  }
0x4e: {  	_ =	shalt  }
0x4f: {  	_ =	shalt  }
0x50: {  	_ =	shalt  }
0x51: {  	_ =	shalt  }
0x52: {  	_ =	shalt  }
0x53: {  	_ =	shalt  }
0x54: {  	_ =	shalt  }
0x55: {  	_ =	shalt  }
0x56: {  	_ =	shalt  }
0x57: {  	_ =	shalt  }
0x58: {  	_ =	shalt  }
0x59: {  	_ =	shalt  }
0x5a: {  	_ =	shalt  }
0x5b: {  	_ =	shalt  }
0x5c: {  	_ =	shalt  }
0x5d: {  	_ =	shalt  }
0x5e: {  	_ =	shalt  }
0x5f: {  	_ =	shalt  }
0x60: {  	_ =	shalt  }
0x61: {  	_ =	shalt  }
0x62: {  	_ =	shalt  }
0x63: {  	_ =	shalt  }
0x64: {  	_ =	shalt  }
0x65: {  	_ =	shalt  }
0x66: {  	_ =	shalt  }
0x67: {  	_ =	shalt  }
0x68: {  	_ =	shalt  }
0x69: {  	_ =	shalt  }
0x6a: {  	_ =	shalt  }
0x6b: {  	_ =	shalt  }
0x6c: {  	_ =	shalt  }
0x6d: {  	_ =	shalt  }
0x6e: {  	_ =	shalt  }
0x6f: {  	_ =	shalt  }
0x70: {  	_ =	shalt  }
0x71: {  	_ =	shalt  }
0x72: {  	_ =	shalt  }
0x73: {  	_ =	shalt  }
0x74: {  	_ =	shalt  }
0x75: {  	_ =	shalt  }
0x76: {  	_ =	shalt  }
0x77: {  	_ =	shalt  }
0x78: {  	_ =	shalt  }
0x79: {  	_ =	shalt  }
0x7a: {  	_ =	shalt  }
0x7b: {  	_ =	shalt  }
0x7c: {  	_ =	shalt  }
0x7d: {  	_ =	shalt  }
0x7e: {  	_ =	shalt  }
0x7f: {  	_ =	shalt  }
0x80: {  	_ =	shalt  }
0x81: {  	_ =	shalt  }
0x82: {  	_ =	shalt  }
0x83: {  	_ =	shalt  }
0x84: {  	_ =	shalt  }
0x85: {  	_ =	shalt  }
0x86: {  	_ =	shalt  }
0x87: {  	_ =	shalt  }
.Lfunc_end0:
.L_simem_size_0:
called_computation.1_lowered:
.L_overlay_start_0:
0x88: {  	s2 =	sld [smem:$0x3FD9]  }
0x89: {  	s3 =	sld [smem:$0x3FFE];
	_ =	sdelay $0x1  }
0x8a: {  	s1 =	srdreg.scid  }
0x8b: {  	s0 =	sand.u32 $0x1, s1  }
0x8c: {  	s17 =	sshll.u32 s0, $0xA;
	s2 =	sadd.s32 s3, s2  }
0x8d: {  	s2 =	sadd.s32 s2, s17  }
0x8e: {  	[smem:$0x3FC5] =	sst s2  }
0x8f: {  	_ = 	snop  }
0x90: {  	s2 =	sld [smem:$0x3FD0];
	(tm) =	ssettm $0x1  }
0x91: {  	s18 =	sld [smem:$0x3FFB];
	_ =	sdelay $0x3  }
0x92: {  	_ =	strace s18  }
0x93: {  	s3 =	sld [smem:$0x3FFC];
	_ =	sdelay $0x3  }
0x94: {  	_ =	strace s3  }
0x95: {  	s3 =	sld [smem:$0x3FFD];
	_ =	sdelay $0x3  }
0x96: {  	_ =	strace s3  }
0x97: {  	_ =	strace $0x8FFFFFFF  }
0x98: {  	s19 =	sld [smem:$0x3FDB];
	_ =	sdelay $0x1  }
0x99: {  	s4 =	simm.s32 $_scs_section_size  }
0x9a: {  	s5 =	simm.s32 $_size__tile_overlayer_lowered;
	s6 =	simm.s32 $_tile_overlayer_lowered  }
0x9b: {  	s22 =	simm.s32 $0x1BFF;
	s21 =	sshll.u32 s6, $0x1;
	s3 =	sadd.s32 s4, s19  }
0x9c: {  	s7 =	simm.s32 $0x0;
	s20 =	sshll.u32 s5, $0x1;
	s5 =	sadd.s32 s21, s3  }
0x9d: {  	[timem:s7], [sflag:s22] =	dma.local [hbm:s5], s20  }
0x9e: {  	_ =	swait.ge [sflag:s22], s20  }
0x9f: {  	s4 =	ssub.s32 $0x0, s20;
	[sflag:s22] =	ssyncset.done $0x0  }
0xa0: {  	[sflag:s22] =	ssyncadd.s32 s4;
	_ =	sdelay $0x1  }
0xa1: {  	s23 =	simm.s32 $0x1B8B  }
0xa2: {  	_ =	swait.ge [sflag:s23], $0x1  }
0xa3: {  	[sflag:s23] =	ssyncset.done $0x0  }
0xa4: {  	s25 =	simm.s32 $0x1B8E;
	s24 =	sld [smem:$0x3FFE];
	[sflag:s23] =	ssyncadd.s32 $0xFFFFFFFF  }
0xa5: {  	s26 =	simm.s32 $execute0_lowered;
	[smem:$0x3FD2] =	sst s25  }
0xa6: {  	s5 =	sshll.u32 s26, $0x1;
	_ =	strace $0x80000046;
	[dreg:$0x1] =	wrdreg $0xFFFFFFFF  }
0xa7: {  	s28 =	simm.s32 $_size_execute0_lowered;
	s3 =	sadd.s32 s3, s5;
	[dreg:$0x0] =	wrdreg $0x0  }
0xa8: {  	s5 =	sshll.u32 s28, $0x1;
	[dreg:$0x2] =	wrdreg s3  }
0xa9: {  	[dreg:$0x3] =	wrdreg s5  }
0xaa: {  	[dreg:$0x4] =	wrdreg $0xC0  }
0xab: {  	_ =	task [dreg:s7], $0x5FFFF  }
0xac: {  	[dreg:$0x1] =	wrdreg $0xFFFFFFFF  }
0xad: {  	[dreg:$0x0] =	wrdreg $0x60  }
0xae: {  	[dreg:$0x2] =	wrdreg s2  }
0xaf: {  	[dreg:$0x3] =	wrdreg s24  }
0xb0: {  	[dreg:$0x4] =	wrdreg $0x9  }
0xb1: {  	_ =	task.clear_ibuf [dreg:s7], $0x5FFFF;
	_ =	strace $0x90000046  }
0xb2: {  	s29 =	simm.s32 $0x9;
	_ =	strace $0x80000048  }
0xb3: {  	_ =	swait.ge [sflag:s29], $0x1  }
0xb4: {  	[sflag:s29] =	ssyncadd.s32 $0xFFFFFFFF  }
0xb5: {  	_ =	strace $0x90000048  }
0xb6: {  	_ =	sfence  }
0xb7: {  	s30 =	sld [smem:$0x0];
	_ =	sdelay $0x2  }
0xb8: {  	s31 =	sshll.u32 s1, $0xD;
	s1 =	sshrl.u32 s1, $0x2  }
0xb9: {  	s3 =	sand.u32 $0x4000, s31;
	s1 =	sadd.s32 s1, s30  }
0xba: {  	s0 =	sor.u32 s3, s0;
	s1 =	sshll.u32 s1, $0x11  }
0xbb: {  	s0 =	sor.u32 s1, s0  }
0xbc: {  	s0 =	sadd.s32 $0x8F2B, s0  }
0xbd: {  	[sflag:s0] =	ssyncadd.remote.s32 $0x1  }
0xbe: {  	_ =	sfence.sel $0xFFFF  }
0xbf: {  	[dreg:$0x0] =	wrdreg $0xFFFFFFFF;
	(pc) =	sbr.abs _section_cstart, $3  }
0xc0: {  	[dreg:$0x1] =	wrdreg $0xFFFFFFFF  }
0xc1: {  	_ =	task.clear_ibuf [dreg:s7], $0x2FFFF;
	_ =	strace $0x9FFFFFFF  }
0xc2: {  	(tm) =	ssettm $0x7FFFFFFF  }
0xc3: {  	_ =	shalt  }
tec
execute0_lowered:
.L_overlay_start_1:
0x0: {  	(tag) =	ssettag $0x1  }
0x1: {  	s0 =	rddreg [dreg:$0x0]  }
0x2: {  	s1 =	rddreg [dreg:$0x1]  }
0x3: {  	s3 =	srdreg.scid;
	s2 =	simm.s32 $0x0;
	s4 =	stileid.u32  }
0x4: {  	s9 =	simm.s32 $0x9;
	s11 =	simm.s32 $0x64;
	s12 =	simm.s32 $0x9A00  }
0x5: {  	s16 =	simm.s32 $0xCC00;
	s19 =	simm.s32 $0xFE00;
	s20 =	simm.s32 $0x11700  }
0x6: {  	s21 =	simm.s32 $0x1;
	s22 =	simm.s32 $0x40;
	s23 =	simm.s32 $0x80  }
0x7: {  	s24 =	simm.s32 $0x13000;
	s28 =	simm.s32 $0x3;
	s29 =	simm.s32 $0x4  }
0x8: {  	s30 =	simm.s32 $0x5;
	s31 =	simm.s32 $0x6;
	s10 =	simm.s32 $0x0  }
0x9: {  	s3 =	sand.u32 $0x1, s3;
	[smem:$0x7FF] =	sst s2;
	s4 =	sshll.u32 s4, $0x8  }
0xa: {  	s6 =	sadd.s32 $0xC00, s1;
	s5 =	sshll.u32 s3, $0x7;
	_ =	strace $0x80000047  }
0xb: {  	s7 =	ssub.s32 $0x2, s3;
	[dreg:$0x3] =	wrdreg s6;
	s3 =	sor.u32 s5, s4  }
0xc: {  	s6 =	sadd.s32 $0x1400, s1;
	s25 =	sshrl.u32 s7, $0x1;
	s8 =	smul.u32 $0x1A, s3  }
0xd: {  	s4 =	sadd.s32 $0xF43000, s1;
	s1 =	simm.s32 $0x8;
	s26 =	ssub.s32 s7, s25  }
0xe: {  	s25 =	simm.s32 $0x14900;
	s0 =	sadd.s32 s0, s8;
	s8 =	smax.u32 s26, $0x1  }
0xf: {  	s26 =	simm.s32 $0x2;
	[dreg:$0x4] =	wrdreg s0;
	s0 =	simm.s32 $0x7  }
.LBB2_1:
0x10: {  	s5 =	rddreg [dreg:$0x4]  }
0x11: {  	[tilespmem:s2], [sflag:$0x9] =	stream.linear.gather [hbm4b:s5+s2], $0x6800, $0x38;
	[tilespmem:$0x16200] =	vst v63  }
0x12: {  	_ =	swait.ge [sflag:s9], $0x6800  }
0x13: {  	[sflag:s9] =	ssyncset.done $0x0  }
0x14: {  	s7 =	simm.s32 $0x6800;
	s18 =	rddreg [dreg:$0x3];
	[sflag:s9] =	ssyncadd.s32 $0xFFFF9800  }
0x15: {  	[tilespmem:s7], [sflag:$0x9] =	stream.linear.gather [hbm4b:s18+s2], $0x3200, $0x38;
	[tilespmem:$0x16200] =	vst v63  }
0x16: {  	_ =	swait.ge [sflag:s9], $0x3200  }
0x17: {  	[sflag:s9] =	ssyncset.done $0x0  }
0x18: {  	[sflag:s9] =	ssyncadd.s32 $0xFFFFCE00  }
0x19: {  	[tilespmem:s12], [sflag:$0x1] =	stream.indirect.gather [hbm4b:s4+s11], $0x40, s2, s11, $0xb8;
	[tilespmem:$0x16200] =	vst v63  }
0x1a: {  	s13 =	simm.s32 $0x68;
	s14 =	simm.s32 $0xB300  }
0x1b: {  	[tilespmem:s14], [sflag:$0x1] =	stream.indirect.gather [hbm4b:s4+s11], $0x40, s13, s11, $0xb8;
	[tilespmem:$0x16200] =	vst v63  }
0x1c: {  	s15 =	simm.s32 $0xD0  }
0x1d: {  	[tilespmem:s16], [sflag:$0x2] =	stream.indirect.gather [hbm4b:s4+s11], $0x40, s15, s11, $0xb8;
	[tilespmem:$0x16200] =	vst v63  }
0x1e: {  	s17 =	simm.s32 $0x138;
	s18 =	simm.s32 $0xE500;
	s13 =	simm.s32 $0x0  }
0x1f: {  	[tilespmem:s18], [sflag:$0x2] =	stream.indirect.gather [hbm4b:s4+s11], $0x40, s17, s11, $0xb8;
	[tilespmem:$0x16200] =	vst v63  }
.LBB2_2:
0x20: {  	s17 =	sshll.u32 s13, $0x2;
	p0 =	seq.s32 s13, $0x0  }
0x21: {  	s15 =	sor.u32 $0x2, s17;
	s5 =	simm.s32 @!p0 $0x7  }
0x22: {  	_ =	swait.ge @!p0 [sflag:s5], $0x3200;
	s7 =	smul.u32 $0x340, s15  }
0x23: {  	[sflag:s5] =	ssyncset.done @!p0 $0x0  }
0x24: {  	[sflag:s5] =	ssyncadd.s32 @!p0 $0xFFFFCE00;
	s18 =	sshra.s32 s7, $0x2  }
0x25: {  	[tilespmem:s19], [sflag:$0x3] =	stream.indirect.gather [hbm4b:s4+s11], $0x40, s18, s11, $0xb8;
	[tilespmem:$0x16200] =	vst v63  }
0x26: {  	s5 =	sadd.s32 $0x68, s18  }
0x27: {  	[tilespmem:s20], [sflag:$0x3] =	stream.indirect.gather [hbm4b:s4+s11], $0x40, s5, s11, $0xb8;
	[tilespmem:$0x16200] =	vst v63  }
0x28: {  	_ =	swait.ge [sflag:s21], $0x1900  }
0x29: {  	[sflag:s21] =	ssyncset.done $0x0  }
0x2a: {  	[sflag:s21] =	ssyncadd.s32 $0xFFFFE700  }
0x2b: {  	_ =	swait.ge [sflag:s21], $0x1900  }
0x2c: {  	[sflag:s21] =	ssyncset.done $0x0  }
0x2d: {  	s14 =	simm.s32 $0x0;
	[sflag:s21] =	ssyncadd.s32 $0xFFFFE700  }
0x2e: {  	v0 =	vld [tilespmem:s14+$0x69F0]  }
0x2f: {  	v1 =	vld [tilespmem:s14+$0x6800]  }
0x30: {  	v2 =	vld [tilespmem:s14+$0x6810]  }
0x31: {  	v3 =	vld [tilespmem:s14+$0x6820]  }
0x32: {  	v4 =	vld [tilespmem:s14+$0x6830]  }
0x33: {  	v5 =	vld [tilespmem:s14+$0x6840]  }
0x34: {  	v6 =	vld [tilespmem:s14+$0x6850]  }
0x35: {  	v7 =	vld [tilespmem:s14+$0x6860]  }
0x36: {  	v8 =	vld [tilespmem:s14+$0x6870]  }
0x37: {  	v9 =	vld [tilespmem:s14+$0x6880]  }
0x38: {  	v10 =	vld [tilespmem:s14+$0x6890]  }
0x39: {  	v11 =	vld [tilespmem:s14+$0x68A0]  }
0x3a: {  	v12 =	vld [tilespmem:s14+$0x68B0]  }
0x3b: {  	v13 =	vld [tilespmem:s14+$0x68C0]  }
0x3c: {  	v14 =	vld [tilespmem:s14+$0x68D0]  }
0x3d: {  	v15 =	vld [tilespmem:s14+$0x68E0]  }
0x3e: {  	v16 =	vld [tilespmem:s14+$0x68F0]  }
0x3f: {  	v17 =	vld [tilespmem:s14+$0x6900]  }
0x40: {  	v18 =	vld [tilespmem:s14+$0x6910]  }
0x41: {  	v19 =	vld [tilespmem:s14+$0x6920]  }
0x42: {  	v20 =	vld [tilespmem:s14+$0x6930]  }
0x43: {  	v21 =	vld [tilespmem:s14+$0x6940]  }
0x44: {  	v22 =	vld [tilespmem:s14+$0x6950]  }
0x45: {  	v23 =	vld [tilespmem:s14+$0x6960]  }
0x46: {  	v24 =	vld [tilespmem:s14+$0x6970]  }
0x47: {  	v25 =	vld [tilespmem:s14+$0x6980]  }
0x48: {  	v26 =	vld [tilespmem:s14+$0x6990]  }
0x49: {  	v27 =	vld [tilespmem:s14+$0x69A0]  }
0x4a: {  	v28 =	vld [tilespmem:s14+$0x69B0]  }
0x4b: {  	v29 =	vld [tilespmem:s14+$0x69C0]  }
0x4c: {  	v30 =	vld [tilespmem:s14+$0x69D0]  }
0x4d: {  	[tilespmem:s14+$0x9BF0] =	vst.add.f32.msk $0xffff, v0  }
0x4e: {  	v0 =	vld [tilespmem:s14+$0x69E0]  }
0x4f: {  	[tilespmem:s14+$0x9A00] =	vst.add.f32.msk $0xffff, v1  }
0x50: {  	[tilespmem:s14+$0x9A10] =	vst.add.f32.msk $0xffff, v2  }
0x51: {  	[tilespmem:s14+$0x9A20] =	vst.add.f32.msk $0xffff, v3  }
0x52: {  	[tilespmem:s14+$0x9A30] =	vst.add.f32.msk $0xffff, v4  }
0x53: {  	[tilespmem:s14+$0x9A40] =	vst.add.f32.msk $0xffff, v5  }
0x54: {  	[tilespmem:s14+$0x9A50] =	vst.add.f32.msk $0xffff, v6  }
0x55: {  	[tilespmem:s14+$0x9A60] =	vst.add.f32.msk $0xffff, v7  }
0x56: {  	[tilespmem:s14+$0x9A70] =	vst.add.f32.msk $0xffff, v8  }
0x57: {  	[tilespmem:s14+$0x9A80] =	vst.add.f32.msk $0xffff, v9  }
0x58: {  	[tilespmem:s14+$0x9A90] =	vst.add.f32.msk $0xffff, v10  }
0x59: {  	[tilespmem:s14+$0x9AA0] =	vst.add.f32.msk $0xffff, v11  }
0x5a: {  	[tilespmem:s14+$0x9AB0] =	vst.add.f32.msk $0xffff, v12  }
0x5b: {  	[tilespmem:s14+$0x9AC0] =	vst.add.f32.msk $0xffff, v13  }
0x5c: {  	[tilespmem:s14+$0x9AD0] =	vst.add.f32.msk $0xffff, v14  }
0x5d: {  	[tilespmem:s14+$0x9AE0] =	vst.add.f32.msk $0xffff, v15  }
0x5e: {  	[tilespmem:s14+$0x9AF0] =	vst.add.f32.msk $0xffff, v16  }
0x5f: {  	[tilespmem:s14+$0x9B00] =	vst.add.f32.msk $0xffff, v17  }
0x60: {  	[tilespmem:s14+$0x9B10] =	vst.add.f32.msk $0xffff, v18  }
0x61: {  	[tilespmem:s14+$0x9B20] =	vst.add.f32.msk $0xffff, v19  }
0x62: {  	[tilespmem:s14+$0x9B30] =	vst.add.f32.msk $0xffff, v20  }
0x63: {  	[tilespmem:s14+$0x9B40] =	vst.add.f32.msk $0xffff, v21  }
0x64: {  	[tilespmem:s14+$0x9B50] =	vst.add.f32.msk $0xffff, v22  }
0x65: {  	[tilespmem:s14+$0x9B60] =	vst.add.f32.msk $0xffff, v23  }
0x66: {  	[tilespmem:s14+$0x9B70] =	vst.add.f32.msk $0xffff, v24  }
0x67: {  	[tilespmem:s14+$0x9B80] =	vst.add.f32.msk $0xffff, v25  }
0x68: {  	[tilespmem:s14+$0x9B90] =	vst.add.f32.msk $0xffff, v26  }
0x69: {  	[tilespmem:s14+$0x9BA0] =	vst.add.f32.msk $0xffff, v27  }
0x6a: {  	[tilespmem:s14+$0x9BB0] =	vst.add.f32.msk $0xffff, v28  }
0x6b: {  	[tilespmem:s14+$0x9BC0] =	vst.add.f32.msk $0xffff, v29  }
0x6c: {  	s18 =	simm.s32 $0x0;
	s5 =	simm.s32 $0x800;
	[tilespmem:s14+$0x9BD0] =	vst.add.f32.msk $0xffff, v30  }
.LBB2_3:
0x6d: {  	s18 =	sadd.s32 $0x8, s18;
	[tilespmem:s14+$0x9BE0] =	vst.add.f32.msk $0xffff, v0;
	s14 =	sshra.s32 s5, $0x2  }
0x6e: {  	v0 =	vld [tilespmem:s14+$0x69F0];
	p1 =	slt.u32 s18, $0xC0  }
0x6f: {  	v1 =	vld [tilespmem:s14+$0x6800]  }
0x70: {  	v2 =	vld [tilespmem:s14+$0x6810]  }
0x71: {  	v3 =	vld [tilespmem:s14+$0x6820]  }
0x72: {  	v4 =	vld [tilespmem:s14+$0x6830]  }
0x73: {  	[tilespmem:s14+$0x9BF0] =	vst.add.f32.msk $0xffff, v0  }
0x74: {  	v5 =	vld [tilespmem:s14+$0x6840]  }
0x75: {  	v6 =	vld [tilespmem:s14+$0x6850]  }
0x76: {  	v7 =	vld [tilespmem:s14+$0x6860]  }
0x77: {  	v8 =	vld [tilespmem:s14+$0x6870]  }
0x78: {  	v9 =	vld [tilespmem:s14+$0x6880]  }
0x79: {  	v10 =	vld [tilespmem:s14+$0x6890]  }
0x7a: {  	v11 =	vld [tilespmem:s14+$0x68A0]  }
0x7b: {  	v12 =	vld [tilespmem:s14+$0x68B0]  }
0x7c: {  	v13 =	vld [tilespmem:s14+$0x68C0]  }
0x7d: {  	v14 =	vld [tilespmem:s14+$0x68D0]  }
0x7e: {  	v15 =	vld [tilespmem:s14+$0x68E0]  }
0x7f: {  	v16 =	vld [tilespmem:s14+$0x68F0]  }
0x80: {  	v17 =	vld [tilespmem:s14+$0x6900]  }
0x81: {  	v18 =	vld [tilespmem:s14+$0x6910]  }
0x82: {  	v19 =	vld [tilespmem:s14+$0x6920]  }
0x83: {  	v20 =	vld [tilespmem:s14+$0x6930]  }
0x84: {  	v21 =	vld [tilespmem:s14+$0x6940]  }
0x85: {  	v22 =	vld [tilespmem:s14+$0x6950]  }
0x86: {  	v23 =	vld [tilespmem:s14+$0x6960]  }
0x87: {  	v24 =	vld [tilespmem:s14+$0x6970]  }
0x88: {  	v25 =	vld [tilespmem:s14+$0x6980]  }
0x89: {  	v26 =	vld [tilespmem:s14+$0x6990]  }
0x8a: {  	v27 =	vld [tilespmem:s14+$0x69A0]  }
0x8b: {  	v28 =	vld [tilespmem:s14+$0x69B0]  }
0x8c: {  	v29 =	vld [tilespmem:s14+$0x69C0]  }
0x8d: {  	v30 =	vld [tilespmem:s14+$0x69D0]  }
0x8e: {  	v0 =	vld [tilespmem:s14+$0x69E0]  }
0x8f: {  	[tilespmem:s14+$0x9A00] =	vst.add.f32.msk $0xffff, v1  }
0x90: {  	[tilespmem:s14+$0x9A10] =	vst.add.f32.msk $0xffff, v2  }
0x91: {  	[tilespmem:s14+$0x9A20] =	vst.add.f32.msk $0xffff, v3  }
0x92: {  	[tilespmem:s14+$0x9A30] =	vst.add.f32.msk $0xffff, v4  }
0x93: {  	[tilespmem:s14+$0x9A40] =	vst.add.f32.msk $0xffff, v5  }
0x94: {  	[tilespmem:s14+$0x9A50] =	vst.add.f32.msk $0xffff, v6  }
0x95: {  	[tilespmem:s14+$0x9A60] =	vst.add.f32.msk $0xffff, v7  }
0x96: {  	[tilespmem:s14+$0x9A70] =	vst.add.f32.msk $0xffff, v8  }
0x97: {  	[tilespmem:s14+$0x9A80] =	vst.add.f32.msk $0xffff, v9  }
0x98: {  	[tilespmem:s14+$0x9A90] =	vst.add.f32.msk $0xffff, v10  }
0x99: {  	[tilespmem:s14+$0x9AA0] =	vst.add.f32.msk $0xffff, v11  }
0x9a: {  	[tilespmem:s14+$0x9AB0] =	vst.add.f32.msk $0xffff, v12  }
0x9b: {  	[tilespmem:s14+$0x9AC0] =	vst.add.f32.msk $0xffff, v13  }
0x9c: {  	[tilespmem:s14+$0x9AD0] =	vst.add.f32.msk $0xffff, v14  }
0x9d: {  	[tilespmem:s14+$0x9AE0] =	vst.add.f32.msk $0xffff, v15  }
0x9e: {  	[tilespmem:s14+$0x9AF0] =	vst.add.f32.msk $0xffff, v16  }
0x9f: {  	[tilespmem:s14+$0x9B00] =	vst.add.f32.msk $0xffff, v17  }
0xa0: {  	[tilespmem:s14+$0x9B10] =	vst.add.f32.msk $0xffff, v18  }
0xa1: {  	[tilespmem:s14+$0x9B20] =	vst.add.f32.msk $0xffff, v19  }
0xa2: {  	[tilespmem:s14+$0x9B30] =	vst.add.f32.msk $0xffff, v20  }
0xa3: {  	[tilespmem:s14+$0x9B40] =	vst.add.f32.msk $0xffff, v21  }
0xa4: {  	[tilespmem:s14+$0x9B50] =	vst.add.f32.msk $0xffff, v22  }
0xa5: {  	[tilespmem:s14+$0x9B60] =	vst.add.f32.msk $0xffff, v23  }
0xa6: {  	[tilespmem:s14+$0x9B70] =	vst.add.f32.msk $0xffff, v24  }
0xa7: {  	[tilespmem:s14+$0x9B80] =	vst.add.f32.msk $0xffff, v25  }
.Ltmp0:
0xa8: {  	[tilespmem:s14+$0x9B90] =	vst.add.f32.msk $0xffff, v26;
	(pc) =	sbr.rel @p1 .LBB2_3-.Ltmp0, $4  }
0xa9: {  	[tilespmem:s14+$0x9BA0] =	vst.add.f32.msk $0xffff, v27  }
0xaa: {  	[tilespmem:s14+$0x9BB0] =	vst.add.f32.msk $0xffff, v28  }
0xab: {  	[tilespmem:s14+$0x9BC0] =	vst.add.f32.msk $0xffff, v29  }
0xac: {  	s5 =	sadd.s32 $0x800, s5;
	[tilespmem:s14+$0x9BD0] =	vst.add.f32.msk $0xffff, v30  }
0xad: {  	s5 =	sadd.s32 s3, s17  }
0xae: {  	s5 =	smul.u32 $0xC80, s5;
	_ =	sdelay $0x1  }
0xaf: {  	[tilespmem:s14+$0x9BE0] =	vst.add.f32.msk $0xffff, v0;
	s5 =	sadd.s32 s6, s5  }
0xb0: {  	[hbm4b:s5+s22] =	stream.strided.scatter [tilespmem:s12], [sflag:$0x5], $0x3200, s23, s22, $0x38;
	[tilespmem:$0x16200] =	vst v63  }
0xb1: {  	s14 =	sor.u32 $0x3, s17;
	s5 =	simm.s32 @!p0 $0x8  }
0xb2: {  	s7 =	smul.u32 $0x340, s14;
	_ =	swait.ge @!p0 [sflag:s5], $0x3200  }
0xb3: {  	[sflag:s5] =	ssyncset.done @!p0 $0x0  }
0xb4: {  	s18 =	sshra.s32 s7, $0x2;
	[sflag:s5] =	ssyncadd.s32 @!p0 $0xFFFFCE00  }
0xb5: {  	[tilespmem:s24], [sflag:$0x4] =	stream.indirect.gather [hbm4b:s4+s11], $0x40, s18, s11, $0xb8;
	[tilespmem:$0x16200] =	vst v63  }
0xb6: {  	s5 =	sadd.s32 $0x68, s18  }
0xb7: {  	[tilespmem:s25], [sflag:$0x4] =	stream.indirect.gather [hbm4b:s4+s11], $0x40, s5, s11, $0xb8;
	[tilespmem:$0x16200] =	vst v63  }
0xb8: {  	_ =	swait.ge [sflag:s26], $0x1900  }
0xb9: {  	[sflag:s26] =	ssyncset.done $0x0  }
0xba: {  	[sflag:s26] =	ssyncadd.s32 $0xFFFFE700  }
0xbb: {  	_ =	swait.ge [sflag:s26], $0x1900  }
0xbc: {  	[sflag:s26] =	ssyncset.done $0x0  }
0xbd: {  	s18 =	simm.s32 $0x0;
	[sflag:s26] =	ssyncadd.s32 $0xFFFFE700  }
0xbe: {  	v0 =	vld [tilespmem:s18+$0x69F0]  }
0xbf: {  	v1 =	vld [tilespmem:s18+$0x6800]  }
0xc0: {  	v2 =	vld [tilespmem:s18+$0x6810]  }
0xc1: {  	v3 =	vld [tilespmem:s18+$0x6820]  }
0xc2: {  	v4 =	vld [tilespmem:s18+$0x6830]  }
0xc3: {  	v5 =	vld [tilespmem:s18+$0x6840]  }
0xc4: {  	v6 =	vld [tilespmem:s18+$0x6850]  }
0xc5: {  	v7 =	vld [tilespmem:s18+$0x6860]  }
0xc6: {  	v8 =	vld [tilespmem:s18+$0x6870]  }
0xc7: {  	v9 =	vld [tilespmem:s18+$0x6880]  }
0xc8: {  	v10 =	vld [tilespmem:s18+$0x6890]  }
0xc9: {  	v11 =	vld [tilespmem:s18+$0x68A0]  }
0xca: {  	v12 =	vld [tilespmem:s18+$0x68B0]  }
0xcb: {  	v13 =	vld [tilespmem:s18+$0x68C0]  }
0xcc: {  	v14 =	vld [tilespmem:s18+$0x68D0]  }
0xcd: {  	v15 =	vld [tilespmem:s18+$0x68E0]  }
0xce: {  	v16 =	vld [tilespmem:s18+$0x68F0]  }
0xcf: {  	v17 =	vld [tilespmem:s18+$0x6900]  }
0xd0: {  	v18 =	vld [tilespmem:s18+$0x6910]  }
0xd1: {  	v19 =	vld [tilespmem:s18+$0x6920]  }
0xd2: {  	v20 =	vld [tilespmem:s18+$0x6930]  }
0xd3: {  	v21 =	vld [tilespmem:s18+$0x6940]  }
0xd4: {  	v22 =	vld [tilespmem:s18+$0x6950]  }
0xd5: {  	v23 =	vld [tilespmem:s18+$0x6960]  }
0xd6: {  	v24 =	vld [tilespmem:s18+$0x6970]  }
0xd7: {  	v25 =	vld [tilespmem:s18+$0x6980]  }
0xd8: {  	v26 =	vld [tilespmem:s18+$0x6990]  }
0xd9: {  	v27 =	vld [tilespmem:s18+$0x69A0]  }
0xda: {  	v28 =	vld [tilespmem:s18+$0x69B0]  }
0xdb: {  	v29 =	vld [tilespmem:s18+$0x69C0]  }
0xdc: {  	v30 =	vld [tilespmem:s18+$0x69D0]  }
0xdd: {  	[tilespmem:s18+$0xCDF0] =	vst.add.f32.msk $0xffff, v0  }
0xde: {  	v0 =	vld [tilespmem:s18+$0x69E0]  }
0xdf: {  	[tilespmem:s18+$0xCC00] =	vst.add.f32.msk $0xffff, v1  }
0xe0: {  	[tilespmem:s18+$0xCC10] =	vst.add.f32.msk $0xffff, v2  }
0xe1: {  	[tilespmem:s18+$0xCC20] =	vst.add.f32.msk $0xffff, v3  }
0xe2: {  	[tilespmem:s18+$0xCC30] =	vst.add.f32.msk $0xffff, v4  }
0xe3: {  	[tilespmem:s18+$0xCC40] =	vst.add.f32.msk $0xffff, v5  }
0xe4: {  	[tilespmem:s18+$0xCC50] =	vst.add.f32.msk $0xffff, v6  }
0xe5: {  	[tilespmem:s18+$0xCC60] =	vst.add.f32.msk $0xffff, v7  }
0xe6: {  	[tilespmem:s18+$0xCC70] =	vst.add.f32.msk $0xffff, v8  }
0xe7: {  	[tilespmem:s18+$0xCC80] =	vst.add.f32.msk $0xffff, v9  }
0xe8: {  	[tilespmem:s18+$0xCC90] =	vst.add.f32.msk $0xffff, v10  }
0xe9: {  	[tilespmem:s18+$0xCCA0] =	vst.add.f32.msk $0xffff, v11  }
0xea: {  	[tilespmem:s18+$0xCCB0] =	vst.add.f32.msk $0xffff, v12  }
0xeb: {  	[tilespmem:s18+$0xCCC0] =	vst.add.f32.msk $0xffff, v13  }
0xec: {  	[tilespmem:s18+$0xCCD0] =	vst.add.f32.msk $0xffff, v14  }
0xed: {  	[tilespmem:s18+$0xCCE0] =	vst.add.f32.msk $0xffff, v15  }
0xee: {  	[tilespmem:s18+$0xCCF0] =	vst.add.f32.msk $0xffff, v16  }
0xef: {  	[tilespmem:s18+$0xCD00] =	vst.add.f32.msk $0xffff, v17  }
0xf0: {  	[tilespmem:s18+$0xCD10] =	vst.add.f32.msk $0xffff, v18  }
0xf1: {  	[tilespmem:s18+$0xCD20] =	vst.add.f32.msk $0xffff, v19  }
0xf2: {  	[tilespmem:s18+$0xCD30] =	vst.add.f32.msk $0xffff, v20  }
0xf3: {  	[tilespmem:s18+$0xCD40] =	vst.add.f32.msk $0xffff, v21  }
0xf4: {  	[tilespmem:s18+$0xCD50] =	vst.add.f32.msk $0xffff, v22  }
0xf5: {  	[tilespmem:s18+$0xCD60] =	vst.add.f32.msk $0xffff, v23  }
0xf6: {  	[tilespmem:s18+$0xCD70] =	vst.add.f32.msk $0xffff, v24  }
0xf7: {  	[tilespmem:s18+$0xCD80] =	vst.add.f32.msk $0xffff, v25  }
0xf8: {  	[tilespmem:s18+$0xCD90] =	vst.add.f32.msk $0xffff, v26  }
0xf9: {  	[tilespmem:s18+$0xCDA0] =	vst.add.f32.msk $0xffff, v27  }
0xfa: {  	[tilespmem:s18+$0xCDB0] =	vst.add.f32.msk $0xffff, v28  }
0xfb: {  	[tilespmem:s18+$0xCDC0] =	vst.add.f32.msk $0xffff, v29  }
0xfc: {  	s17 =	sor.u32 $0x1, s17;
	s7 =	simm.s32 $0x800;
	s5 =	simm.s32 $0x0;
	[tilespmem:s18+$0xCDD0] =	vst.add.f32.msk $0xffff, v30  }
.LBB2_5:
0xfd: {  	s5 =	sadd.s32 $0x8, s5;
	[tilespmem:s18+$0xCDE0] =	vst.add.f32.msk $0xffff, v0;
	s18 =	sshra.s32 s7, $0x2  }
0xfe: {  	v0 =	vld [tilespmem:s18+$0x69F0];
	p0 =	slt.u32 s5, $0xC0  }
0xff: {  	v1 =	vld [tilespmem:s18+$0x6800]  }
0x100: {  	v2 =	vld [tilespmem:s18+$0x6810]  }
0x101: {  	v3 =	vld [tilespmem:s18+$0x6820]  }
0x102: {  	v4 =	vld [tilespmem:s18+$0x6830]  }
0x103: {  	[tilespmem:s18+$0xCDF0] =	vst.add.f32.msk $0xffff, v0  }
0x104: {  	v5 =	vld [tilespmem:s18+$0x6840]  }
0x105: {  	v6 =	vld [tilespmem:s18+$0x6850]  }
0x106: {  	v7 =	vld [tilespmem:s18+$0x6860]  }
0x107: {  	v8 =	vld [tilespmem:s18+$0x6870]  }
0x108: {  	v9 =	vld [tilespmem:s18+$0x6880]  }
0x109: {  	v10 =	vld [tilespmem:s18+$0x6890]  }
0x10a: {  	v11 =	vld [tilespmem:s18+$0x68A0]  }
0x10b: {  	v12 =	vld [tilespmem:s18+$0x68B0]  }
0x10c: {  	v13 =	vld [tilespmem:s18+$0x68C0]  }
0x10d: {  	v14 =	vld [tilespmem:s18+$0x68D0]  }
0x10e: {  	v15 =	vld [tilespmem:s18+$0x68E0]  }
0x10f: {  	v16 =	vld [tilespmem:s18+$0x68F0]  }
0x110: {  	v17 =	vld [tilespmem:s18+$0x6900]  }
0x111: {  	v18 =	vld [tilespmem:s18+$0x6910]  }
0x112: {  	v19 =	vld [tilespmem:s18+$0x6920]  }
0x113: {  	v20 =	vld [tilespmem:s18+$0x6930]  }
0x114: {  	v21 =	vld [tilespmem:s18+$0x6940]  }
0x115: {  	v22 =	vld [tilespmem:s18+$0x6950]  }
0x116: {  	v23 =	vld [tilespmem:s18+$0x6960]  }
0x117: {  	v24 =	vld [tilespmem:s18+$0x6970]  }
0x118: {  	v25 =	vld [tilespmem:s18+$0x6980]  }
0x119: {  	v26 =	vld [tilespmem:s18+$0x6990]  }
0x11a: {  	v27 =	vld [tilespmem:s18+$0x69A0]  }
0x11b: {  	v28 =	vld [tilespmem:s18+$0x69B0]  }
0x11c: {  	v29 =	vld [tilespmem:s18+$0x69C0]  }
0x11d: {  	v30 =	vld [tilespmem:s18+$0x69D0]  }
0x11e: {  	v0 =	vld [tilespmem:s18+$0x69E0]  }
0x11f: {  	[tilespmem:s18+$0xCC00] =	vst.add.f32.msk $0xffff, v1  }
0x120: {  	[tilespmem:s18+$0xCC10] =	vst.add.f32.msk $0xffff, v2  }
0x121: {  	[tilespmem:s18+$0xCC20] =	vst.add.f32.msk $0xffff, v3  }
0x122: {  	[tilespmem:s18+$0xCC30] =	vst.add.f32.msk $0xffff, v4  }
0x123: {  	[tilespmem:s18+$0xCC40] =	vst.add.f32.msk $0xffff, v5  }
0x124: {  	[tilespmem:s18+$0xCC50] =	vst.add.f32.msk $0xffff, v6  }
0x125: {  	[tilespmem:s18+$0xCC60] =	vst.add.f32.msk $0xffff, v7  }
0x126: {  	[tilespmem:s18+$0xCC70] =	vst.add.f32.msk $0xffff, v8  }
0x127: {  	[tilespmem:s18+$0xCC80] =	vst.add.f32.msk $0xffff, v9  }
0x128: {  	[tilespmem:s18+$0xCC90] =	vst.add.f32.msk $0xffff, v10  }
0x129: {  	[tilespmem:s18+$0xCCA0] =	vst.add.f32.msk $0xffff, v11  }
0x12a: {  	[tilespmem:s18+$0xCCB0] =	vst.add.f32.msk $0xffff, v12  }
0x12b: {  	[tilespmem:s18+$0xCCC0] =	vst.add.f32.msk $0xffff, v13  }
0x12c: {  	[tilespmem:s18+$0xCCD0] =	vst.add.f32.msk $0xffff, v14  }
0x12d: {  	[tilespmem:s18+$0xCCE0] =	vst.add.f32.msk $0xffff, v15  }
0x12e: {  	[tilespmem:s18+$0xCCF0] =	vst.add.f32.msk $0xffff, v16  }
0x12f: {  	[tilespmem:s18+$0xCD00] =	vst.add.f32.msk $0xffff, v17  }
0x130: {  	[tilespmem:s18+$0xCD10] =	vst.add.f32.msk $0xffff, v18  }
0x131: {  	[tilespmem:s18+$0xCD20] =	vst.add.f32.msk $0xffff, v19  }
0x132: {  	[tilespmem:s18+$0xCD30] =	vst.add.f32.msk $0xffff, v20  }
0x133: {  	[tilespmem:s18+$0xCD40] =	vst.add.f32.msk $0xffff, v21  }
0x134: {  	[tilespmem:s18+$0xCD50] =	vst.add.f32.msk $0xffff, v22  }
0x135: {  	[tilespmem:s18+$0xCD60] =	vst.add.f32.msk $0xffff, v23  }
0x136: {  	[tilespmem:s18+$0xCD70] =	vst.add.f32.msk $0xffff, v24  }
0x137: {  	[tilespmem:s18+$0xCD80] =	vst.add.f32.msk $0xffff, v25  }
.Ltmp1:
0x138: {  	[tilespmem:s18+$0xCD90] =	vst.add.f32.msk $0xffff, v26;
	(pc) =	sbr.rel @p0 .LBB2_5-.Ltmp1, $4  }
0x139: {  	[tilespmem:s18+$0xCDA0] =	vst.add.f32.msk $0xffff, v27  }
0x13a: {  	[tilespmem:s18+$0xCDB0] =	vst.add.f32.msk $0xffff, v28  }
0x13b: {  	[tilespmem:s18+$0xCDC0] =	vst.add.f32.msk $0xffff, v29  }
0x13c: {  	s7 =	sadd.s32 $0x800, s7;
	[tilespmem:s18+$0xCDD0] =	vst.add.f32.msk $0xffff, v30  }
0x13d: {  	s5 =	sadd.s32 s3, s17  }
0x13e: {  	s5 =	smul.u32 $0xC80, s5;
	_ =	sdelay $0x1  }
0x13f: {  	[tilespmem:s18+$0xCDE0] =	vst.add.f32.msk $0xffff, v0;
	p0 =	seq.s32 s13, $0x1F;
	s5 =	sadd.s32 s6, s5  }
0x140: {  	[hbm4b:s5+s22] =	stream.strided.scatter [tilespmem:s16], [sflag:$0x6], $0x3200, s23, s22, $0x38;
	[tilespmem:$0x16200] =	vst v63  }
0x141: {  	s7 =	smul.u32 @!p0 $0xD00, s13;
	s5 =	simm.s32 @!p0 $0x5  }
0x142: {  	_ =	swait.ge @!p0 [sflag:s5], $0x3200  }
0x143: {  	s18 =	simm.s32 @!p0 $0x9A00;
	s17 =	sshra.s32 @!p0 s7, $0x2;
	[sflag:s5] =	ssyncset.done @!p0 $0x0  }
0x144: {  	s7 =	simm.s32 @!p0 $0x64;
	[sflag:s5] =	ssyncadd.s32 @!p0 $0xFFFFCE00;
	s5 =	sadd.s32 @!p0 $0x340, s17  }
0x145: {  	[tilespmem:s18], [sflag:$0x1] =	stream.indirect.gather @!p0 [hbm4b:s4+s7], $0x40, s5, s7, $0xb8;
	[tilespmem:$0x16200] =	vst v63  }
0x146: {  	s5 =	sadd.s32 @!p0 $0x3A8, s17;
	s18 =	simm.s32 @!p0 $0xB300  }
0x147: {  	[tilespmem:s18], [sflag:$0x1] =	stream.indirect.gather @!p0 [hbm4b:s4+s7], $0x40, s5, s7, $0xb8;
	[tilespmem:$0x16200] =	vst v63  }
0x148: {  	_ =	swait.ge [sflag:s28], $0x1900  }
0x149: {  	[sflag:s28] =	ssyncset.done $0x0  }
0x14a: {  	[sflag:s28] =	ssyncadd.s32 $0xFFFFE700  }
0x14b: {  	_ =	swait.ge [sflag:s28], $0x1900  }
0x14c: {  	[sflag:s28] =	ssyncset.done $0x0  }
0x14d: {  	s18 =	simm.s32 $0x0;
	[sflag:s28] =	ssyncadd.s32 $0xFFFFE700  }
0x14e: {  	v0 =	vld [tilespmem:s18+$0x69F0]  }
0x14f: {  	v1 =	vld [tilespmem:s18+$0x6800]  }
0x150: {  	v2 =	vld [tilespmem:s18+$0x6810]  }
0x151: {  	v3 =	vld [tilespmem:s18+$0x6820]  }
0x152: {  	v4 =	vld [tilespmem:s18+$0x6830]  }
0x153: {  	v5 =	vld [tilespmem:s18+$0x6840]  }
0x154: {  	v6 =	vld [tilespmem:s18+$0x6850]  }
0x155: {  	v7 =	vld [tilespmem:s18+$0x6860]  }
0x156: {  	v8 =	vld [tilespmem:s18+$0x6870]  }
0x157: {  	v9 =	vld [tilespmem:s18+$0x6880]  }
0x158: {  	v10 =	vld [tilespmem:s18+$0x6890]  }
0x159: {  	v11 =	vld [tilespmem:s18+$0x68A0]  }
0x15a: {  	v12 =	vld [tilespmem:s18+$0x68B0]  }
0x15b: {  	v13 =	vld [tilespmem:s18+$0x68C0]  }
0x15c: {  	v14 =	vld [tilespmem:s18+$0x68D0]  }
0x15d: {  	v15 =	vld [tilespmem:s18+$0x68E0]  }
0x15e: {  	v16 =	vld [tilespmem:s18+$0x68F0]  }
0x15f: {  	v17 =	vld [tilespmem:s18+$0x6900]  }
0x160: {  	v18 =	vld [tilespmem:s18+$0x6910]  }
0x161: {  	v19 =	vld [tilespmem:s18+$0x6920]  }
0x162: {  	v20 =	vld [tilespmem:s18+$0x6930]  }
0x163: {  	v21 =	vld [tilespmem:s18+$0x6940]  }
0x164: {  	v22 =	vld [tilespmem:s18+$0x6950]  }
0x165: {  	v23 =	vld [tilespmem:s18+$0x6960]  }
0x166: {  	v24 =	vld [tilespmem:s18+$0x6970]  }
0x167: {  	v25 =	vld [tilespmem:s18+$0x6980]  }
0x168: {  	v26 =	vld [tilespmem:s18+$0x6990]  }
0x169: {  	v27 =	vld [tilespmem:s18+$0x69A0]  }
0x16a: {  	v28 =	vld [tilespmem:s18+$0x69B0]  }
0x16b: {  	v29 =	vld [tilespmem:s18+$0x69C0]  }
0x16c: {  	v30 =	vld [tilespmem:s18+$0x69D0]  }
0x16d: {  	[tilespmem:s18+$0xFFF0] =	vst.add.f32.msk $0xffff, v0  }
0x16e: {  	v0 =	vld [tilespmem:s18+$0x69E0]  }
0x16f: {  	[tilespmem:s18+$0xFE00] =	vst.add.f32.msk $0xffff, v1  }
0x170: {  	[tilespmem:s18+$0xFE10] =	vst.add.f32.msk $0xffff, v2  }
0x171: {  	[tilespmem:s18+$0xFE20] =	vst.add.f32.msk $0xffff, v3  }
0x172: {  	[tilespmem:s18+$0xFE30] =	vst.add.f32.msk $0xffff, v4  }
0x173: {  	[tilespmem:s18+$0xFE40] =	vst.add.f32.msk $0xffff, v5  }
0x174: {  	[tilespmem:s18+$0xFE50] =	vst.add.f32.msk $0xffff, v6  }
0x175: {  	[tilespmem:s18+$0xFE60] =	vst.add.f32.msk $0xffff, v7  }
0x176: {  	[tilespmem:s18+$0xFE70] =	vst.add.f32.msk $0xffff, v8  }
0x177: {  	[tilespmem:s18+$0xFE80] =	vst.add.f32.msk $0xffff, v9  }
0x178: {  	[tilespmem:s18+$0xFE90] =	vst.add.f32.msk $0xffff, v10  }
0x179: {  	[tilespmem:s18+$0xFEA0] =	vst.add.f32.msk $0xffff, v11  }
0x17a: {  	[tilespmem:s18+$0xFEB0] =	vst.add.f32.msk $0xffff, v12  }
0x17b: {  	[tilespmem:s18+$0xFEC0] =	vst.add.f32.msk $0xffff, v13  }
0x17c: {  	[tilespmem:s18+$0xFED0] =	vst.add.f32.msk $0xffff, v14  }
0x17d: {  	[tilespmem:s18+$0xFEE0] =	vst.add.f32.msk $0xffff, v15  }
0x17e: {  	[tilespmem:s18+$0xFEF0] =	vst.add.f32.msk $0xffff, v16  }
0x17f: {  	[tilespmem:s18+$0xFF00] =	vst.add.f32.msk $0xffff, v17  }
0x180: {  	[tilespmem:s18+$0xFF10] =	vst.add.f32.msk $0xffff, v18  }
0x181: {  	[tilespmem:s18+$0xFF20] =	vst.add.f32.msk $0xffff, v19  }
0x182: {  	[tilespmem:s18+$0xFF30] =	vst.add.f32.msk $0xffff, v20  }
0x183: {  	[tilespmem:s18+$0xFF40] =	vst.add.f32.msk $0xffff, v21  }
0x184: {  	[tilespmem:s18+$0xFF50] =	vst.add.f32.msk $0xffff, v22  }
0x185: {  	[tilespmem:s18+$0xFF60] =	vst.add.f32.msk $0xffff, v23  }
0x186: {  	[tilespmem:s18+$0xFF70] =	vst.add.f32.msk $0xffff, v24  }
0x187: {  	[tilespmem:s18+$0xFF80] =	vst.add.f32.msk $0xffff, v25  }
0x188: {  	[tilespmem:s18+$0xFF90] =	vst.add.f32.msk $0xffff, v26  }
0x189: {  	[tilespmem:s18+$0xFFA0] =	vst.add.f32.msk $0xffff, v27  }
0x18a: {  	[tilespmem:s18+$0xFFB0] =	vst.add.f32.msk $0xffff, v28  }
0x18b: {  	[tilespmem:s18+$0xFFC0] =	vst.add.f32.msk $0xffff, v29  }
0x18c: {  	s5 =	simm.s32 $0x0;
	s7 =	simm.s32 $0x800;
	[tilespmem:s18+$0xFFD0] =	vst.add.f32.msk $0xffff, v30  }
.LBB2_7:
0x18d: {  	s5 =	sadd.s32 $0x8, s5;
	[tilespmem:s18+$0xFFE0] =	vst.add.f32.msk $0xffff, v0;
	s18 =	sshra.s32 s7, $0x2  }
0x18e: {  	v0 =	vld [tilespmem:s18+$0x69F0];
	p1 =	slt.u32 s5, $0xC0  }
0x18f: {  	v1 =	vld [tilespmem:s18+$0x6800]  }
0x190: {  	v2 =	vld [tilespmem:s18+$0x6810]  }
0x191: {  	v3 =	vld [tilespmem:s18+$0x6820]  }
0x192: {  	v4 =	vld [tilespmem:s18+$0x6830]  }
0x193: {  	[tilespmem:s18+$0xFFF0] =	vst.add.f32.msk $0xffff, v0  }
0x194: {  	v5 =	vld [tilespmem:s18+$0x6840]  }
0x195: {  	v6 =	vld [tilespmem:s18+$0x6850]  }
0x196: {  	v7 =	vld [tilespmem:s18+$0x6860]  }
0x197: {  	v8 =	vld [tilespmem:s18+$0x6870]  }
0x198: {  	v9 =	vld [tilespmem:s18+$0x6880]  }
0x199: {  	v10 =	vld [tilespmem:s18+$0x6890]  }
0x19a: {  	v11 =	vld [tilespmem:s18+$0x68A0]  }
0x19b: {  	v12 =	vld [tilespmem:s18+$0x68B0]  }
0x19c: {  	v13 =	vld [tilespmem:s18+$0x68C0]  }
0x19d: {  	v14 =	vld [tilespmem:s18+$0x68D0]  }
0x19e: {  	v15 =	vld [tilespmem:s18+$0x68E0]  }
0x19f: {  	v16 =	vld [tilespmem:s18+$0x68F0]  }
0x1a0: {  	v17 =	vld [tilespmem:s18+$0x6900]  }
0x1a1: {  	v18 =	vld [tilespmem:s18+$0x6910]  }
0x1a2: {  	v19 =	vld [tilespmem:s18+$0x6920]  }
0x1a3: {  	v20 =	vld [tilespmem:s18+$0x6930]  }
0x1a4: {  	v21 =	vld [tilespmem:s18+$0x6940]  }
0x1a5: {  	v22 =	vld [tilespmem:s18+$0x6950]  }
0x1a6: {  	v23 =	vld [tilespmem:s18+$0x6960]  }
0x1a7: {  	v24 =	vld [tilespmem:s18+$0x6970]  }
0x1a8: {  	v25 =	vld [tilespmem:s18+$0x6980]  }
0x1a9: {  	v26 =	vld [tilespmem:s18+$0x6990]  }
0x1aa: {  	v27 =	vld [tilespmem:s18+$0x69A0]  }
0x1ab: {  	v28 =	vld [tilespmem:s18+$0x69B0]  }
0x1ac: {  	v29 =	vld [tilespmem:s18+$0x69C0]  }
0x1ad: {  	v30 =	vld [tilespmem:s18+$0x69D0]  }
0x1ae: {  	v0 =	vld [tilespmem:s18+$0x69E0]  }
0x1af: {  	[tilespmem:s18+$0xFE00] =	vst.add.f32.msk $0xffff, v1  }
0x1b0: {  	[tilespmem:s18+$0xFE10] =	vst.add.f32.msk $0xffff, v2  }
0x1b1: {  	[tilespmem:s18+$0xFE20] =	vst.add.f32.msk $0xffff, v3  }
0x1b2: {  	[tilespmem:s18+$0xFE30] =	vst.add.f32.msk $0xffff, v4  }
0x1b3: {  	[tilespmem:s18+$0xFE40] =	vst.add.f32.msk $0xffff, v5  }
0x1b4: {  	[tilespmem:s18+$0xFE50] =	vst.add.f32.msk $0xffff, v6  }
0x1b5: {  	[tilespmem:s18+$0xFE60] =	vst.add.f32.msk $0xffff, v7  }
0x1b6: {  	[tilespmem:s18+$0xFE70] =	vst.add.f32.msk $0xffff, v8  }
0x1b7: {  	[tilespmem:s18+$0xFE80] =	vst.add.f32.msk $0xffff, v9  }
0x1b8: {  	[tilespmem:s18+$0xFE90] =	vst.add.f32.msk $0xffff, v10  }
0x1b9: {  	[tilespmem:s18+$0xFEA0] =	vst.add.f32.msk $0xffff, v11  }
0x1ba: {  	[tilespmem:s18+$0xFEB0] =	vst.add.f32.msk $0xffff, v12  }
0x1bb: {  	[tilespmem:s18+$0xFEC0] =	vst.add.f32.msk $0xffff, v13  }
0x1bc: {  	[tilespmem:s18+$0xFED0] =	vst.add.f32.msk $0xffff, v14  }
0x1bd: {  	[tilespmem:s18+$0xFEE0] =	vst.add.f32.msk $0xffff, v15  }
0x1be: {  	[tilespmem:s18+$0xFEF0] =	vst.add.f32.msk $0xffff, v16  }
0x1bf: {  	[tilespmem:s18+$0xFF00] =	vst.add.f32.msk $0xffff, v17  }
0x1c0: {  	[tilespmem:s18+$0xFF10] =	vst.add.f32.msk $0xffff, v18  }
0x1c1: {  	[tilespmem:s18+$0xFF20] =	vst.add.f32.msk $0xffff, v19  }
0x1c2: {  	[tilespmem:s18+$0xFF30] =	vst.add.f32.msk $0xffff, v20  }
0x1c3: {  	[tilespmem:s18+$0xFF40] =	vst.add.f32.msk $0xffff, v21  }
0x1c4: {  	[tilespmem:s18+$0xFF50] =	vst.add.f32.msk $0xffff, v22  }
0x1c5: {  	[tilespmem:s18+$0xFF60] =	vst.add.f32.msk $0xffff, v23  }
0x1c6: {  	[tilespmem:s18+$0xFF70] =	vst.add.f32.msk $0xffff, v24  }
0x1c7: {  	[tilespmem:s18+$0xFF80] =	vst.add.f32.msk $0xffff, v25  }
.Ltmp2:
0x1c8: {  	[tilespmem:s18+$0xFF90] =	vst.add.f32.msk $0xffff, v26;
	(pc) =	sbr.rel @p1 .LBB2_7-.Ltmp2, $4  }
0x1c9: {  	[tilespmem:s18+$0xFFA0] =	vst.add.f32.msk $0xffff, v27  }
0x1ca: {  	[tilespmem:s18+$0xFFB0] =	vst.add.f32.msk $0xffff, v28  }
0x1cb: {  	[tilespmem:s18+$0xFFC0] =	vst.add.f32.msk $0xffff, v29  }
0x1cc: {  	s7 =	sadd.s32 $0x800, s7;
	[tilespmem:s18+$0xFFD0] =	vst.add.f32.msk $0xffff, v30  }
0x1cd: {  	s5 =	sadd.s32 s3, s15  }
0x1ce: {  	s5 =	smul.u32 $0xC80, s5;
	_ =	sdelay $0x1  }
0x1cf: {  	[tilespmem:s18+$0xFFE0] =	vst.add.f32.msk $0xffff, v0;
	s5 =	sadd.s32 s6, s5  }
0x1d0: {  	[hbm4b:s5+s22] =	stream.strided.scatter [tilespmem:s19], [sflag:$0x7], $0x3200, s23, s22, $0x38;
	[tilespmem:$0x16200] =	vst v63  }
0x1d1: {  	s5 =	simm.s32 @!p0 $0x6  }
0x1d2: {  	_ =	swait.ge @!p0 [sflag:s5], $0x3200  }
0x1d3: {  	s7 =	simm.s32 @!p0 $0x64;
	[sflag:s5] =	ssyncset.done @!p0 $0x0  }
0x1d4: {  	s15 =	simm.s32 @!p0 $0xCC00;
	[sflag:s5] =	ssyncadd.s32 @!p0 $0xFFFFCE00;
	s5 =	sadd.s32 @!p0 $0x410, s17  }
0x1d5: {  	[tilespmem:s15], [sflag:$0x2] =	stream.indirect.gather @!p0 [hbm4b:s4+s7], $0x40, s5, s7, $0xb8;
	[tilespmem:$0x16200] =	vst v63  }
0x1d6: {  	s5 =	sadd.s32 @!p0 $0x478, s17;
	s15 =	simm.s32 @!p0 $0xE500  }
0x1d7: {  	[tilespmem:s15], [sflag:$0x2] =	stream.indirect.gather @!p0 [hbm4b:s4+s7], $0x40, s5, s7, $0xb8;
	[tilespmem:$0x16200] =	vst v63  }
0x1d8: {  	_ =	swait.ge [sflag:s29], $0x1900  }
0x1d9: {  	[sflag:s29] =	ssyncset.done $0x0  }
0x1da: {  	[sflag:s29] =	ssyncadd.s32 $0xFFFFE700  }
0x1db: {  	_ =	swait.ge [sflag:s29], $0x1900  }
0x1dc: {  	[sflag:s29] =	ssyncset.done $0x0  }
0x1dd: {  	s15 =	simm.s32 $0x0;
	[sflag:s29] =	ssyncadd.s32 $0xFFFFE700  }
0x1de: {  	v0 =	vld [tilespmem:s15+$0x69F0]  }
0x1df: {  	v1 =	vld [tilespmem:s15+$0x6800]  }
0x1e0: {  	v2 =	vld [tilespmem:s15+$0x6810]  }
0x1e1: {  	v3 =	vld [tilespmem:s15+$0x6820]  }
0x1e2: {  	v4 =	vld [tilespmem:s15+$0x6830]  }
0x1e3: {  	v5 =	vld [tilespmem:s15+$0x6840]  }
0x1e4: {  	v6 =	vld [tilespmem:s15+$0x6850]  }
0x1e5: {  	v7 =	vld [tilespmem:s15+$0x6860]  }
0x1e6: {  	v8 =	vld [tilespmem:s15+$0x6870]  }
0x1e7: {  	v9 =	vld [tilespmem:s15+$0x6880]  }
0x1e8: {  	v10 =	vld [tilespmem:s15+$0x6890]  }
0x1e9: {  	v11 =	vld [tilespmem:s15+$0x68A0]  }
0x1ea: {  	v12 =	vld [tilespmem:s15+$0x68B0]  }
0x1eb: {  	v13 =	vld [tilespmem:s15+$0x68C0]  }
0x1ec: {  	v14 =	vld [tilespmem:s15+$0x68D0]  }
0x1ed: {  	v15 =	vld [tilespmem:s15+$0x68E0]  }
0x1ee: {  	v16 =	vld [tilespmem:s15+$0x68F0]  }
0x1ef: {  	v17 =	vld [tilespmem:s15+$0x6900]  }
0x1f0: {  	v18 =	vld [tilespmem:s15+$0x6910]  }
0x1f1: {  	v19 =	vld [tilespmem:s15+$0x6920]  }
0x1f2: {  	v20 =	vld [tilespmem:s15+$0x6930]  }
0x1f3: {  	v21 =	vld [tilespmem:s15+$0x6940]  }
0x1f4: {  	v22 =	vld [tilespmem:s15+$0x6950]  }
0x1f5: {  	v23 =	vld [tilespmem:s15+$0x6960]  }
0x1f6: {  	v24 =	vld [tilespmem:s15+$0x6970]  }
0x1f7: {  	v25 =	vld [tilespmem:s15+$0x6980]  }
0x1f8: {  	v26 =	vld [tilespmem:s15+$0x6990]  }
0x1f9: {  	v27 =	vld [tilespmem:s15+$0x69A0]  }
0x1fa: {  	v28 =	vld [tilespmem:s15+$0x69B0]  }
0x1fb: {  	v29 =	vld [tilespmem:s15+$0x69C0]  }
0x1fc: {  	v30 =	vld [tilespmem:s15+$0x69D0]  }
0x1fd: {  	[tilespmem:s15+$0x131F0] =	vst.add.f32.msk $0xffff, v0  }
0x1fe: {  	v0 =	vld [tilespmem:s15+$0x69E0]  }
0x1ff: {  	[tilespmem:s15+$0x13000] =	vst.add.f32.msk $0xffff, v1  }
0x200: {  	[tilespmem:s15+$0x13010] =	vst.add.f32.msk $0xffff, v2  }
0x201: {  	[tilespmem:s15+$0x13020] =	vst.add.f32.msk $0xffff, v3  }
0x202: {  	[tilespmem:s15+$0x13030] =	vst.add.f32.msk $0xffff, v4  }
0x203: {  	[tilespmem:s15+$0x13040] =	vst.add.f32.msk $0xffff, v5  }
0x204: {  	[tilespmem:s15+$0x13050] =	vst.add.f32.msk $0xffff, v6  }
0x205: {  	[tilespmem:s15+$0x13060] =	vst.add.f32.msk $0xffff, v7  }
0x206: {  	[tilespmem:s15+$0x13070] =	vst.add.f32.msk $0xffff, v8  }
0x207: {  	[tilespmem:s15+$0x13080] =	vst.add.f32.msk $0xffff, v9  }
0x208: {  	[tilespmem:s15+$0x13090] =	vst.add.f32.msk $0xffff, v10  }
0x209: {  	[tilespmem:s15+$0x130A0] =	vst.add.f32.msk $0xffff, v11  }
0x20a: {  	[tilespmem:s15+$0x130B0] =	vst.add.f32.msk $0xffff, v12  }
0x20b: {  	[tilespmem:s15+$0x130C0] =	vst.add.f32.msk $0xffff, v13  }
0x20c: {  	[tilespmem:s15+$0x130D0] =	vst.add.f32.msk $0xffff, v14  }
0x20d: {  	[tilespmem:s15+$0x130E0] =	vst.add.f32.msk $0xffff, v15  }
0x20e: {  	[tilespmem:s15+$0x130F0] =	vst.add.f32.msk $0xffff, v16  }
0x20f: {  	[tilespmem:s15+$0x13100] =	vst.add.f32.msk $0xffff, v17  }
0x210: {  	[tilespmem:s15+$0x13110] =	vst.add.f32.msk $0xffff, v18  }
0x211: {  	[tilespmem:s15+$0x13120] =	vst.add.f32.msk $0xffff, v19  }
0x212: {  	[tilespmem:s15+$0x13130] =	vst.add.f32.msk $0xffff, v20  }
0x213: {  	[tilespmem:s15+$0x13140] =	vst.add.f32.msk $0xffff, v21  }
0x214: {  	[tilespmem:s15+$0x13150] =	vst.add.f32.msk $0xffff, v22  }
0x215: {  	[tilespmem:s15+$0x13160] =	vst.add.f32.msk $0xffff, v23  }
0x216: {  	[tilespmem:s15+$0x13170] =	vst.add.f32.msk $0xffff, v24  }
0x217: {  	[tilespmem:s15+$0x13180] =	vst.add.f32.msk $0xffff, v25  }
0x218: {  	[tilespmem:s15+$0x13190] =	vst.add.f32.msk $0xffff, v26  }
0x219: {  	[tilespmem:s15+$0x131A0] =	vst.add.f32.msk $0xffff, v27  }
0x21a: {  	[tilespmem:s15+$0x131B0] =	vst.add.f32.msk $0xffff, v28  }
0x21b: {  	[tilespmem:s15+$0x131C0] =	vst.add.f32.msk $0xffff, v29  }
0x21c: {  	s5 =	simm.s32 $0x0;
	s7 =	simm.s32 $0x800;
	[tilespmem:s15+$0x131D0] =	vst.add.f32.msk $0xffff, v30  }
.LBB2_9:
0x21d: {  	s5 =	sadd.s32 $0x8, s5;
	[tilespmem:s15+$0x131E0] =	vst.add.f32.msk $0xffff, v0;
	s15 =	sshra.s32 s7, $0x2  }
0x21e: {  	v0 =	vld [tilespmem:s15+$0x69F0];
	p0 =	slt.u32 s5, $0xC0  }
0x21f: {  	v1 =	vld [tilespmem:s15+$0x6800]  }
0x220: {  	v2 =	vld [tilespmem:s15+$0x6810]  }
0x221: {  	v3 =	vld [tilespmem:s15+$0x6820]  }
0x222: {  	v4 =	vld [tilespmem:s15+$0x6830]  }
0x223: {  	[tilespmem:s15+$0x131F0] =	vst.add.f32.msk $0xffff, v0  }
0x224: {  	v5 =	vld [tilespmem:s15+$0x6840]  }
0x225: {  	v6 =	vld [tilespmem:s15+$0x6850]  }
0x226: {  	v7 =	vld [tilespmem:s15+$0x6860]  }
0x227: {  	v8 =	vld [tilespmem:s15+$0x6870]  }
0x228: {  	v9 =	vld [tilespmem:s15+$0x6880]  }
0x229: {  	v10 =	vld [tilespmem:s15+$0x6890]  }
0x22a: {  	v11 =	vld [tilespmem:s15+$0x68A0]  }
0x22b: {  	v12 =	vld [tilespmem:s15+$0x68B0]  }
0x22c: {  	v13 =	vld [tilespmem:s15+$0x68C0]  }
0x22d: {  	v14 =	vld [tilespmem:s15+$0x68D0]  }
0x22e: {  	v15 =	vld [tilespmem:s15+$0x68E0]  }
0x22f: {  	v16 =	vld [tilespmem:s15+$0x68F0]  }
0x230: {  	v17 =	vld [tilespmem:s15+$0x6900]  }
0x231: {  	v18 =	vld [tilespmem:s15+$0x6910]  }
0x232: {  	v19 =	vld [tilespmem:s15+$0x6920]  }
0x233: {  	v20 =	vld [tilespmem:s15+$0x6930]  }
0x234: {  	v21 =	vld [tilespmem:s15+$0x6940]  }
0x235: {  	v22 =	vld [tilespmem:s15+$0x6950]  }
0x236: {  	v23 =	vld [tilespmem:s15+$0x6960]  }
0x237: {  	v24 =	vld [tilespmem:s15+$0x6970]  }
0x238: {  	v25 =	vld [tilespmem:s15+$0x6980]  }
0x239: {  	v26 =	vld [tilespmem:s15+$0x6990]  }
0x23a: {  	v27 =	vld [tilespmem:s15+$0x69A0]  }
0x23b: {  	v28 =	vld [tilespmem:s15+$0x69B0]  }
0x23c: {  	v29 =	vld [tilespmem:s15+$0x69C0]  }
0x23d: {  	v30 =	vld [tilespmem:s15+$0x69D0]  }
0x23e: {  	v0 =	vld [tilespmem:s15+$0x69E0]  }
0x23f: {  	[tilespmem:s15+$0x13000] =	vst.add.f32.msk $0xffff, v1  }
0x240: {  	[tilespmem:s15+$0x13010] =	vst.add.f32.msk $0xffff, v2  }
0x241: {  	[tilespmem:s15+$0x13020] =	vst.add.f32.msk $0xffff, v3  }
0x242: {  	[tilespmem:s15+$0x13030] =	vst.add.f32.msk $0xffff, v4  }
0x243: {  	[tilespmem:s15+$0x13040] =	vst.add.f32.msk $0xffff, v5  }
0x244: {  	[tilespmem:s15+$0x13050] =	vst.add.f32.msk $0xffff, v6  }
0x245: {  	[tilespmem:s15+$0x13060] =	vst.add.f32.msk $0xffff, v7  }
0x246: {  	[tilespmem:s15+$0x13070] =	vst.add.f32.msk $0xffff, v8  }
0x247: {  	[tilespmem:s15+$0x13080] =	vst.add.f32.msk $0xffff, v9  }
0x248: {  	[tilespmem:s15+$0x13090] =	vst.add.f32.msk $0xffff, v10  }
0x249: {  	[tilespmem:s15+$0x130A0] =	vst.add.f32.msk $0xffff, v11  }
0x24a: {  	[tilespmem:s15+$0x130B0] =	vst.add.f32.msk $0xffff, v12  }
0x24b: {  	[tilespmem:s15+$0x130C0] =	vst.add.f32.msk $0xffff, v13  }
0x24c: {  	[tilespmem:s15+$0x130D0] =	vst.add.f32.msk $0xffff, v14  }
0x24d: {  	[tilespmem:s15+$0x130E0] =	vst.add.f32.msk $0xffff, v15  }
0x24e: {  	[tilespmem:s15+$0x130F0] =	vst.add.f32.msk $0xffff, v16  }
0x24f: {  	[tilespmem:s15+$0x13100] =	vst.add.f32.msk $0xffff, v17  }
0x250: {  	[tilespmem:s15+$0x13110] =	vst.add.f32.msk $0xffff, v18  }
0x251: {  	[tilespmem:s15+$0x13120] =	vst.add.f32.msk $0xffff, v19  }
0x252: {  	[tilespmem:s15+$0x13130] =	vst.add.f32.msk $0xffff, v20  }
0x253: {  	[tilespmem:s15+$0x13140] =	vst.add.f32.msk $0xffff, v21  }
0x254: {  	[tilespmem:s15+$0x13150] =	vst.add.f32.msk $0xffff, v22  }
0x255: {  	[tilespmem:s15+$0x13160] =	vst.add.f32.msk $0xffff, v23  }
0x256: {  	[tilespmem:s15+$0x13170] =	vst.add.f32.msk $0xffff, v24  }
0x257: {  	[tilespmem:s15+$0x13180] =	vst.add.f32.msk $0xffff, v25  }
.Ltmp3:
0x258: {  	[tilespmem:s15+$0x13190] =	vst.add.f32.msk $0xffff, v26;
	(pc) =	sbr.rel @p0 .LBB2_9-.Ltmp3, $4  }
0x259: {  	[tilespmem:s15+$0x131A0] =	vst.add.f32.msk $0xffff, v27  }
0x25a: {  	[tilespmem:s15+$0x131B0] =	vst.add.f32.msk $0xffff, v28  }
0x25b: {  	[tilespmem:s15+$0x131C0] =	vst.add.f32.msk $0xffff, v29  }
0x25c: {  	s7 =	sadd.s32 $0x800, s7;
	[tilespmem:s15+$0x131D0] =	vst.add.f32.msk $0xffff, v30  }
0x25d: {  	s13 =	sadd.s32 $0x1, s13  }
0x25e: {  	p0 =	sne.s32 s13, $0x20  }
.Ltmp4:
0x25f: {  	s5 =	sadd.s32 s3, s14;
	(pc) =	sbr.rel @p0 .LBB2_2-.Ltmp4, $3  }
0x260: {  	s5 =	smul.u32 $0xC80, s5;
	_ =	sdelay $0x1  }
0x261: {  	[tilespmem:s15+$0x131E0] =	vst.add.f32.msk $0xffff, v0;
	s5 =	sadd.s32 s6, s5  }
0x262: {  	[hbm4b:s5+s22] =	stream.strided.scatter [tilespmem:s24], [sflag:$0x8], $0x3200, s23, s22, $0x38;
	[tilespmem:$0x16200] =	vst v63  }
0x263: {  	_ =	swait.ge [sflag:s30], $0x3200  }
0x264: {  	[sflag:s30] =	ssyncset.done $0x0  }
0x265: {  	[sflag:s30] =	ssyncadd.s32 $0xFFFFCE00  }
0x266: {  	_ =	swait.ge [sflag:s31], $0x3200  }
0x267: {  	[sflag:s31] =	ssyncset.done $0x0  }
0x268: {  	s10 =	sadd.s32 $0x1, s10;
	[sflag:s31] =	ssyncadd.s32 $0xFFFFCE00  }
0x269: {  	p0 =	sne.s32 s10, s8;
	_ =	swait.ge [sflag:s0], $0x3200  }
.Ltmp5:
0x26a: {  	[sflag:s0] =	ssyncset.done $0x0;
	(pc) =	sbr.rel @p0 .LBB2_1-.Ltmp5, $4  }
0x26b: {  	[sflag:s0] =	ssyncadd.s32 $0xFFFFCE00  }
0x26c: {  	_ =	swait.ge [sflag:s1], $0x3200  }
0x26d: {  	[sflag:s1] =	ssyncset.done $0x0  }
0x26e: {  	[sflag:s1] =	ssyncadd.s32 $0xFFFFCE00  }
0x26f: {  	_ =	sfence.sel $0x180000  }
0x270: {  	[bflag:$0x0] =	sbarrier.arrive $0xFFFF  }
0x271: {  	_ =	strace $0x90000047  }
0x272: {  	s0 =	stileid.u32;
	[bflag:$0x2] =	sbarrier.arrive $0xFFFF  }
0x273: {  	p0 =	sne.s32 s0, $0x0;
	s0 =	rddreg [dreg:$0x2]  }
0x274: {  	s0 =	sadd.s32 @!p0 $0x100000, s0  }
0x275: {  	[sflag:s0] =	ssyncadd.tile.s32 @!p0 $0x1;
	_ =	shalt  }
.Lfunc_end2:
_tile_overlayer_lowered:
.L_overlay_start_2:
0x276: {  	(tag) =	ssettag $0x2  }
0x277: {  	s0 =	rddreg [dreg:$0x0];
	s2 =	stileid.u32  }
0x278: {  	s1 =	rddreg [dreg:$0x1];
	p0 =	sne.s32 s2, $0x0  }
0x279: {  	s3 =	rddreg [dreg:$0x2];
	[bflag:$0x3] =	sbarrier.arrive $0xFFFF;
	s2 =	simm.s32 @!p0 $0x1C09  }
0x27a: {  	[timem:s3], [sflag:s2] =	dma.local @!p0 [hbm:s0], s1  }
0x27b: {  	s0 =	simm.s32 @!p0 $0x9  }
0x27c: {  	_ =	swait.ge @!p0 [sflag:s0], s1  }
0x27d: {  	s1 =	ssub.s32 @!p0 $0x0, s1;
	[sflag:s0] =	ssyncset.done @!p0 $0x0  }
0x27e: {  	[sflag:s0] =	ssyncadd.s32 @!p0 s1  }
0x27f: {  	[bflag:$0x3] =	sbarrier.arrive $0xFFFF  }
0x280: {  	_ =	shalt  }

// kernel: sparse-core-data-format-call.cloned.1.call-start
scs
called_computation_lowered:
.L_overlay_start_0:
0x0: {  	s2 =	sld [smem:$0x3FD9]  }
0x1: {  	s3 =	sld [smem:$0x3FFE];
	_ =	sdelay $0x1  }
0x2: {  	s1 =	srdreg.scid  }
0x3: {  	s0 =	sand.u32 $0x1, s1  }
0x4: {  	s18 =	sshll.u32 s0, $0xA;
	s2 =	sadd.s32 s3, s2  }
0x5: {  	s2 =	sadd.s32 s2, s18  }
0x6: {  	[smem:$0x3FC5] =	sst s2  }
0x7: {  	_ = 	snop  }
0x8: {  	s2 =	sld [smem:$0x3FD0];
	(tm) =	ssettm $0x1  }
0x9: {  	s19 =	sld [smem:$0x3FFB];
	_ =	sdelay $0x3  }
0xa: {  	_ =	strace s19  }
0xb: {  	s3 =	sld [smem:$0x3FFC];
	_ =	sdelay $0x3  }
0xc: {  	_ =	strace s3  }
0xd: {  	s3 =	sld [smem:$0x3FFD];
	_ =	sdelay $0x3  }
0xe: {  	_ =	strace s3  }
0xf: {  	_ =	strace $0x8FFFFFFF  }
0x10: {  	s20 =	sld [smem:$0x3FDB];
	_ =	sdelay $0x1  }
0x11: {  	s4 =	simm.s32 $_scs_section_size  }
0x12: {  	s5 =	simm.s32 $_size__tile_overlayer_lowered;
	s6 =	simm.s32 $_tile_overlayer_lowered  }
0x13: {  	s23 =	simm.s32 $0x1BFF;
	s22 =	sshll.u32 s6, $0x1;
	s3 =	sadd.s32 s4, s20  }
0x14: {  	s7 =	simm.s32 $0x0;
	s21 =	sshll.u32 s5, $0x1;
	s5 =	sadd.s32 s22, s3  }
0x15: {  	[timem:s7], [sflag:s23] =	dma.local [hbm:s5], s21  }
0x16: {  	_ =	swait.ge [sflag:s23], s21  }
0x17: {  	s4 =	ssub.s32 $0x0, s21;
	[sflag:s23] =	ssyncset.done $0x0  }
0x18: {  	[sflag:s23] =	ssyncadd.s32 s4;
	_ =	sdelay $0x1  }
0x19: {  	s24 =	simm.s32 $0x1B8B  }
0x1a: {  	_ =	swait.ge [sflag:s24], $0x1  }
0x1b: {  	[sflag:s24] =	ssyncset.done $0x0  }
0x1c: {  	s26 =	simm.s32 $0x1B8E;
	s25 =	sld [smem:$0x3FFE];
	[sflag:s24] =	ssyncadd.s32 $0xFFFFFFFF  }
0x1d: {  	s27 =	simm.s32 $execute0_lowered;
	[smem:$0x3FD2] =	sst s26  }
0x1e: {  	s5 =	sshll.u32 s27, $0x1;
	_ =	strace $0x80000049;
	[dreg:$0x1] =	wrdreg $0xFFFFFFFF  }
0x1f: {  	s28 =	simm.s32 $_size_execute0_lowered;
	s3 =	sadd.s32 s3, s5;
	[dreg:$0x0] =	wrdreg $0x0  }
0x20: {  	s5 =	sshll.u32 s28, $0x1;
	[dreg:$0x2] =	wrdreg s3  }
0x21: {  	[dreg:$0x3] =	wrdreg s5  }
0x22: {  	[dreg:$0x4] =	wrdreg $0xC0  }
0x23: {  	_ =	task [dreg:s7], $0x5FFFF  }
0x24: {  	[dreg:$0x1] =	wrdreg $0xFFFFFFFF  }
0x25: {  	[dreg:$0x0] =	wrdreg $0x60  }
0x26: {  	[dreg:$0x2] =	wrdreg s25  }
0x27: {  	[dreg:$0x3] =	wrdreg s2  }
0x28: {  	[dreg:$0x4] =	wrdreg $0x9  }
0x29: {  	_ =	task.clear_ibuf [dreg:s7], $0x5FFFF;
	_ =	strace $0x90000049  }
0x2a: {  	s29 =	simm.s32 $0x9;
	_ =	strace $0x8000004B  }
0x2b: {  	_ =	swait.ge [sflag:s29], $0x1  }
0x2c: {  	[sflag:s29] =	ssyncadd.s32 $0xFFFFFFFF  }
0x2d: {  	_ =	strace $0x9000004B  }
0x2e: {  	_ =	sfence  }
0x2f: {  	s30 =	sld [smem:$0x0];
	_ =	sdelay $0x2  }
0x30: {  	s31 =	sshll.u32 s1, $0xD;
	s1 =	sshrl.u32 s1, $0x2  }
0x31: {  	s3 =	sand.u32 $0x4000, s31;
	s1 =	sadd.s32 s1, s30  }
0x32: {  	s0 =	sor.u32 s3, s0;
	s1 =	sshll.u32 s1, $0x11  }
0x33: {  	s0 =	sor.u32 s1, s0  }
0x34: {  	s0 =	sadd.s32 $0x8F2B, s0  }
0x35: {  	[sflag:s0] =	ssyncadd.remote.s32 $0x1  }
0x36: {  	_ =	sfence.sel $0xFFFF  }
0x37: {  	[dreg:$0x0] =	wrdreg $0xFFFFFFFF;
	(pc) =	sbr.abs _section_cstart, $3  }
0x38: {  	[dreg:$0x1] =	wrdreg $0xFFFFFFFF  }
0x39: {  	_ =	task.clear_ibuf [dreg:s7], $0x2FFFF;
	_ =	strace $0x9FFFFFFF  }
0x3a: {  	(tm) =	ssettm $0x7FFFFFFF  }
0x3b: {  	_ =	shalt  }
tec
execute0_lowered:
.L_overlay_start_1:
0x0: {  	(tag) =	ssettag $0x1  }
0x1: {  	s0 =	srdreg.scid  }
0x2: {  	s1 =	sshll.u32 s0, $0x4  }
0x3: {  	s0 =	stileid.u32;
	s1 =	sand.u32 $0x10, s1  }
0x4: {  	s1 =	sor.u32 s0, s1  }
0x5: {  	s6 =	rddreg [dreg:$0x0];
	s4 =	simm.s32 $0x1;
	s2 =	sshll.u32 s1, $0x7  }
0x6: {  	s7 =	simm.s32 $0x2;
	s12 =	simm.s32 $0x0;
	s1 =	ssub.s32 $0x1000, s2  }
0x7: {  	s8 =	simm.s32 $0x8000;
	s13 =	simm.s32 $0x0;
	s3 =	sand.u32 $0xF80, s1  }
0x8: {  	s9 =	simm.s32 $0x0;
	s5 =	sshrl.u32 s1, $0xC;
	p0 =	sne.s32 s3, $0x0  }
.Ltmp0:
0x9: {  	s1 =	rddreg [dreg:$0x2];
	s4 =	simm.s32 @!p0 $0x0;
	(pc) =	sbr.rel .LBB1_1-.Ltmp0, $4  }
0xa: {  	s11 =	simm.s32 $0x0;
	s3 =	rddreg [dreg:$0x1];
	s5 =	sadd.s32 s4, s5  }
0xb: {  	_ =	strace $0x8000004A;
	s4 =	simm.s32 $0x1;
	s5 =	smul.u32 $0xC8, s5  }
0xc: {  	s6 =	sadd.s32 $0x1400, s6;
	s10 =	smov.u32 s2;
	[sflag:s4] =	ssyncpa.u1 $0x0  }
0xd: {  	p0 =	por $0x0, $0x0;
	[sflag:s7] =	ssyncpa.u1 $0x0;
	s7 =	sor.u32 $0x1, s5  }
.LBB1_4:
0xe: {  	s16 =	sshll.u32 s13, $0x3;
	s17 =	sand.u32 $0x78, s13  }
0xf: {  	s30 =	sand.u32 $0x7E00, s13;
	s12 =	sshll.u32 s12, $0xF;
	s16 =	sand.u32 $0xC00, s16  }
0x10: {  	[tilespmem:s15+$0x810 ss:$0x81] =	vst.msk $0xffff, v2;
	s31 =	sand.u32 $0x7, s13;
	s16 =	sor.u32 s17, s16;
	s17 =	sadd.s32 s3, s30  }
0x11: {  	[tilespmem:s15+$0x1020 ss:$0x81] =	vst.msk $0xffff, v0;
	s13 =	sshll.u32 s31, $0x12;
	s12 =	sadd.s32 s12, s17;
	s16 =	sshrl.u32 s16, $0x3  }
0x12: {  	[tilespmem:s15+$0x0 ss:$0x81] =	vst.msk $0xffff, v1;
	s13 =	sor.u32 $0x400, s13;
	s12 =	sadd.s32 s16, s12  }
0x13: {  	[hbm4b:s12+s13] =	stream.strided.scatter [tilespmem:s14], [sflag:$0x2], $0x2000, s8, s13, $0x20;
	[tilespmem:$0x8080] =	vst v63  }
.LBB1_5:
0x14: {  	s14 =	sadd.s32 $0x1, s9  }
0x15: {  	s12 =	sadd.s32 $0x1000, s10;
	s16 =	smov.u32 s10;
	p2 =	sgt.s32 s14, $0xC7  }
0x16: {  	s16 =	smov.u32 @p2 s12  }
0x17: {  	s14 =	simm.s32 @p2 $0x0;
	p2 =	sgt.s32 s16, $0xFFF  }
0x18: {  	s16 =	smov.u32 @p2 s2;
	p2 =	sne.s32 s11, s7  }
.Ltmp1:
0x19: {  	p1 =	slt.u32 s11, $0x2;
	(pc) =	sbr.rel @!p2 .LBB1_6-.Ltmp1, $4  }
0x1a: {  	s15 =	simm.s32 @!p1 $0x2  }
0x1b: {  	s13 =	smov.u32 s10;
	p0 =	por !p0, !p0;
	_ =	swait.ge @!p1 [sflag:s15], $0x2000  }
0x1c: {  	s12 =	smov.u32 s9;
	[sflag:s15] =	ssyncset.done @!p1 $0x0;
	s9 =	smov.u32 s14  }
0x1d: {  	s11 =	sadd.s32 $0x1, s11;
	[sflag:s15] =	ssyncadd.s32 @!p1 $0xFFFFE000;
	s10 =	smov.u32 s16  }
.LBB1_1:
0x1e: {  	p1 =	sge.u32 s11, s5  }
0x1f: {  	s14 =	sand.u32 @!p1 $0x1FFFFFF, s9  }
0x20: {  	s15 =	smulhi.u32 @!p1 $0x147AE15, s14;
	_ =	sdelay $0x1  }
0x21: {  	s15 =	smul.u32 @!p1 $0xC8, s15  }
0x22: {  	s16 =	sxor.u32 @!p1 $0xFFFFFFFF, s11;
	s17 =	smul.u32 @!p1 $0xC80, s10  }
0x23: {  	s31 =	sadd.s32 $0xFFFFFFFF, s11;
	s16 =	sshll.u32 @!p1 s16, $0xD;
	s14 =	ssub.s32 @!p1 s14, s15  }
0x24: {  	s15 =	sand.u32 @!p1 $0x2000, s16;
	s16 =	sadd.s32 @!p1 s6, s17;
	s14 =	sshll.u32 @!p1 s14, $0x4  }
0x25: {  	s17 =	simm.s32 @!p1 $0x6400;
	s14 =	sadd.s32 @!p1 s14, s16;
	s16 =	simm.s32 @!p1 $0x40  }
0x26: {  	[tilespmem:s15], [sflag:$0x1] =	stream.strided.gather @!p1 [hbm4b:s14+s16], $0x2000, s17, s16, $0x38;
	[tilespmem:$0x8080] =	vst v63  }
0x27: {  	p1 =	sge.u32 s31, s5  }
.Ltmp2:
0x28: {  	_ = 	snop;
	(pc) =	sbr.rel @p1 .LBB1_5-.Ltmp2, $1  }
0x29: {  	_ =	sdelay $0x3  }
0x2a: {  	s14 =	simm.s32 $0x1  }
0x2b: {  	_ =	swait.ge [sflag:s4], $0x2000;
	s14 =	simm.s32 @!p0 $0x0  }
0x2c: {  	[sflag:s4] =	ssyncset.done $0x0;
	s15 =	sshll.u32 s14, $0xD  }
0x2d: {  	[sflag:s4] =	ssyncadd.s32 $0xFFFFE000;
	s18 =	sor.u32 $0x20, s15  }
0x2e: {  	s14 =	smul.u32 $0x8100, s14;
	v3 =	vld [tilespmem:s18+$0x10]  }
0x2f: {  	s30 =	sand.u32 $0x1, s11;
	v2 =	vld [tilespmem:s18+$0xFFFFFFF0]  }
0x30: {  	s15 =	smul.u32 $0x8100, s30;
	s14 =	sshrl.u32 s14, $0x2;
	v0 =	vld [tilespmem:s18+$0x0]  }
0x31: {  	v1 =	vld [tilespmem:s18+$0xFFFFFFE0];
	s16 =	sor.u32 $0x4000, s14  }
0x32: {  	s31 =	sshrl.u32 s15, $0x2;
	s15 =	sadd.s32 $0x0, s16  }
0x33: {  	s17 =	simm.s32 $0x4;
	s18 =	sadd.s32 $0x40, s18;
	s14 =	sor.u32 $0x4000, s31;
	[tilespmem:s15+$0x1830 ss:$0x81] =	vst.msk $0xffff, v3  }
.LBB1_3:
0x34: {  	v3 =	vld [tilespmem:s18+$0x10];
	p1 =	sne.s32 s17, $0x1FC;
	[tilespmem:s15+$0x810 ss:$0x81] =	vst.msk $0xffff, v2;
	s19 =	smov.u32 s17;
	s17 =	sadd.s32 $0x4, s17  }
.Ltmp3:
0x35: {  	v2 =	vld [tilespmem:s18+$0xFFFFFFF0];
	[tilespmem:s15+$0x1020 ss:$0x81] =	vst.msk $0xffff, v0;
	(pc) =	sbr.rel @p1 .LBB1_3-.Ltmp3, $4  }
0x36: {  	v0 =	vld [tilespmem:s18+$0x0];
	[tilespmem:s15+$0x0 ss:$0x81] =	vst.msk $0xffff, v1  }
0x37: {  	s15 =	sshra.s32 s19, $0x2;
	v1 =	vld [tilespmem:s18+$0xFFFFFFE0]  }
0x38: {  	s15 =	sadd.s32 s15, s16  }
0x39: {  	s18 =	sadd.s32 $0x40, s18;
	[tilespmem:s15+$0x1830 ss:$0x81] =	vst.msk $0xffff, v3  }
.Ltmp4:
0x3a: {  	_ = 	snop;
	(pc) =	sbr.rel .LBB1_4-.Ltmp4, $1  }
0x3b: {  	_ =	sdelay $0x3  }
.LBB1_6:
0x3c: {  	_ =	sfence.sel $0x180000  }
0x3d: {  	s2 =	simm.s32 $0x1;
	[bflag:$0x0] =	sbarrier.arrive $0xFFFF  }
0x3e: {  	s31 =	simm.s32 $0x2;
	[sflag:s2] =	ssyncpa.u1 $0x1  }
0x3f: {  	[sflag:s31] =	ssyncpa.u1 $0x1  }
0x40: {  	p0 =	sne.s32 s0, $0x0;
	_ =	strace $0x9000004A  }
0x41: {  	s0 =	sadd.s32 @!p0 $0x100000, s1;
	[bflag:$0x2] =	sbarrier.arrive $0xFFFF  }
0x42: {  	[sflag:s0] =	ssyncadd.tile.s32 @!p0 $0x1;
	_ =	shalt  }
.Lfunc_end1:
_tile_overlayer_lowered:
.L_overlay_start_2:
0x43: {  	(tag) =	ssettag $0x2  }
0x44: {  	s0 =	rddreg [dreg:$0x0];
	s2 =	stileid.u32  }
0x45: {  	s1 =	rddreg [dreg:$0x1];
	p0 =	sne.s32 s2, $0x0  }
0x46: {  	s3 =	rddreg [dreg:$0x2];
	[bflag:$0x3] =	sbarrier.arrive $0xFFFF;
	s2 =	simm.s32 @!p0 $0x1C01  }
0x47: {  	[timem:s3], [sflag:s2] =	dma.local @!p0 [hbm:s0], s1  }
0x48: {  	s0 =	simm.s32 @!p0 $0x1  }
0x49: {  	_ =	swait.ge @!p0 [sflag:s0], s1  }
0x4a: {  	s1 =	ssub.s32 @!p0 $0x0, s1;
	[sflag:s0] =	ssyncset.done @!p0 $0x0  }
0x4b: {  	[sflag:s0] =	ssyncadd.s32 @!p0 s1  }
0x4c: {  	[bflag:$0x3] =	sbarrier.arrive $0xFFFF  }
0x4d: {  	_ =	shalt  }

</sc_bundles>
